<compile_context>
chip_gen: v7x
topology: tpu7x:2x2x1
jax: 0.10.2.dev20260603
libtpu: 0.0.44.dev20260713+nightly
codegen_flags: <defaults>
</compile_context>

<pallas_src>
import functools

import jax
import jax.numpy as jnp
from jax import lax
from jax.experimental import pallas as pl
from jax.experimental.pallas import tpu as pltpu
from jax.experimental.pallas import tpu_sc as plsc

B = 16384
DIMS = (10, 10, 8, 8, 6, 6, 6, 6, 2, 2)
ROWS = (18, 19, 10, 11, 14, 6, 3, 9, 2, 2)
NF = len(DIMS)
D_OUT = sum(DIMS)

COL_OFF = []
_acc = 0
for _d in DIMS:
    COL_OFF.append(_acc)
    _acc += _d

FIELD_OF_COL = []
for _f, _d in enumerate(DIMS):
    FIELD_OF_COL.extend([_f] * _d)

TRANS = (True, True, True, True, True, False, False, True, False, False)

NC, NS, L = 2, 16, 16
NW = NC * NS
CHUNK = B // NW
UNROLL = 1

_mesh = plsc.VectorSubcoreMesh(core_axis_name="c", subcore_axis_name="s")


@functools.partial(
    pl.kernel,
    out_type=jax.ShapeDtypeStruct((D_OUT, B), jnp.float32),
    mesh=_mesh,
    compiler_params=pltpu.CompilerParams(
        needs_layout_passes=False, use_tc_tiling_on_sc=True),
    scratch_types=[
        pltpu.VMEM((NF, CHUNK), jnp.int32),
        pltpu.VMEM((D_OUT, CHUNK), jnp.float32),
        [pltpu.VMEM((d, n) if t else (n, d), jnp.float32)
         for n, d, t in zip(ROWS, DIMS, TRANS)],
        [pltpu.VMEM((DIMS[f], L), jnp.float32)
         for f in range(NF) if not TRANS[f]],
        pltpu.SemaphoreType.DMA,
    ],
)
def _embed_sc(i0, i1, i2, i3, i4, i5, i6, i7, i8, i9,
              t0, t1, t2, t3, t4, t5, t6, t7, t8, t9,
              out_hbm, stage_v, out_v, tbl_vs, tr_vs, sem):
    wid = lax.axis_index("s") * NC + lax.axis_index("c")
    base = wid * CHUNK

    with jax.named_scope("stage_in"):
        idx_refs = (i0, i1, i2, i3, i4, i5, i6, i7, i8, i9)
        tbl_refs = (t0, t1, t2, t3, t4, t5, t6, t7, t8, t9)
        copies = [pltpu.make_async_copy(tbl_refs[f], tbl_vs[f], sem)
                  for f in range(NF)]
        copies += [
            pltpu.make_async_copy(
                idx_refs[f].at[pl.ds(base, CHUNK)], stage_v.at[f], sem)
            for f in range(NF)
        ]
        for c in copies:
            c.start()
        for c in copies:
            c.wait()

    with jax.named_scope("transpose_small"):
        iota = lax.iota(jnp.int32, L)
        k = 0
        tcol = []
        for f in range(NF):
            if TRANS[f]:
                tcol.append(tbl_vs[f])
                continue
            mask = iota < ROWS[f]
            for j in range(DIMS[f]):
                jsplat = jnp.broadcast_to(jnp.int32(j), (L,))
                col = plsc.load_gather(tbl_vs[f], [iota, jsplat],
                                       mask=mask)
                tr_vs[k][j, pl.ds(0, L)] = col
            tcol.append(tr_vs[k])
            k += 1

    with jax.named_scope("col_loop"):
        @plsc.parallel_loop(0, CHUNK // L, unroll=UNROLL)
        def _grp_loop(g):
            r0 = g * L
            raws = [stage_v[f, pl.ds(r0, L)] for f in range(NF)]
            for c in range(D_OUT):
                f = FIELD_OF_COL[c]
                j = c - COL_OFF[f]
                jsplat = jnp.broadcast_to(jnp.int32(j), (L,))
                vals = plsc.load_gather(tcol[f], [jsplat, raws[f]])
                out_v[c, pl.ds(r0, L)] = vals

    with jax.named_scope("write_out"):
        pltpu.sync_copy(out_v, out_hbm.at[:, pl.ds(base, CHUNK)])


def kernel(type1, type2, primary_color, secondary_color, shape, size,
           evolution_stage, habitat, legendary, mythical,
           type1_table, type2_table, primary_color_table,
           secondary_color_table, shape_table, size_table,
           evolution_stage_table, habitat_table, legendary_table,
           mythical_table):
    idxs = [x.astype(jnp.int32) for x in
            (type1, type2, primary_color, secondary_color, shape, size,
             evolution_stage, habitat, legendary, mythical)]
    tables = (type1_table, type2_table, primary_color_table,
              secondary_color_table, shape_table, size_table,
              evolution_stage_table, habitat_table, legendary_table,
              mythical_table)
    out_t = _embed_sc(*idxs, *[t.T if tr else t
                               for t, tr in zip(tables, TRANS)])
    return out_t.T

# --- scband reference (transcript-rebuilt; emitter-appended) ---
"""Pipeline reference for scband-category-embedder-9302899163684 (READ-ONLY COPY).

The authoritative reference and input builder live on the scoring server;
editing this copy changes nothing except your own understanding.
"""

import jax, jax.numpy as jnp
import numpy as np

B = 16384
IDX_SPECS = [("type1", 18), ("type2", 19), ("primary_color", 10), ("secondary_color", 11), ("shape", 14), ("size", 6), ("evolution_stage", 3), ("habitat", 9), ("legendary", 2), ("mythical", 2)]
TBL_SPECS = [("type1_table", 18, 10), ("type2_table", 19, 10), ("primary_color_table", 10, 8), ("secondary_color_table", 11, 8), ("shape_table", 14, 6), ("size_table", 6, 6), ("evolution_stage_table", 3, 6), ("habitat_table", 9, 6), ("legendary_table", 2, 2), ("mythical_table", 2, 2)]


def setup_inputs(seed: int = 0) -> dict:
    key = jax.random.key(seed)
    ks = jax.random.split(key, 20)
    inp = {}
    for i, (name, hi) in enumerate(IDX_SPECS):
        inp[name] = jax.random.randint(ks[i], (B,), 0, hi)
    for j, (name, n, d) in enumerate(TBL_SPECS):
        inp[name] = jax.random.normal(ks[10 + j], (n, d), dtype=jnp.float32) * 0.05
    return inp


def reference(type1, type2, primary_color, secondary_color, shape, size, evolution_stage, habitat, legendary, mythical, type1_table, type2_table, primary_color_table, secondary_color_table, shape_table, size_table, evolution_stage_table, habitat_table, legendary_table, mythical_table):
    type1_emb = jnp.take(type1_table, type1, axis=0)
    type2_emb = jnp.take(type2_table, type2, axis=0)
    primary_color_emb = jnp.take(primary_color_table, primary_color, axis=0)
    secondary_color_emb = jnp.take(secondary_color_table, secondary_color, axis=0)
    shape_emb = jnp.take(shape_table, shape, axis=0)
    size_emb = jnp.take(size_table, size, axis=0)
    evolution_stage_emb = jnp.take(evolution_stage_table, evolution_stage, axis=0)
    habitat_emb = jnp.take(habitat_table, habitat, axis=0)
    legendary_emb = jnp.take(legendary_table, legendary, axis=0)
    mythical_emb = jnp.take(mythical_table, mythical, axis=0)
    return jnp.concatenate([type1_emb, type2_emb, primary_color_emb, secondary_color_emb, shape_emb, size_emb, evolution_stage_emb, habitat_emb, legendary_emb, mythical_emb], axis=1)

if __name__ == "__main__":
    import jax
    _d = setup_inputs()
    print(jax.jit(kernel)(*tuple(_d.values())))

</pallas_src>

<mosaic_0001>
#map = affine_map<(d0, d1) -> (0)>
#map1 = affine_map<(d0, d1) -> (0, 0)>
module attributes {stable_mosaic.version = 14 : i64} {
  func.func @_embed_sc(%arg0: i32, %arg1: i32, %arg2: memref<16384xi32, #tpu.memory_space<hbm>>, %arg3: memref<16384xi32, #tpu.memory_space<hbm>>, %arg4: memref<16384xi32, #tpu.memory_space<hbm>>, %arg5: memref<16384xi32, #tpu.memory_space<hbm>>, %arg6: memref<16384xi32, #tpu.memory_space<hbm>>, %arg7: memref<16384xi32, #tpu.memory_space<hbm>>, %arg8: memref<16384xi32, #tpu.memory_space<hbm>>, %arg9: memref<16384xi32, #tpu.memory_space<hbm>>, %arg10: memref<16384xi32, #tpu.memory_space<hbm>>, %arg11: memref<16384xi32, #tpu.memory_space<hbm>>, %arg12: memref<10x18xf32, #tpu.memory_space<hbm>>, %arg13: memref<10x19xf32, #tpu.memory_space<hbm>>, %arg14: memref<8x10xf32, #tpu.memory_space<hbm>>, %arg15: memref<8x11xf32, #tpu.memory_space<hbm>>, %arg16: memref<6x14xf32, #tpu.memory_space<hbm>>, %arg17: memref<6x6xf32, #tpu.memory_space<hbm>>, %arg18: memref<3x6xf32, #tpu.memory_space<hbm>>, %arg19: memref<6x9xf32, #tpu.memory_space<hbm>>, %arg20: memref<2x2xf32, #tpu.memory_space<hbm>>, %arg21: memref<2x2xf32, #tpu.memory_space<hbm>>, %arg22: memref<64x16384xf32, #tpu.memory_space<hbm>>, %arg23: memref<10x512xi32, #tpu.memory_space<vmem>>, %arg24: memref<64x512xf32, #tpu.memory_space<vmem>>, %arg25: memref<10x18xf32, #tpu.memory_space<vmem>>, %arg26: memref<10x19xf32, #tpu.memory_space<vmem>>, %arg27: memref<8x10xf32, #tpu.memory_space<vmem>>, %arg28: memref<8x11xf32, #tpu.memory_space<vmem>>, %arg29: memref<6x14xf32, #tpu.memory_space<vmem>>, %arg30: memref<6x6xf32, #tpu.memory_space<vmem>>, %arg31: memref<3x6xf32, #tpu.memory_space<vmem>>, %arg32: memref<6x9xf32, #tpu.memory_space<vmem>>, %arg33: memref<2x2xf32, #tpu.memory_space<vmem>>, %arg34: memref<2x2xf32, #tpu.memory_space<vmem>>, %arg35: memref<6x16xf32, #tpu.memory_space<vmem>>, %arg36: memref<6x16xf32, #tpu.memory_space<vmem>>, %arg37: memref<2x16xf32, #tpu.memory_space<vmem>>, %arg38: memref<2x16xf32, #tpu.memory_space<vmem>>, %arg39: memref<!tpu.dma_semaphore, #tpu.memory_space<semaphore_mem>>) attributes {dimension_semantics = [#tpu.dimension_semantics<core_parallel>, #tpu.dimension_semantics<subcore_parallel>], iteration_bounds = array<i64: 2, 16>, scalar_prefetch = 0 : i64, scratch_operands = 17 : i64, tpu.core_type = #tpu.core_type<sc_vector_subcore>, window_params = [{transform_indices = #map}, {transform_indices = #map}, {transform_indices = #map}, {transform_indices = #map}, {transform_indices = #map}, {transform_indices = #map}, {transform_indices = #map}, {transform_indices = #map}, {transform_indices = #map}, {transform_indices = #map}, {transform_indices = #map1}, {transform_indices = #map1}, {transform_indices = #map1}, {transform_indices = #map1}, {transform_indices = #map1}, {transform_indices = #map1}, {transform_indices = #map1}, {transform_indices = #map1}, {transform_indices = #map1}, {transform_indices = #map1}, {transform_indices = #map1}]} {
    %mul3A = arith.constant 2 : i32
    %mul3A_0 = arith.muli %arg1, %mul3A : i32
    %add3A = arith.addi %mul3A_0, %arg0 : i32
    %mul3A_1 = arith.constant 512 : i32
    %mul3A_2 = arith.muli %add3A, %mul3A_1 : i32
    "tpu.trace_start"() <{level = 10 : i32, message = "stage_in"}> : () -> ()
    tpu.enqueue_dma source(%arg12 : memref<10x18xf32, #tpu.memory_space<hbm>>) target(%arg25 : memref<10x18xf32, #tpu.memory_space<vmem>>) target_semaphore(%arg39 : memref<!tpu.dma_semaphore, #tpu.memory_space<semaphore_mem>>)
    tpu.enqueue_dma source(%arg13 : memref<10x19xf32, #tpu.memory_space<hbm>>) target(%arg26 : memref<10x19xf32, #tpu.memory_space<vmem>>) target_semaphore(%arg39 : memref<!tpu.dma_semaphore, #tpu.memory_space<semaphore_mem>>)
    tpu.enqueue_dma source(%arg14 : memref<8x10xf32, #tpu.memory_space<hbm>>) target(%arg27 : memref<8x10xf32, #tpu.memory_space<vmem>>) target_semaphore(%arg39 : memref<!tpu.dma_semaphore, #tpu.memory_space<semaphore_mem>>)
    tpu.enqueue_dma source(%arg15 : memref<8x11xf32, #tpu.memory_space<hbm>>) target(%arg28 : memref<8x11xf32, #tpu.memory_space<vmem>>) target_semaphore(%arg39 : memref<!tpu.dma_semaphore, #tpu.memory_space<semaphore_mem>>)
    tpu.enqueue_dma source(%arg16 : memref<6x14xf32, #tpu.memory_space<hbm>>) target(%arg29 : memref<6x14xf32, #tpu.memory_space<vmem>>) target_semaphore(%arg39 : memref<!tpu.dma_semaphore, #tpu.memory_space<semaphore_mem>>)
    tpu.enqueue_dma source(%arg17 : memref<6x6xf32, #tpu.memory_space<hbm>>) target(%arg30 : memref<6x6xf32, #tpu.memory_space<vmem>>) target_semaphore(%arg39 : memref<!tpu.dma_semaphore, #tpu.memory_space<semaphore_mem>>)
    tpu.enqueue_dma source(%arg18 : memref<3x6xf32, #tpu.memory_space<hbm>>) target(%arg31 : memref<3x6xf32, #tpu.memory_space<vmem>>) target_semaphore(%arg39 : memref<!tpu.dma_semaphore, #tpu.memory_space<semaphore_mem>>)
    tpu.enqueue_dma source(%arg19 : memref<6x9xf32, #tpu.memory_space<hbm>>) target(%arg32 : memref<6x9xf32, #tpu.memory_space<vmem>>) target_semaphore(%arg39 : memref<!tpu.dma_semaphore, #tpu.memory_space<semaphore_mem>>)
    tpu.enqueue_dma source(%arg20 : memref<2x2xf32, #tpu.memory_space<hbm>>) target(%arg33 : memref<2x2xf32, #tpu.memory_space<vmem>>) target_semaphore(%arg39 : memref<!tpu.dma_semaphore, #tpu.memory_space<semaphore_mem>>)
    tpu.enqueue_dma source(%arg21 : memref<2x2xf32, #tpu.memory_space<hbm>>) target(%arg34 : memref<2x2xf32, #tpu.memory_space<vmem>>) target_semaphore(%arg39 : memref<!tpu.dma_semaphore, #tpu.memory_space<semaphore_mem>>)
    %dma_start3A = arith.constant 0 : i32
    %dma_start3A_3 = arith.constant 0 : i32
    %dma_start3A_4 = tpu.memref_slice %arg23[%dma_start3A, %dma_start3A_3] : memref<10x512xi32, #tpu.memory_space<vmem>> -> memref<1x512xi32, #tpu.memory_space<vmem>>
    %dma_start3A_5 = tpu.memref_squeeze %dma_start3A_4 : memref<1x512xi32, #tpu.memory_space<vmem>> -> memref<512xi32, #tpu.memory_space<vmem>>
    %dma_start3A_6 = tpu.memref_slice %arg2[%mul3A_2] : memref<16384xi32, #tpu.memory_space<hbm>> -> memref<512xi32, #tpu.memory_space<hbm>>
    %dma_start3A_7 = arith.constant 0 : i32
    %dma_start3A_8 = tpu.memref_slice %arg23[%dma_start3A, %dma_start3A_7] : memref<10x512xi32, #tpu.memory_space<vmem>> -> memref<1x512xi32, #tpu.memory_space<vmem>>
    %dma_start3A_9 = tpu.memref_squeeze %dma_start3A_8 : memref<1x512xi32, #tpu.memory_space<vmem>> -> memref<512xi32, #tpu.memory_space<vmem>>
    %dma_start3A_10 = tpu.memref_slice %arg2[%mul3A_2] : memref<16384xi32, #tpu.memory_space<hbm>> -> memref<512xi32, #tpu.memory_space<hbm>>
    tpu.enqueue_dma source(%dma_start3A_10 : memref<512xi32, #tpu.memory_space<hbm>>) target(%dma_start3A_9 : memref<512xi32, #tpu.memory_space<vmem>>) target_semaphore(%arg39 : memref<!tpu.dma_semaphore, #tpu.memory_space<semaphore_mem>>)
    %dma_start3A_11 = arith.constant 1 : i32
    %dma_start3A_12 = arith.constant 0 : i32
    %dma_start3A_13 = tpu.memref_slice %arg23[%dma_start3A_11, %dma_start3A_12] : memref<10x512xi32, #tpu.memory_space<vmem>> -> memref<1x512xi32, #tpu.memory_space<vmem>>
    %dma_start3A_14 = tpu.memref_squeeze %dma_start3A_13 : memref<1x512xi32, #tpu.memory_space<vmem>> -> memref<512xi32, #tpu.memory_space<vmem>>
    %dma_start3A_15 = tpu.memref_slice %arg3[%mul3A_2] : memref<16384xi32, #tpu.memory_space<hbm>> -> memref<512xi32, #tpu.memory_space<hbm>>
    %dma_start3A_16 = arith.constant 0 : i32
    %dma_start3A_17 = tpu.memref_slice %arg23[%dma_start3A_11, %dma_start3A_16] : memref<10x512xi32, #tpu.memory_space<vmem>> -> memref<1x512xi32, #tpu.memory_space<vmem>>
    %dma_start3A_18 = tpu.memref_squeeze %dma_start3A_17 : memref<1x512xi32, #tpu.memory_space<vmem>> -> memref<512xi32, #tpu.memory_space<vmem>>
    %dma_start3A_19 = tpu.memref_slice %arg3[%mul3A_2] : memref<16384xi32, #tpu.memory_space<hbm>> -> memref<512xi32, #tpu.memory_space<hbm>>
    tpu.enqueue_dma source(%dma_start3A_19 : memref<512xi32, #tpu.memory_space<hbm>>) target(%dma_start3A_18 : memref<512xi32, #tpu.memory_space<vmem>>) target_semaphore(%arg39 : memref<!tpu.dma_semaphore, #tpu.memory_space<semaphore_mem>>)
    %dma_start3A_20 = arith.constant 2 : i32
    %dma_start3A_21 = arith.constant 0 : i32
    %dma_start3A_22 = tpu.memref_slice %arg23[%dma_start3A_20, %dma_start3A_21] : memref<10x512xi32, #tpu.memory_space<vmem>> -> memref<1x512xi32, #tpu.memory_space<vmem>>
    %dma_start3A_23 = tpu.memref_squeeze %dma_start3A_22 : memref<1x512xi32, #tpu.memory_space<vmem>> -> memref<512xi32, #tpu.memory_space<vmem>>
    %dma_start3A_24 = tpu.memref_slice %arg4[%mul3A_2] : memref<16384xi32, #tpu.memory_space<hbm>> -> memref<512xi32, #tpu.memory_space<hbm>>
    %dma_start3A_25 = arith.constant 0 : i32
    %dma_start3A_26 = tpu.memref_slice %arg23[%dma_start3A_20, %dma_start3A_25] : memref<10x512xi32, #tpu.memory_space<vmem>> -> memref<1x512xi32, #tpu.memory_space<vmem>>
    %dma_start3A_27 = tpu.memref_squeeze %dma_start3A_26 : memref<1x512xi32, #tpu.memory_space<vmem>> -> memref<512xi32, #tpu.memory_space<vmem>>
    %dma_start3A_28 = tpu.memref_slice %arg4[%mul3A_2] : memref<16384xi32, #tpu.memory_space<hbm>> -> memref<512xi32, #tpu.memory_space<hbm>>
    tpu.enqueue_dma source(%dma_start3A_28 : memref<512xi32, #tpu.memory_space<hbm>>) target(%dma_start3A_27 : memref<512xi32, #tpu.memory_space<vmem>>) target_semaphore(%arg39 : memref<!tpu.dma_semaphore, #tpu.memory_space<semaphore_mem>>)
    %dma_start3A_29 = arith.constant 3 : i32
    %dma_start3A_30 = arith.constant 0 : i32
    %dma_start3A_31 = tpu.memref_slice %arg23[%dma_start3A_29, %dma_start3A_30] : memref<10x512xi32, #tpu.memory_space<vmem>> -> memref<1x512xi32, #tpu.memory_space<vmem>>
    %dma_start3A_32 = tpu.memref_squeeze %dma_start3A_31 : memref<1x512xi32, #tpu.memory_space<vmem>> -> memref<512xi32, #tpu.memory_space<vmem>>
    %dma_start3A_33 = tpu.memref_slice %arg5[%mul3A_2] : memref<16384xi32, #tpu.memory_space<hbm>> -> memref<512xi32, #tpu.memory_space<hbm>>
    %dma_start3A_34 = arith.constant 0 : i32
    %dma_start3A_35 = tpu.memref_slice %arg23[%dma_start3A_29, %dma_start3A_34] : memref<10x512xi32, #tpu.memory_space<vmem>> -> memref<1x512xi32, #tpu.memory_space<vmem>>
    %dma_start3A_36 = tpu.memref_squeeze %dma_start3A_35 : memref<1x512xi32, #tpu.memory_space<vmem>> -> memref<512xi32, #tpu.memory_space<vmem>>
    %dma_start3A_37 = tpu.memref_slice %arg5[%mul3A_2] : memref<16384xi32, #tpu.memory_space<hbm>> -> memref<512xi32, #tpu.memory_space<hbm>>
    tpu.enqueue_dma source(%dma_start3A_37 : memref<512xi32, #tpu.memory_space<hbm>>) target(%dma_start3A_36 : memref<512xi32, #tpu.memory_space<vmem>>) target_semaphore(%arg39 : memref<!tpu.dma_semaphore, #tpu.memory_space<semaphore_mem>>)
    %dma_start3A_38 = arith.constant 4 : i32
    %dma_start3A_39 = arith.constant 0 : i32
    %dma_start3A_40 = tpu.memref_slice %arg23[%dma_start3A_38, %dma_start3A_39] : memref<10x512xi32, #tpu.memory_space<vmem>> -> memref<1x512xi32, #tpu.memory_space<vmem>>
    %dma_start3A_41 = tpu.memref_squeeze %dma_start3A_40 : memref<1x512xi32, #tpu.memory_space<vmem>> -> memref<512xi32, #tpu.memory_space<vmem>>
    %dma_start3A_42 = tpu.memref_slice %arg6[%mul3A_2] : memref<16384xi32, #tpu.memory_space<hbm>> -> memref<512xi32, #tpu.memory_space<hbm>>
    %dma_start3A_43 = arith.constant 0 : i32
    %dma_start3A_44 = tpu.memref_slice %arg23[%dma_start3A_38, %dma_start3A_43] : memref<10x512xi32, #tpu.memory_space<vmem>> -> memref<1x512xi32, #tpu.memory_space<vmem>>
    %dma_start3A_45 = tpu.memref_squeeze %dma_start3A_44 : memref<1x512xi32, #tpu.memory_space<vmem>> -> memref<512xi32, #tpu.memory_space<vmem>>
    %dma_start3A_46 = tpu.memref_slice %arg6[%mul3A_2] : memref<16384xi32, #tpu.memory_space<hbm>> -> memref<512xi32, #tpu.memory_space<hbm>>
    tpu.enqueue_dma source(%dma_start3A_46 : memref<512xi32, #tpu.memory_space<hbm>>) target(%dma_start3A_45 : memref<512xi32, #tpu.memory_space<vmem>>) target_semaphore(%arg39 : memref<!tpu.dma_semaphore, #tpu.memory_space<semaphore_mem>>)
    %dma_start3A_47 = arith.constant 5 : i32
    %dma_start3A_48 = arith.constant 0 : i32
    %dma_start3A_49 = tpu.memref_slice %arg23[%dma_start3A_47, %dma_start3A_48] : memref<10x512xi32, #tpu.memory_space<vmem>> -> memref<1x512xi32, #tpu.memory_space<vmem>>
    %dma_start3A_50 = tpu.memref_squeeze %dma_start3A_49 : memref<1x512xi32, #tpu.memory_space<vmem>> -> memref<512xi32, #tpu.memory_space<vmem>>
    %dma_start3A_51 = tpu.memref_slice %arg7[%mul3A_2] : memref<16384xi32, #tpu.memory_space<hbm>> -> memref<512xi32, #tpu.memory_space<hbm>>
    %dma_start3A_52 = arith.constant 0 : i32
    %dma_start3A_53 = tpu.memref_slice %arg23[%dma_start3A_47, %dma_start3A_52] : memref<10x512xi32, #tpu.memory_space<vmem>> -> memref<1x512xi32, #tpu.memory_space<vmem>>
    %dma_start3A_54 = tpu.memref_squeeze %dma_start3A_53 : memref<1x512xi32, #tpu.memory_space<vmem>> -> memref<512xi32, #tpu.memory_space<vmem>>
    %dma_start3A_55 = tpu.memref_slice %arg7[%mul3A_2] : memref<16384xi32, #tpu.memory_space<hbm>> -> memref<512xi32, #tpu.memory_space<hbm>>
    tpu.enqueue_dma source(%dma_start3A_55 : memref<512xi32, #tpu.memory_space<hbm>>) target(%dma_start3A_54 : memref<512xi32, #tpu.memory_space<vmem>>) target_semaphore(%arg39 : memref<!tpu.dma_semaphore, #tpu.memory_space<semaphore_mem>>)
    %dma_start3A_56 = arith.constant 6 : i32
    %dma_start3A_57 = arith.constant 0 : i32
    %dma_start3A_58 = tpu.memref_slice %arg23[%dma_start3A_56, %dma_start3A_57] : memref<10x512xi32, #tpu.memory_space<vmem>> -> memref<1x512xi32, #tpu.memory_space<vmem>>
    %dma_start3A_59 = tpu.memref_squeeze %dma_start3A_58 : memref<1x512xi32, #tpu.memory_space<vmem>> -> memref<512xi32, #tpu.memory_space<vmem>>
    %dma_start3A_60 = tpu.memref_slice %arg8[%mul3A_2] : memref<16384xi32, #tpu.memory_space<hbm>> -> memref<512xi32, #tpu.memory_space<hbm>>
    %dma_start3A_61 = arith.constant 0 : i32
    %dma_start3A_62 = tpu.memref_slice %arg23[%dma_start3A_56, %dma_start3A_61] : memref<10x512xi32, #tpu.memory_space<vmem>> -> memref<1x512xi32, #tpu.memory_space<vmem>>
    %dma_start3A_63 = tpu.memref_squeeze %dma_start3A_62 : memref<1x512xi32, #tpu.memory_space<vmem>> -> memref<512xi32, #tpu.memory_space<vmem>>
    %dma_start3A_64 = tpu.memref_slice %arg8[%mul3A_2] : memref<16384xi32, #tpu.memory_space<hbm>> -> memref<512xi32, #tpu.memory_space<hbm>>
    tpu.enqueue_dma source(%dma_start3A_64 : memref<512xi32, #tpu.memory_space<hbm>>) target(%dma_start3A_63 : memref<512xi32, #tpu.memory_space<vmem>>) target_semaphore(%arg39 : memref<!tpu.dma_semaphore, #tpu.memory_space<semaphore_mem>>)
    %dma_start3A_65 = arith.constant 7 : i32
    %dma_start3A_66 = arith.constant 0 : i32
    %dma_start3A_67 = tpu.memref_slice %arg23[%dma_start3A_65, %dma_start3A_66] : memref<10x512xi32, #tpu.memory_space<vmem>> -> memref<1x512xi32, #tpu.memory_space<vmem>>
    %dma_start3A_68 = tpu.memref_squeeze %dma_start3A_67 : memref<1x512xi32, #tpu.memory_space<vmem>> -> memref<512xi32, #tpu.memory_space<vmem>>
    %dma_start3A_69 = tpu.memref_slice %arg9[%mul3A_2] : memref<16384xi32, #tpu.memory_space<hbm>> -> memref<512xi32, #tpu.memory_space<hbm>>
    %dma_start3A_70 = arith.constant 0 : i32
    %dma_start3A_71 = tpu.memref_slice %arg23[%dma_start3A_65, %dma_start3A_70] : memref<10x512xi32, #tpu.memory_space<vmem>> -> memref<1x512xi32, #tpu.memory_space<vmem>>
    %dma_start3A_72 = tpu.memref_squeeze %dma_start3A_71 : memref<1x512xi32, #tpu.memory_space<vmem>> -> memref<512xi32, #tpu.memory_space<vmem>>
    %dma_start3A_73 = tpu.memref_slice %arg9[%mul3A_2] : memref<16384xi32, #tpu.memory_space<hbm>> -> memref<512xi32, #tpu.memory_space<hbm>>
    tpu.enqueue_dma source(%dma_start3A_73 : memref<512xi32, #tpu.memory_space<hbm>>) target(%dma_start3A_72 : memref<512xi32, #tpu.memory_space<vmem>>) target_semaphore(%arg39 : memref<!tpu.dma_semaphore, #tpu.memory_space<semaphore_mem>>)
    %dma_start3A_74 = arith.constant 8 : i32
    %dma_start3A_75 = arith.constant 0 : i32
    %dma_start3A_76 = tpu.memref_slice %arg23[%dma_start3A_74, %dma_start3A_75] : memref<10x512xi32, #tpu.memory_space<vmem>> -> memref<1x512xi32, #tpu.memory_space<vmem>>
    %dma_start3A_77 = tpu.memref_squeeze %dma_start3A_76 : memref<1x512xi32, #tpu.memory_space<vmem>> -> memref<512xi32, #tpu.memory_space<vmem>>
    %dma_start3A_78 = tpu.memref_slice %arg10[%mul3A_2] : memref<16384xi32, #tpu.memory_space<hbm>> -> memref<512xi32, #tpu.memory_space<hbm>>
    %dma_start3A_79 = arith.constant 0 : i32
    %dma_start3A_80 = tpu.memref_slice %arg23[%dma_start3A_74, %dma_start3A_79] : memref<10x512xi32, #tpu.memory_space<vmem>> -> memref<1x512xi32, #tpu.memory_space<vmem>>
    %dma_start3A_81 = tpu.memref_squeeze %dma_start3A_80 : memref<1x512xi32, #tpu.memory_space<vmem>> -> memref<512xi32, #tpu.memory_space<vmem>>
    %dma_start3A_82 = tpu.memref_slice %arg10[%mul3A_2] : memref<16384xi32, #tpu.memory_space<hbm>> -> memref<512xi32, #tpu.memory_space<hbm>>
    tpu.enqueue_dma source(%dma_start3A_82 : memref<512xi32, #tpu.memory_space<hbm>>) target(%dma_start3A_81 : memref<512xi32, #tpu.memory_space<vmem>>) target_semaphore(%arg39 : memref<!tpu.dma_semaphore, #tpu.memory_space<semaphore_mem>>)
    %dma_start3A_83 = arith.constant 9 : i32
    %dma_start3A_84 = arith.constant 0 : i32
    %dma_start3A_85 = tpu.memref_slice %arg23[%dma_start3A_83, %dma_start3A_84] : memref<10x512xi32, #tpu.memory_space<vmem>> -> memref<1x512xi32, #tpu.memory_space<vmem>>
    %dma_start3A_86 = tpu.memref_squeeze %dma_start3A_85 : memref<1x512xi32, #tpu.memory_space<vmem>> -> memref<512xi32, #tpu.memory_space<vmem>>
    %dma_start3A_87 = tpu.memref_slice %arg11[%mul3A_2] : memref<16384xi32, #tpu.memory_space<hbm>> -> memref<512xi32, #tpu.memory_space<hbm>>
    %dma_start3A_88 = arith.constant 0 : i32
    %dma_start3A_89 = tpu.memref_slice %arg23[%dma_start3A_83, %dma_start3A_88] : memref<10x512xi32, #tpu.memory_space<vmem>> -> memref<1x512xi32, #tpu.memory_space<vmem>>
    %dma_start3A_90 = tpu.memref_squeeze %dma_start3A_89 : memref<1x512xi32, #tpu.memory_space<vmem>> -> memref<512xi32, #tpu.memory_space<vmem>>
    %dma_start3A_91 = tpu.memref_slice %arg11[%mul3A_2] : memref<16384xi32, #tpu.memory_space<hbm>> -> memref<512xi32, #tpu.memory_space<hbm>>
    tpu.enqueue_dma source(%dma_start3A_91 : memref<512xi32, #tpu.memory_space<hbm>>) target(%dma_start3A_90 : memref<512xi32, #tpu.memory_space<vmem>>) target_semaphore(%arg39 : memref<!tpu.dma_semaphore, #tpu.memory_space<semaphore_mem>>)
    tpu.wait_dma2 semaphore(%arg39 : memref<!tpu.dma_semaphore, #tpu.memory_space<semaphore_mem>>) src(%arg12 : memref<10x18xf32, #tpu.memory_space<hbm>>) dst(%arg25 : memref<10x18xf32, #tpu.memory_space<vmem>>)
    tpu.wait_dma2 semaphore(%arg39 : memref<!tpu.dma_semaphore, #tpu.memory_space<semaphore_mem>>) src(%arg13 : memref<10x19xf32, #tpu.memory_space<hbm>>) dst(%arg26 : memref<10x19xf32, #tpu.memory_space<vmem>>)
    tpu.wait_dma2 semaphore(%arg39 : memref<!tpu.dma_semaphore, #tpu.memory_space<semaphore_mem>>) src(%arg14 : memref<8x10xf32, #tpu.memory_space<hbm>>) dst(%arg27 : memref<8x10xf32, #tpu.memory_space<vmem>>)
    tpu.wait_dma2 semaphore(%arg39 : memref<!tpu.dma_semaphore, #tpu.memory_space<semaphore_mem>>) src(%arg15 : memref<8x11xf32, #tpu.memory_space<hbm>>) dst(%arg28 : memref<8x11xf32, #tpu.memory_space<vmem>>)
    tpu.wait_dma2 semaphore(%arg39 : memref<!tpu.dma_semaphore, #tpu.memory_space<semaphore_mem>>) src(%arg16 : memref<6x14xf32, #tpu.memory_space<hbm>>) dst(%arg29 : memref<6x14xf32, #tpu.memory_space<vmem>>)
    tpu.wait_dma2 semaphore(%arg39 : memref<!tpu.dma_semaphore, #tpu.memory_space<semaphore_mem>>) src(%arg17 : memref<6x6xf32, #tpu.memory_space<hbm>>) dst(%arg30 : memref<6x6xf32, #tpu.memory_space<vmem>>)
    tpu.wait_dma2 semaphore(%arg39 : memref<!tpu.dma_semaphore, #tpu.memory_space<semaphore_mem>>) src(%arg18 : memref<3x6xf32, #tpu.memory_space<hbm>>) dst(%arg31 : memref<3x6xf32, #tpu.memory_space<vmem>>)
    tpu.wait_dma2 semaphore(%arg39 : memref<!tpu.dma_semaphore, #tpu.memory_space<semaphore_mem>>) src(%arg19 : memref<6x9xf32, #tpu.memory_space<hbm>>) dst(%arg32 : memref<6x9xf32, #tpu.memory_space<vmem>>)
    tpu.wait_dma2 semaphore(%arg39 : memref<!tpu.dma_semaphore, #tpu.memory_space<semaphore_mem>>) src(%arg20 : memref<2x2xf32, #tpu.memory_space<hbm>>) dst(%arg33 : memref<2x2xf32, #tpu.memory_space<vmem>>)
    tpu.wait_dma2 semaphore(%arg39 : memref<!tpu.dma_semaphore, #tpu.memory_space<semaphore_mem>>) src(%arg21 : memref<2x2xf32, #tpu.memory_space<hbm>>) dst(%arg34 : memref<2x2xf32, #tpu.memory_space<vmem>>)
    %dma_wait3A = arith.constant 0 : i32
    %dma_wait3A_92 = arith.constant 0 : i32
    %dma_wait3A_93 = tpu.memref_slice %arg23[%dma_wait3A, %dma_wait3A_92] : memref<10x512xi32, #tpu.memory_space<vmem>> -> memref<1x512xi32, #tpu.memory_space<vmem>>
    %dma_wait3A_94 = tpu.memref_squeeze %dma_wait3A_93 : memref<1x512xi32, #tpu.memory_space<vmem>> -> memref<512xi32, #tpu.memory_space<vmem>>
    %dma_wait3A_95 = tpu.memref_slice %arg2[%mul3A_2] : memref<16384xi32, #tpu.memory_space<hbm>> -> memref<512xi32, #tpu.memory_space<hbm>>
    %dma_wait3A_96 = arith.constant 0 : i32
    %dma_wait3A_97 = tpu.memref_slice %arg23[%dma_wait3A, %dma_wait3A_96] : memref<10x512xi32, #tpu.memory_space<vmem>> -> memref<1x512xi32, #tpu.memory_space<vmem>>
    %dma_wait3A_98 = tpu.memref_squeeze %dma_wait3A_97 : memref<1x512xi32, #tpu.memory_space<vmem>> -> memref<512xi32, #tpu.memory_space<vmem>>
    %dma_wait3A_99 = tpu.memref_slice %arg2[%mul3A_2] : memref<16384xi32, #tpu.memory_space<hbm>> -> memref<512xi32, #tpu.memory_space<hbm>>
    tpu.wait_dma2 semaphore(%arg39 : memref<!tpu.dma_semaphore, #tpu.memory_space<semaphore_mem>>) src(%dma_wait3A_99 : memref<512xi32, #tpu.memory_space<hbm>>) dst(%dma_wait3A_98 : memref<512xi32, #tpu.memory_space<vmem>>)
    %dma_wait3A_100 = arith.constant 1 : i32
    %dma_wait3A_101 = arith.constant 0 : i32
    %dma_wait3A_102 = tpu.memref_slice %arg23[%dma_wait3A_100, %dma_wait3A_101] : memref<10x512xi32, #tpu.memory_space<vmem>> -> memref<1x512xi32, #tpu.memory_space<vmem>>
    %dma_wait3A_103 = tpu.memref_squeeze %dma_wait3A_102 : memref<1x512xi32, #tpu.memory_space<vmem>> -> memref<512xi32, #tpu.memory_space<vmem>>
    %dma_wait3A_104 = tpu.memref_slice %arg3[%mul3A_2] : memref<16384xi32, #tpu.memory_space<hbm>> -> memref<512xi32, #tpu.memory_space<hbm>>
    %dma_wait3A_105 = arith.constant 0 : i32
    %dma_wait3A_106 = tpu.memref_slice %arg23[%dma_wait3A_100, %dma_wait3A_105] : memref<10x512xi32, #tpu.memory_space<vmem>> -> memref<1x512xi32, #tpu.memory_space<vmem>>
    %dma_wait3A_107 = tpu.memref_squeeze %dma_wait3A_106 : memref<1x512xi32, #tpu.memory_space<vmem>> -> memref<512xi32, #tpu.memory_space<vmem>>
    %dma_wait3A_108 = tpu.memref_slice %arg3[%mul3A_2] : memref<16384xi32, #tpu.memory_space<hbm>> -> memref<512xi32, #tpu.memory_space<hbm>>
    tpu.wait_dma2 semaphore(%arg39 : memref<!tpu.dma_semaphore, #tpu.memory_space<semaphore_mem>>) src(%dma_wait3A_108 : memref<512xi32, #tpu.memory_space<hbm>>) dst(%dma_wait3A_107 : memref<512xi32, #tpu.memory_space<vmem>>)
    %dma_wait3A_109 = arith.constant 2 : i32
    %dma_wait3A_110 = arith.constant 0 : i32
    %dma_wait3A_111 = tpu.memref_slice %arg23[%dma_wait3A_109, %dma_wait3A_110] : memref<10x512xi32, #tpu.memory_space<vmem>> -> memref<1x512xi32, #tpu.memory_space<vmem>>
    %dma_wait3A_112 = tpu.memref_squeeze %dma_wait3A_111 : memref<1x512xi32, #tpu.memory_space<vmem>> -> memref<512xi32, #tpu.memory_space<vmem>>
    %dma_wait3A_113 = tpu.memref_slice %arg4[%mul3A_2] : memref<16384xi32, #tpu.memory_space<hbm>> -> memref<512xi32, #tpu.memory_space<hbm>>
    %dma_wait3A_114 = arith.constant 0 : i32
    %dma_wait3A_115 = tpu.memref_slice %arg23[%dma_wait3A_109, %dma_wait3A_114] : memref<10x512xi32, #tpu.memory_space<vmem>> -> memref<1x512xi32, #tpu.memory_space<vmem>>
    %dma_wait3A_116 = tpu.memref_squeeze %dma_wait3A_115 : memref<1x512xi32, #tpu.memory_space<vmem>> -> memref<512xi32, #tpu.memory_space<vmem>>
    %dma_wait3A_117 = tpu.memref_slice %arg4[%mul3A_2] : memref<16384xi32, #tpu.memory_space<hbm>> -> memref<512xi32, #tpu.memory_space<hbm>>
    tpu.wait_dma2 semaphore(%arg39 : memref<!tpu.dma_semaphore, #tpu.memory_space<semaphore_mem>>) src(%dma_wait3A_117 : memref<512xi32, #tpu.memory_space<hbm>>) dst(%dma_wait3A_116 : memref<512xi32, #tpu.memory_space<vmem>>)
    %dma_wait3A_118 = arith.constant 3 : i32
    %dma_wait3A_119 = arith.constant 0 : i32
    %dma_wait3A_120 = tpu.memref_slice %arg23[%dma_wait3A_118, %dma_wait3A_119] : memref<10x512xi32, #tpu.memory_space<vmem>> -> memref<1x512xi32, #tpu.memory_space<vmem>>
    %dma_wait3A_121 = tpu.memref_squeeze %dma_wait3A_120 : memref<1x512xi32, #tpu.memory_space<vmem>> -> memref<512xi32, #tpu.memory_space<vmem>>
    %dma_wait3A_122 = tpu.memref_slice %arg5[%mul3A_2] : memref<16384xi32, #tpu.memory_space<hbm>> -> memref<512xi32, #tpu.memory_space<hbm>>
    %dma_wait3A_123 = arith.constant 0 : i32
    %dma_wait3A_124 = tpu.memref_slice %arg23[%dma_wait3A_118, %dma_wait3A_123] : memref<10x512xi32, #tpu.memory_space<vmem>> -> memref<1x512xi32, #tpu.memory_space<vmem>>
    %dma_wait3A_125 = tpu.memref_squeeze %dma_wait3A_124 : memref<1x512xi32, #tpu.memory_space<vmem>> -> memref<512xi32, #tpu.memory_space<vmem>>
    %dma_wait3A_126 = tpu.memref_slice %arg5[%mul3A_2] : memref<16384xi32, #tpu.memory_space<hbm>> -> memref<512xi32, #tpu.memory_space<hbm>>
    tpu.wait_dma2 semaphore(%arg39 : memref<!tpu.dma_semaphore, #tpu.memory_space<semaphore_mem>>) src(%dma_wait3A_126 : memref<512xi32, #tpu.memory_space<hbm>>) dst(%dma_wait3A_125 : memref<512xi32, #tpu.memory_space<vmem>>)
    %dma_wait3A_127 = arith.constant 4 : i32
    %dma_wait3A_128 = arith.constant 0 : i32
    %dma_wait3A_129 = tpu.memref_slice %arg23[%dma_wait3A_127, %dma_wait3A_128] : memref<10x512xi32, #tpu.memory_space<vmem>> -> memref<1x512xi32, #tpu.memory_space<vmem>>
    %dma_wait3A_130 = tpu.memref_squeeze %dma_wait3A_129 : memref<1x512xi32, #tpu.memory_space<vmem>> -> memref<512xi32, #tpu.memory_space<vmem>>
    %dma_wait3A_131 = tpu.memref_slice %arg6[%mul3A_2] : memref<16384xi32, #tpu.memory_space<hbm>> -> memref<512xi32, #tpu.memory_space<hbm>>
    %dma_wait3A_132 = arith.constant 0 : i32
    %dma_wait3A_133 = tpu.memref_slice %arg23[%dma_wait3A_127, %dma_wait3A_132] : memref<10x512xi32, #tpu.memory_space<vmem>> -> memref<1x512xi32, #tpu.memory_space<vmem>>
    %dma_wait3A_134 = tpu.memref_squeeze %dma_wait3A_133 : memref<1x512xi32, #tpu.memory_space<vmem>> -> memref<512xi32, #tpu.memory_space<vmem>>
    %dma_wait3A_135 = tpu.memref_slice %arg6[%mul3A_2] : memref<16384xi32, #tpu.memory_space<hbm>> -> memref<512xi32, #tpu.memory_space<hbm>>
    tpu.wait_dma2 semaphore(%arg39 : memref<!tpu.dma_semaphore, #tpu.memory_space<semaphore_mem>>) src(%dma_wait3A_135 : memref<512xi32, #tpu.memory_space<hbm>>) dst(%dma_wait3A_134 : memref<512xi32, #tpu.memory_space<vmem>>)
    %dma_wait3A_136 = arith.constant 5 : i32
    %dma_wait3A_137 = arith.constant 0 : i32
    %dma_wait3A_138 = tpu.memref_slice %arg23[%dma_wait3A_136, %dma_wait3A_137] : memref<10x512xi32, #tpu.memory_space<vmem>> -> memref<1x512xi32, #tpu.memory_space<vmem>>
    %dma_wait3A_139 = tpu.memref_squeeze %dma_wait3A_138 : memref<1x512xi32, #tpu.memory_space<vmem>> -> memref<512xi32, #tpu.memory_space<vmem>>
    %dma_wait3A_140 = tpu.memref_slice %arg7[%mul3A_2] : memref<16384xi32, #tpu.memory_space<hbm>> -> memref<512xi32, #tpu.memory_space<hbm>>
    %dma_wait3A_141 = arith.constant 0 : i32
    %dma_wait3A_142 = tpu.memref_slice %arg23[%dma_wait3A_136, %dma_wait3A_141] : memref<10x512xi32, #tpu.memory_space<vmem>> -> memref<1x512xi32, #tpu.memory_space<vmem>>
    %dma_wait3A_143 = tpu.memref_squeeze %dma_wait3A_142 : memref<1x512xi32, #tpu.memory_space<vmem>> -> memref<512xi32, #tpu.memory_space<vmem>>
    %dma_wait3A_144 = tpu.memref_slice %arg7[%mul3A_2] : memref<16384xi32, #tpu.memory_space<hbm>> -> memref<512xi32, #tpu.memory_space<hbm>>
    tpu.wait_dma2 semaphore(%arg39 : memref<!tpu.dma_semaphore, #tpu.memory_space<semaphore_mem>>) src(%dma_wait3A_144 : memref<512xi32, #tpu.memory_space<hbm>>) dst(%dma_wait3A_143 : memref<512xi32, #tpu.memory_space<vmem>>)
    %dma_wait3A_145 = arith.constant 6 : i32
    %dma_wait3A_146 = arith.constant 0 : i32
    %dma_wait3A_147 = tpu.memref_slice %arg23[%dma_wait3A_145, %dma_wait3A_146] : memref<10x512xi32, #tpu.memory_space<vmem>> -> memref<1x512xi32, #tpu.memory_space<vmem>>
    %dma_wait3A_148 = tpu.memref_squeeze %dma_wait3A_147 : memref<1x512xi32, #tpu.memory_space<vmem>> -> memref<512xi32, #tpu.memory_space<vmem>>
    %dma_wait3A_149 = tpu.memref_slice %arg8[%mul3A_2] : memref<16384xi32, #tpu.memory_space<hbm>> -> memref<512xi32, #tpu.memory_space<hbm>>
    %dma_wait3A_150 = arith.constant 0 : i32
    %dma_wait3A_151 = tpu.memref_slice %arg23[%dma_wait3A_145, %dma_wait3A_150] : memref<10x512xi32, #tpu.memory_space<vmem>> -> memref<1x512xi32, #tpu.memory_space<vmem>>
    %dma_wait3A_152 = tpu.memref_squeeze %dma_wait3A_151 : memref<1x512xi32, #tpu.memory_space<vmem>> -> memref<512xi32, #tpu.memory_space<vmem>>
    %dma_wait3A_153 = tpu.memref_slice %arg8[%mul3A_2] : memref<16384xi32, #tpu.memory_space<hbm>> -> memref<512xi32, #tpu.memory_space<hbm>>
    tpu.wait_dma2 semaphore(%arg39 : memref<!tpu.dma_semaphore, #tpu.memory_space<semaphore_mem>>) src(%dma_wait3A_153 : memref<512xi32, #tpu.memory_space<hbm>>) dst(%dma_wait3A_152 : memref<512xi32, #tpu.memory_space<vmem>>)
    %dma_wait3A_154 = arith.constant 7 : i32
    %dma_wait3A_155 = arith.constant 0 : i32
    %dma_wait3A_156 = tpu.memref_slice %arg23[%dma_wait3A_154, %dma_wait3A_155] : memref<10x512xi32, #tpu.memory_space<vmem>> -> memref<1x512xi32, #tpu.memory_space<vmem>>
    %dma_wait3A_157 = tpu.memref_squeeze %dma_wait3A_156 : memref<1x512xi32, #tpu.memory_space<vmem>> -> memref<512xi32, #tpu.memory_space<vmem>>
    %dma_wait3A_158 = tpu.memref_slice %arg9[%mul3A_2] : memref<16384xi32, #tpu.memory_space<hbm>> -> memref<512xi32, #tpu.memory_space<hbm>>
    %dma_wait3A_159 = arith.constant 0 : i32
    %dma_wait3A_160 = tpu.memref_slice %arg23[%dma_wait3A_154, %dma_wait3A_159] : memref<10x512xi32, #tpu.memory_space<vmem>> -> memref<1x512xi32, #tpu.memory_space<vmem>>
    %dma_wait3A_161 = tpu.memref_squeeze %dma_wait3A_160 : memref<1x512xi32, #tpu.memory_space<vmem>> -> memref<512xi32, #tpu.memory_space<vmem>>
    %dma_wait3A_162 = tpu.memref_slice %arg9[%mul3A_2] : memref<16384xi32, #tpu.memory_space<hbm>> -> memref<512xi32, #tpu.memory_space<hbm>>
    tpu.wait_dma2 semaphore(%arg39 : memref<!tpu.dma_semaphore, #tpu.memory_space<semaphore_mem>>) src(%dma_wait3A_162 : memref<512xi32, #tpu.memory_space<hbm>>) dst(%dma_wait3A_161 : memref<512xi32, #tpu.memory_space<vmem>>)
    %dma_wait3A_163 = arith.constant 8 : i32
    %dma_wait3A_164 = arith.constant 0 : i32
    %dma_wait3A_165 = tpu.memref_slice %arg23[%dma_wait3A_163, %dma_wait3A_164] : memref<10x512xi32, #tpu.memory_space<vmem>> -> memref<1x512xi32, #tpu.memory_space<vmem>>
    %dma_wait3A_166 = tpu.memref_squeeze %dma_wait3A_165 : memref<1x512xi32, #tpu.memory_space<vmem>> -> memref<512xi32, #tpu.memory_space<vmem>>
    %dma_wait3A_167 = tpu.memref_slice %arg10[%mul3A_2] : memref<16384xi32, #tpu.memory_space<hbm>> -> memref<512xi32, #tpu.memory_space<hbm>>
    %dma_wait3A_168 = arith.constant 0 : i32
    %dma_wait3A_169 = tpu.memref_slice %arg23[%dma_wait3A_163, %dma_wait3A_168] : memref<10x512xi32, #tpu.memory_space<vmem>> -> memref<1x512xi32, #tpu.memory_space<vmem>>
    %dma_wait3A_170 = tpu.memref_squeeze %dma_wait3A_169 : memref<1x512xi32, #tpu.memory_space<vmem>> -> memref<512xi32, #tpu.memory_space<vmem>>
    %dma_wait3A_171 = tpu.memref_slice %arg10[%mul3A_2] : memref<16384xi32, #tpu.memory_space<hbm>> -> memref<512xi32, #tpu.memory_space<hbm>>
    tpu.wait_dma2 semaphore(%arg39 : memref<!tpu.dma_semaphore, #tpu.memory_space<semaphore_mem>>) src(%dma_wait3A_171 : memref<512xi32, #tpu.memory_space<hbm>>) dst(%dma_wait3A_170 : memref<512xi32, #tpu.memory_space<vmem>>)
    %dma_wait3A_172 = arith.constant 9 : i32
    %dma_wait3A_173 = arith.constant 0 : i32
    %dma_wait3A_174 = tpu.memref_slice %arg23[%dma_wait3A_172, %dma_wait3A_173] : memref<10x512xi32, #tpu.memory_space<vmem>> -> memref<1x512xi32, #tpu.memory_space<vmem>>
    %dma_wait3A_175 = tpu.memref_squeeze %dma_wait3A_174 : memref<1x512xi32, #tpu.memory_space<vmem>> -> memref<512xi32, #tpu.memory_space<vmem>>
    %dma_wait3A_176 = tpu.memref_slice %arg11[%mul3A_2] : memref<16384xi32, #tpu.memory_space<hbm>> -> memref<512xi32, #tpu.memory_space<hbm>>
    %dma_wait3A_177 = arith.constant 0 : i32
    %dma_wait3A_178 = tpu.memref_slice %arg23[%dma_wait3A_172, %dma_wait3A_177] : memref<10x512xi32, #tpu.memory_space<vmem>> -> memref<1x512xi32, #tpu.memory_space<vmem>>
    %dma_wait3A_179 = tpu.memref_squeeze %dma_wait3A_178 : memref<1x512xi32, #tpu.memory_space<vmem>> -> memref<512xi32, #tpu.memory_space<vmem>>
    %dma_wait3A_180 = tpu.memref_slice %arg11[%mul3A_2] : memref<16384xi32, #tpu.memory_space<hbm>> -> memref<512xi32, #tpu.memory_space<hbm>>
    tpu.wait_dma2 semaphore(%arg39 : memref<!tpu.dma_semaphore, #tpu.memory_space<semaphore_mem>>) src(%dma_wait3A_180 : memref<512xi32, #tpu.memory_space<hbm>>) dst(%dma_wait3A_179 : memref<512xi32, #tpu.memory_space<vmem>>)
    "tpu.trace_stop"() : () -> ()
    "tpu.trace_start"() <{level = 10 : i32, message = "transpose_small"}> : () -> ()
    %iota3A = tpu.iota {dimensions = array<i32: 0>} : vector<16xi32>
    %lt3A = arith.constant 6 : i32
    %lt3A_181 = vector.broadcast %lt3A : i32 to vector<16xi32>
    %lt3A_182 = arith.cmpi slt, %iota3A, %lt3A_181 : vector<16xi32>
    %broadcast_in_dim3A = arith.constant 0 : i32
    %broadcast_in_dim3A_183 = vector.broadcast %broadcast_in_dim3A : i32 to vector<16xi32>
    %gather3A = tpu.vector_load_idx %arg30[%iota3A, %broadcast_in_dim3A_183] masked %lt3A_182 : memref<6x6xf32, #tpu.memory_space<vmem>>[vector<16xi32>, vector<16xi32>], vector<16xf32>, vector<16xi1>
    %swap3A = arith.constant 0 : i32
    %swap3A_184 = arith.index_cast %swap3A : i32 to index
    %swap3A_185 = arith.constant 0 : index
    %swap3A_186 = tpu.vector_load %arg35[%swap3A_184, %swap3A_185] {strides = array<i32>} : memref<6x16xf32, #tpu.memory_space<vmem>>, vector<16xf32>,
    tpu.vector_store %arg35[%swap3A_184, %swap3A_185], %gather3A {strides = array<i32>} : memref<6x16xf32, #tpu.memory_space<vmem>>, vector<16xf32>,
    %broadcast_in_dim3A_187 = arith.constant 1 : i32
    %broadcast_in_dim3A_188 = vector.broadcast %broadcast_in_dim3A_187 : i32 to vector<16xi32>
    %gather3A_189 = tpu.vector_load_idx %arg30[%iota3A, %broadcast_in_dim3A_188] masked %lt3A_182 : memref<6x6xf32, #tpu.memory_space<vmem>>[vector<16xi32>, vector<16xi32>], vector<16xf32>, vector<16xi1>
    %swap3A_190 = arith.constant 1 : i32
    %swap3A_191 = arith.index_cast %swap3A_190 : i32 to index
    %swap3A_192 = arith.constant 0 : index
    %swap3A_193 = tpu.vector_load %arg35[%swap3A_191, %swap3A_192] {strides = array<i32>} : memref<6x16xf32, #tpu.memory_space<vmem>>, vector<16xf32>,
    tpu.vector_store %arg35[%swap3A_191, %swap3A_192], %gather3A_189 {strides = array<i32>} : memref<6x16xf32, #tpu.memory_space<vmem>>, vector<16xf32>,
    %broadcast_in_dim3A_194 = arith.constant 2 : i32
    %broadcast_in_dim3A_195 = vector.broadcast %broadcast_in_dim3A_194 : i32 to vector<16xi32>
    %gather3A_196 = tpu.vector_load_idx %arg30[%iota3A, %broadcast_in_dim3A_195] masked %lt3A_182 : memref<6x6xf32, #tpu.memory_space<vmem>>[vector<16xi32>, vector<16xi32>], vector<16xf32>, vector<16xi1>
    %swap3A_197 = arith.constant 2 : i32
    %swap3A_198 = arith.index_cast %swap3A_197 : i32 to index
    %swap3A_199 = arith.constant 0 : index
    %swap3A_200 = tpu.vector_load %arg35[%swap3A_198, %swap3A_199] {strides = array<i32>} : memref<6x16xf32, #tpu.memory_space<vmem>>, vector<16xf32>,
    tpu.vector_store %arg35[%swap3A_198, %swap3A_199], %gather3A_196 {strides = array<i32>} : memref<6x16xf32, #tpu.memory_space<vmem>>, vector<16xf32>,
    %broadcast_in_dim3A_201 = arith.constant 3 : i32
    %broadcast_in_dim3A_202 = vector.broadcast %broadcast_in_dim3A_201 : i32 to vector<16xi32>
    %gather3A_203 = tpu.vector_load_idx %arg30[%iota3A, %broadcast_in_dim3A_202] masked %lt3A_182 : memref<6x6xf32, #tpu.memory_space<vmem>>[vector<16xi32>, vector<16xi32>], vector<16xf32>, vector<16xi1>
    %swap3A_204 = arith.constant 3 : i32
    %swap3A_205 = arith.index_cast %swap3A_204 : i32 to index
    %swap3A_206 = arith.constant 0 : index
    %swap3A_207 = tpu.vector_load %arg35[%swap3A_205, %swap3A_206] {strides = array<i32>} : memref<6x16xf32, #tpu.memory_space<vmem>>, vector<16xf32>,
    tpu.vector_store %arg35[%swap3A_205, %swap3A_206], %gather3A_203 {strides = array<i32>} : memref<6x16xf32, #tpu.memory_space<vmem>>, vector<16xf32>,
    %broadcast_in_dim3A_208 = arith.constant 4 : i32
    %broadcast_in_dim3A_209 = vector.broadcast %broadcast_in_dim3A_208 : i32 to vector<16xi32>
    %gather3A_210 = tpu.vector_load_idx %arg30[%iota3A, %broadcast_in_dim3A_209] masked %lt3A_182 : memref<6x6xf32, #tpu.memory_space<vmem>>[vector<16xi32>, vector<16xi32>], vector<16xf32>, vector<16xi1>
    %swap3A_211 = arith.constant 4 : i32
    %swap3A_212 = arith.index_cast %swap3A_211 : i32 to index
    %swap3A_213 = arith.constant 0 : index
    %swap3A_214 = tpu.vector_load %arg35[%swap3A_212, %swap3A_213] {strides = array<i32>} : memref<6x16xf32, #tpu.memory_space<vmem>>, vector<16xf32>,
    tpu.vector_store %arg35[%swap3A_212, %swap3A_213], %gather3A_210 {strides = array<i32>} : memref<6x16xf32, #tpu.memory_space<vmem>>, vector<16xf32>,
    %broadcast_in_dim3A_215 = arith.constant 5 : i32
    %broadcast_in_dim3A_216 = vector.broadcast %broadcast_in_dim3A_215 : i32 to vector<16xi32>
    %gather3A_217 = tpu.vector_load_idx %arg30[%iota3A, %broadcast_in_dim3A_216] masked %lt3A_182 : memref<6x6xf32, #tpu.memory_space<vmem>>[vector<16xi32>, vector<16xi32>], vector<16xf32>, vector<16xi1>
    %swap3A_218 = arith.constant 5 : i32
    %swap3A_219 = arith.index_cast %swap3A_218 : i32 to index
    %swap3A_220 = arith.constant 0 : index
    %swap3A_221 = tpu.vector_load %arg35[%swap3A_219, %swap3A_220] {strides = array<i32>} : memref<6x16xf32, #tpu.memory_space<vmem>>, vector<16xf32>,
    tpu.vector_store %arg35[%swap3A_219, %swap3A_220], %gather3A_217 {strides = array<i32>} : memref<6x16xf32, #tpu.memory_space<vmem>>, vector<16xf32>,
    %lt3A_222 = arith.constant 3 : i32
    %lt3A_223 = vector.broadcast %lt3A_222 : i32 to vector<16xi32>
    %lt3A_224 = arith.cmpi slt, %iota3A, %lt3A_223 : vector<16xi32>
    %broadcast_in_dim3A_225 = arith.constant 0 : i32
    %broadcast_in_dim3A_226 = vector.broadcast %broadcast_in_dim3A_225 : i32 to vector<16xi32>
    %gather3A_227 = tpu.vector_load_idx %arg31[%iota3A, %broadcast_in_dim3A_226] masked %lt3A_224 : memref<3x6xf32, #tpu.memory_space<vmem>>[vector<16xi32>, vector<16xi32>], vector<16xf32>, vector<16xi1>
    %swap3A_228 = arith.constant 0 : i32
    %swap3A_229 = arith.index_cast %swap3A_228 : i32 to index
    %swap3A_230 = arith.constant 0 : index
    %swap3A_231 = tpu.vector_load %arg36[%swap3A_229, %swap3A_230] {strides = array<i32>} : memref<6x16xf32, #tpu.memory_space<vmem>>, vector<16xf32>,
    tpu.vector_store %arg36[%swap3A_229, %swap3A_230], %gather3A_227 {strides = array<i32>} : memref<6x16xf32, #tpu.memory_space<vmem>>, vector<16xf32>,
    %broadcast_in_dim3A_232 = arith.constant 1 : i32
    %broadcast_in_dim3A_233 = vector.broadcast %broadcast_in_dim3A_232 : i32 to vector<16xi32>
    %gather3A_234 = tpu.vector_load_idx %arg31[%iota3A, %broadcast_in_dim3A_233] masked %lt3A_224 : memref<3x6xf32, #tpu.memory_space<vmem>>[vector<16xi32>, vector<16xi32>], vector<16xf32>, vector<16xi1>
    %swap3A_235 = arith.constant 1 : i32
    %swap3A_236 = arith.index_cast %swap3A_235 : i32 to index
    %swap3A_237 = arith.constant 0 : index
    %swap3A_238 = tpu.vector_load %arg36[%swap3A_236, %swap3A_237] {strides = array<i32>} : memref<6x16xf32, #tpu.memory_space<vmem>>, vector<16xf32>,
    tpu.vector_store %arg36[%swap3A_236, %swap3A_237], %gather3A_234 {strides = array<i32>} : memref<6x16xf32, #tpu.memory_space<vmem>>, vector<16xf32>,
    %broadcast_in_dim3A_239 = arith.constant 2 : i32
    %broadcast_in_dim3A_240 = vector.broadcast %broadcast_in_dim3A_239 : i32 to vector<16xi32>
    %gather3A_241 = tpu.vector_load_idx %arg31[%iota3A, %broadcast_in_dim3A_240] masked %lt3A_224 : memref<3x6xf32, #tpu.memory_space<vmem>>[vector<16xi32>, vector<16xi32>], vector<16xf32>, vector<16xi1>
    %swap3A_242 = arith.constant 2 : i32
    %swap3A_243 = arith.index_cast %swap3A_242 : i32 to index
    %swap3A_244 = arith.constant 0 : index
    %swap3A_245 = tpu.vector_load %arg36[%swap3A_243, %swap3A_244] {strides = array<i32>} : memref<6x16xf32, #tpu.memory_space<vmem>>, vector<16xf32>,
    tpu.vector_store %arg36[%swap3A_243, %swap3A_244], %gather3A_241 {strides = array<i32>} : memref<6x16xf32, #tpu.memory_space<vmem>>, vector<16xf32>,
    %broadcast_in_dim3A_246 = arith.constant 3 : i32
    %broadcast_in_dim3A_247 = vector.broadcast %broadcast_in_dim3A_246 : i32 to vector<16xi32>
    %gather3A_248 = tpu.vector_load_idx %arg31[%iota3A, %broadcast_in_dim3A_247] masked %lt3A_224 : memref<3x6xf32, #tpu.memory_space<vmem>>[vector<16xi32>, vector<16xi32>], vector<16xf32>, vector<16xi1>
    %swap3A_249 = arith.constant 3 : i32
    %swap3A_250 = arith.index_cast %swap3A_249 : i32 to index
    %swap3A_251 = arith.constant 0 : index
    %swap3A_252 = tpu.vector_load %arg36[%swap3A_250, %swap3A_251] {strides = array<i32>} : memref<6x16xf32, #tpu.memory_space<vmem>>, vector<16xf32>,
    tpu.vector_store %arg36[%swap3A_250, %swap3A_251], %gather3A_248 {strides = array<i32>} : memref<6x16xf32, #tpu.memory_space<vmem>>, vector<16xf32>,
    %broadcast_in_dim3A_253 = arith.constant 4 : i32
    %broadcast_in_dim3A_254 = vector.broadcast %broadcast_in_dim3A_253 : i32 to vector<16xi32>
    %gather3A_255 = tpu.vector_load_idx %arg31[%iota3A, %broadcast_in_dim3A_254] masked %lt3A_224 : memref<3x6xf32, #tpu.memory_space<vmem>>[vector<16xi32>, vector<16xi32>], vector<16xf32>, vector<16xi1>
    %swap3A_256 = arith.constant 4 : i32
    %swap3A_257 = arith.index_cast %swap3A_256 : i32 to index
    %swap3A_258 = arith.constant 0 : index
    %swap3A_259 = tpu.vector_load %arg36[%swap3A_257, %swap3A_258] {strides = array<i32>} : memref<6x16xf32, #tpu.memory_space<vmem>>, vector<16xf32>,
    tpu.vector_store %arg36[%swap3A_257, %swap3A_258], %gather3A_255 {strides = array<i32>} : memref<6x16xf32, #tpu.memory_space<vmem>>, vector<16xf32>,
    %broadcast_in_dim3A_260 = arith.constant 5 : i32
    %broadcast_in_dim3A_261 = vector.broadcast %broadcast_in_dim3A_260 : i32 to vector<16xi32>
    %gather3A_262 = tpu.vector_load_idx %arg31[%iota3A, %broadcast_in_dim3A_261] masked %lt3A_224 : memref<3x6xf32, #tpu.memory_space<vmem>>[vector<16xi32>, vector<16xi32>], vector<16xf32>, vector<16xi1>
    %swap3A_263 = arith.constant 5 : i32
    %swap3A_264 = arith.index_cast %swap3A_263 : i32 to index
    %swap3A_265 = arith.constant 0 : index
    %swap3A_266 = tpu.vector_load %arg36[%swap3A_264, %swap3A_265] {strides = array<i32>} : memref<6x16xf32, #tpu.memory_space<vmem>>, vector<16xf32>,
    tpu.vector_store %arg36[%swap3A_264, %swap3A_265], %gather3A_262 {strides = array<i32>} : memref<6x16xf32, #tpu.memory_space<vmem>>, vector<16xf32>,
    %lt3A_267 = arith.constant 2 : i32
    %lt3A_268 = vector.broadcast %lt3A_267 : i32 to vector<16xi32>
    %lt3A_269 = arith.cmpi slt, %iota3A, %lt3A_268 : vector<16xi32>
    %broadcast_in_dim3A_270 = arith.constant 0 : i32
    %broadcast_in_dim3A_271 = vector.broadcast %broadcast_in_dim3A_270 : i32 to vector<16xi32>
    %gather3A_272 = tpu.vector_load_idx %arg33[%iota3A, %broadcast_in_dim3A_271] masked %lt3A_269 : memref<2x2xf32, #tpu.memory_space<vmem>>[vector<16xi32>, vector<16xi32>], vector<16xf32>, vector<16xi1>
    %swap3A_273 = arith.constant 0 : i32
    %swap3A_274 = arith.index_cast %swap3A_273 : i32 to index
    %swap3A_275 = arith.constant 0 : index
    %swap3A_276 = tpu.vector_load %arg37[%swap3A_274, %swap3A_275] {strides = array<i32>} : memref<2x16xf32, #tpu.memory_space<vmem>>, vector<16xf32>,
    tpu.vector_store %arg37[%swap3A_274, %swap3A_275], %gather3A_272 {strides = array<i32>} : memref<2x16xf32, #tpu.memory_space<vmem>>, vector<16xf32>,
    %broadcast_in_dim3A_277 = arith.constant 1 : i32
    %broadcast_in_dim3A_278 = vector.broadcast %broadcast_in_dim3A_277 : i32 to vector<16xi32>
    %gather3A_279 = tpu.vector_load_idx %arg33[%iota3A, %broadcast_in_dim3A_278] masked %lt3A_269 : memref<2x2xf32, #tpu.memory_space<vmem>>[vector<16xi32>, vector<16xi32>], vector<16xf32>, vector<16xi1>
    %swap3A_280 = arith.constant 1 : i32
    %swap3A_281 = arith.index_cast %swap3A_280 : i32 to index
    %swap3A_282 = arith.constant 0 : index
    %swap3A_283 = tpu.vector_load %arg37[%swap3A_281, %swap3A_282] {strides = array<i32>} : memref<2x16xf32, #tpu.memory_space<vmem>>, vector<16xf32>,
    tpu.vector_store %arg37[%swap3A_281, %swap3A_282], %gather3A_279 {strides = array<i32>} : memref<2x16xf32, #tpu.memory_space<vmem>>, vector<16xf32>,
    %lt3A_284 = arith.constant 2 : i32
    %lt3A_285 = vector.broadcast %lt3A_284 : i32 to vector<16xi32>
    %lt3A_286 = arith.cmpi slt, %iota3A, %lt3A_285 : vector<16xi32>
    %broadcast_in_dim3A_287 = arith.constant 0 : i32
    %broadcast_in_dim3A_288 = vector.broadcast %broadcast_in_dim3A_287 : i32 to vector<16xi32>
    %gather3A_289 = tpu.vector_load_idx %arg34[%iota3A, %broadcast_in_dim3A_288] masked %lt3A_286 : memref<2x2xf32, #tpu.memory_space<vmem>>[vector<16xi32>, vector<16xi32>], vector<16xf32>, vector<16xi1>
    %swap3A_290 = arith.constant 0 : i32
    %swap3A_291 = arith.index_cast %swap3A_290 : i32 to index
    %swap3A_292 = arith.constant 0 : index
    %swap3A_293 = tpu.vector_load %arg38[%swap3A_291, %swap3A_292] {strides = array<i32>} : memref<2x16xf32, #tpu.memory_space<vmem>>, vector<16xf32>,
    tpu.vector_store %arg38[%swap3A_291, %swap3A_292], %gather3A_289 {strides = array<i32>} : memref<2x16xf32, #tpu.memory_space<vmem>>, vector<16xf32>,
    %broadcast_in_dim3A_294 = arith.constant 1 : i32
    %broadcast_in_dim3A_295 = vector.broadcast %broadcast_in_dim3A_294 : i32 to vector<16xi32>
    %gather3A_296 = tpu.vector_load_idx %arg34[%iota3A, %broadcast_in_dim3A_295] masked %lt3A_286 : memref<2x2xf32, #tpu.memory_space<vmem>>[vector<16xi32>, vector<16xi32>], vector<16xf32>, vector<16xi1>
    %swap3A_297 = arith.constant 1 : i32
    %swap3A_298 = arith.index_cast %swap3A_297 : i32 to index
    %swap3A_299 = arith.constant 0 : index
    %swap3A_300 = tpu.vector_load %arg38[%swap3A_298, %swap3A_299] {strides = array<i32>} : memref<2x16xf32, #tpu.memory_space<vmem>>, vector<16xf32>,
    tpu.vector_store %arg38[%swap3A_298, %swap3A_299], %gather3A_296 {strides = array<i32>} : memref<2x16xf32, #tpu.memory_space<vmem>>, vector<16xf32>,
    %parallel_loop3A = arith.constant 0 : i32
    %parallel_loop3A_301 = arith.constant 32 : i32
    %parallel_loop3A_302 = arith.constant 1 : i32
    "tpu.trace_stop"() : () -> ()
    "tpu.trace_start"() <{level = 10 : i32, message = "col_loop"}> : () -> ()
    scf.for %parallel_loop3A_303 = %parallel_loop3A to %parallel_loop3A_301 step %parallel_loop3A_302  : i32 {
      %parallel_loop3A_304 = arith.constant 16 : i32
      %parallel_loop3A_305 = arith.muli %parallel_loop3A_303, %parallel_loop3A_304 : i32
      %parallel_loop3A_306 = arith.constant 0 : i32
      %parallel_loop3A_307 = arith.index_cast %parallel_loop3A_306 : i32 to index
      %parallel_loop3A_308 = arith.index_cast %parallel_loop3A_305 : i32 to index
      %parallel_loop3A_309 = tpu.vector_load %arg23[%parallel_loop3A_307, %parallel_loop3A_308] {strides = array<i32>} : memref<10x512xi32, #tpu.memory_space<vmem>>, vector<16xi32>,
      %parallel_loop3A_310 = arith.constant 1 : i32
      %parallel_loop3A_311 = arith.index_cast %parallel_loop3A_310 : i32 to index
      %parallel_loop3A_312 = arith.index_cast %parallel_loop3A_305 : i32 to index
      %parallel_loop3A_313 = tpu.vector_load %arg23[%parallel_loop3A_311, %parallel_loop3A_312] {strides = array<i32>} : memref<10x512xi32, #tpu.memory_space<vmem>>, vector<16xi32>,
      %parallel_loop3A_314 = arith.constant 2 : i32
      %parallel_loop3A_315 = arith.index_cast %parallel_loop3A_314 : i32 to index
      %parallel_loop3A_316 = arith.index_cast %parallel_loop3A_305 : i32 to index
      %parallel_loop3A_317 = tpu.vector_load %arg23[%parallel_loop3A_315, %parallel_loop3A_316] {strides = array<i32>} : memref<10x512xi32, #tpu.memory_space<vmem>>, vector<16xi32>,
      %parallel_loop3A_318 = arith.constant 3 : i32
      %parallel_loop3A_319 = arith.index_cast %parallel_loop3A_318 : i32 to index
      %parallel_loop3A_320 = arith.index_cast %parallel_loop3A_305 : i32 to index
      %parallel_loop3A_321 = tpu.vector_load %arg23[%parallel_loop3A_319, %parallel_loop3A_320] {strides = array<i32>} : memref<10x512xi32, #tpu.memory_space<vmem>>, vector<16xi32>,
      %parallel_loop3A_322 = arith.constant 4 : i32
      %parallel_loop3A_323 = arith.index_cast %parallel_loop3A_322 : i32 to index
      %parallel_loop3A_324 = arith.index_cast %parallel_loop3A_305 : i32 to index
      %parallel_loop3A_325 = tpu.vector_load %arg23[%parallel_loop3A_323, %parallel_loop3A_324] {strides = array<i32>} : memref<10x512xi32, #tpu.memory_space<vmem>>, vector<16xi32>,
      %parallel_loop3A_326 = arith.constant 5 : i32
      %parallel_loop3A_327 = arith.index_cast %parallel_loop3A_326 : i32 to index
      %parallel_loop3A_328 = arith.index_cast %parallel_loop3A_305 : i32 to index
      %parallel_loop3A_329 = tpu.vector_load %arg23[%parallel_loop3A_327, %parallel_loop3A_328] {strides = array<i32>} : memref<10x512xi32, #tpu.memory_space<vmem>>, vector<16xi32>,
      %parallel_loop3A_330 = arith.constant 6 : i32
      %parallel_loop3A_331 = arith.index_cast %parallel_loop3A_330 : i32 to index
      %parallel_loop3A_332 = arith.index_cast %parallel_loop3A_305 : i32 to index
      %parallel_loop3A_333 = tpu.vector_load %arg23[%parallel_loop3A_331, %parallel_loop3A_332] {strides = array<i32>} : memref<10x512xi32, #tpu.memory_space<vmem>>, vector<16xi32>,
      %parallel_loop3A_334 = arith.constant 7 : i32
      %parallel_loop3A_335 = arith.index_cast %parallel_loop3A_334 : i32 to index
      %parallel_loop3A_336 = arith.index_cast %parallel_loop3A_305 : i32 to index
      %parallel_loop3A_337 = tpu.vector_load %arg23[%parallel_loop3A_335, %parallel_loop3A_336] {strides = array<i32>} : memref<10x512xi32, #tpu.memory_space<vmem>>, vector<16xi32>,
      %parallel_loop3A_338 = arith.constant 8 : i32
      %parallel_loop3A_339 = arith.index_cast %parallel_loop3A_338 : i32 to index
      %parallel_loop3A_340 = arith.index_cast %parallel_loop3A_305 : i32 to index
      %parallel_loop3A_341 = tpu.vector_load %arg23[%parallel_loop3A_339, %parallel_loop3A_340] {strides = array<i32>} : memref<10x512xi32, #tpu.memory_space<vmem>>, vector<16xi32>,
      %parallel_loop3A_342 = arith.constant 9 : i32
      %parallel_loop3A_343 = arith.index_cast %parallel_loop3A_342 : i32 to index
      %parallel_loop3A_344 = arith.index_cast %parallel_loop3A_305 : i32 to index
      %parallel_loop3A_345 = tpu.vector_load %arg23[%parallel_loop3A_343, %parallel_loop3A_344] {strides = array<i32>} : memref<10x512xi32, #tpu.memory_space<vmem>>, vector<16xi32>,
      %parallel_loop3A_346 = arith.constant 0 : i32
      %parallel_loop3A_347 = vector.broadcast %parallel_loop3A_346 : i32 to vector<16xi32>
      %parallel_loop3A_348 = tpu.vector_load_idx %arg25[%parallel_loop3A_347, %parallel_loop3A_309] : memref<10x18xf32, #tpu.memory_space<vmem>>[vector<16xi32>, vector<16xi32>], vector<16xf32>,
      %parallel_loop3A_349 = arith.constant 0 : i32
      %parallel_loop3A_350 = arith.index_cast %parallel_loop3A_349 : i32 to index
      %parallel_loop3A_351 = arith.index_cast %parallel_loop3A_305 : i32 to index
      %parallel_loop3A_352 = tpu.vector_load %arg24[%parallel_loop3A_350, %parallel_loop3A_351] {strides = array<i32>} : memref<64x512xf32, #tpu.memory_space<vmem>>, vector<16xf32>,
      tpu.vector_store %arg24[%parallel_loop3A_350, %parallel_loop3A_351], %parallel_loop3A_348 {strides = array<i32>} : memref<64x512xf32, #tpu.memory_space<vmem>>, vector<16xf32>,
      %parallel_loop3A_353 = arith.constant 1 : i32
      %parallel_loop3A_354 = vector.broadcast %parallel_loop3A_353 : i32 to vector<16xi32>
      %parallel_loop3A_355 = tpu.vector_load_idx %arg25[%parallel_loop3A_354, %parallel_loop3A_309] : memref<10x18xf32, #tpu.memory_space<vmem>>[vector<16xi32>, vector<16xi32>], vector<16xf32>,
      %parallel_loop3A_356 = arith.constant 1 : i32
      %parallel_loop3A_357 = arith.index_cast %parallel_loop3A_356 : i32 to index
      %parallel_loop3A_358 = arith.index_cast %parallel_loop3A_305 : i32 to index
      %parallel_loop3A_359 = tpu.vector_load %arg24[%parallel_loop3A_357, %parallel_loop3A_358] {strides = array<i32>} : memref<64x512xf32, #tpu.memory_space<vmem>>, vector<16xf32>,
      tpu.vector_store %arg24[%parallel_loop3A_357, %parallel_loop3A_358], %parallel_loop3A_355 {strides = array<i32>} : memref<64x512xf32, #tpu.memory_space<vmem>>, vector<16xf32>,
      %parallel_loop3A_360 = arith.constant 2 : i32
      %parallel_loop3A_361 = vector.broadcast %parallel_loop3A_360 : i32 to vector<16xi32>
      %parallel_loop3A_362 = tpu.vector_load_idx %arg25[%parallel_loop3A_361, %parallel_loop3A_309] : memref<10x18xf32, #tpu.memory_space<vmem>>[vector<16xi32>, vector<16xi32>], vector<16xf32>,
      %parallel_loop3A_363 = arith.constant 2 : i32
      %parallel_loop3A_364 = arith.index_cast %parallel_loop3A_363 : i32 to index
      %parallel_loop3A_365 = arith.index_cast %parallel_loop3A_305 : i32 to index
      %parallel_loop3A_366 = tpu.vector_load %arg24[%parallel_loop3A_364, %parallel_loop3A_365] {strides = array<i32>} : memref<64x512xf32, #tpu.memory_space<vmem>>, vector<16xf32>,
      tpu.vector_store %arg24[%parallel_loop3A_364, %parallel_loop3A_365], %parallel_loop3A_362 {strides = array<i32>} : memref<64x512xf32, #tpu.memory_space<vmem>>, vector<16xf32>,
      %parallel_loop3A_367 = arith.constant 3 : i32
      %parallel_loop3A_368 = vector.broadcast %parallel_loop3A_367 : i32 to vector<16xi32>
      %parallel_loop3A_369 = tpu.vector_load_idx %arg25[%parallel_loop3A_368, %parallel_loop3A_309] : memref<10x18xf32, #tpu.memory_space<vmem>>[vector<16xi32>, vector<16xi32>], vector<16xf32>,
      %parallel_loop3A_370 = arith.constant 3 : i32
      %parallel_loop3A_371 = arith.index_cast %parallel_loop3A_370 : i32 to index
      %parallel_loop3A_372 = arith.index_cast %parallel_loop3A_305 : i32 to index
      %parallel_loop3A_373 = tpu.vector_load %arg24[%parallel_loop3A_371, %parallel_loop3A_372] {strides = array<i32>} : memref<64x512xf32, #tpu.memory_space<vmem>>, vector<16xf32>,
      tpu.vector_store %arg24[%parallel_loop3A_371, %parallel_loop3A_372], %parallel_loop3A_369 {strides = array<i32>} : memref<64x512xf32, #tpu.memory_space<vmem>>, vector<16xf32>,
      %parallel_loop3A_374 = arith.constant 4 : i32
      %parallel_loop3A_375 = vector.broadcast %parallel_loop3A_374 : i32 to vector<16xi32>
      %parallel_loop3A_376 = tpu.vector_load_idx %arg25[%parallel_loop3A_375, %parallel_loop3A_309] : memref<10x18xf32, #tpu.memory_space<vmem>>[vector<16xi32>, vector<16xi32>], vector<16xf32>,
      %parallel_loop3A_377 = arith.constant 4 : i32
      %parallel_loop3A_378 = arith.index_cast %parallel_loop3A_377 : i32 to index
      %parallel_loop3A_379 = arith.index_cast %parallel_loop3A_305 : i32 to index
      %parallel_loop3A_380 = tpu.vector_load %arg24[%parallel_loop3A_378, %parallel_loop3A_379] {strides = array<i32>} : memref<64x512xf32, #tpu.memory_space<vmem>>, vector<16xf32>,
      tpu.vector_store %arg24[%parallel_loop3A_378, %parallel_loop3A_379], %parallel_loop3A_376 {strides = array<i32>} : memref<64x512xf32, #tpu.memory_space<vmem>>, vector<16xf32>,
      %parallel_loop3A_381 = arith.constant 5 : i32
      %parallel_loop3A_382 = vector.broadcast %parallel_loop3A_381 : i32 to vector<16xi32>
      %parallel_loop3A_383 = tpu.vector_load_idx %arg25[%parallel_loop3A_382, %parallel_loop3A_309] : memref<10x18xf32, #tpu.memory_space<vmem>>[vector<16xi32>, vector<16xi32>], vector<16xf32>,
      %parallel_loop3A_384 = arith.constant 5 : i32
      %parallel_loop3A_385 = arith.index_cast %parallel_loop3A_384 : i32 to index
      %parallel_loop3A_386 = arith.index_cast %parallel_loop3A_305 : i32 to index
      %parallel_loop3A_387 = tpu.vector_load %arg24[%parallel_loop3A_385, %parallel_loop3A_386] {strides = array<i32>} : memref<64x512xf32, #tpu.memory_space<vmem>>, vector<16xf32>,
      tpu.vector_store %arg24[%parallel_loop3A_385, %parallel_loop3A_386], %parallel_loop3A_383 {strides = array<i32>} : memref<64x512xf32, #tpu.memory_space<vmem>>, vector<16xf32>,
      %parallel_loop3A_388 = arith.constant 6 : i32
      %parallel_loop3A_389 = vector.broadcast %parallel_loop3A_388 : i32 to vector<16xi32>
      %parallel_loop3A_390 = tpu.vector_load_idx %arg25[%parallel_loop3A_389, %parallel_loop3A_309] : memref<10x18xf32, #tpu.memory_space<vmem>>[vector<16xi32>, vector<16xi32>], vector<16xf32>,
      %parallel_loop3A_391 = arith.constant 6 : i32
      %parallel_loop3A_392 = arith.index_cast %parallel_loop3A_391 : i32 to index
      %parallel_loop3A_393 = arith.index_cast %parallel_loop3A_305 : i32 to index
      %parallel_loop3A_394 = tpu.vector_load %arg24[%parallel_loop3A_392, %parallel_loop3A_393] {strides = array<i32>} : memref<64x512xf32, #tpu.memory_space<vmem>>, vector<16xf32>,
      tpu.vector_store %arg24[%parallel_loop3A_392, %parallel_loop3A_393], %parallel_loop3A_390 {strides = array<i32>} : memref<64x512xf32, #tpu.memory_space<vmem>>, vector<16xf32>,
      %parallel_loop3A_395 = arith.constant 7 : i32
      %parallel_loop3A_396 = vector.broadcast %parallel_loop3A_395 : i32 to vector<16xi32>
      %parallel_loop3A_397 = tpu.vector_load_idx %arg25[%parallel_loop3A_396, %parallel_loop3A_309] : memref<10x18xf32, #tpu.memory_space<vmem>>[vector<16xi32>, vector<16xi32>], vector<16xf32>,
      %parallel_loop3A_398 = arith.constant 7 : i32
      %parallel_loop3A_399 = arith.index_cast %parallel_loop3A_398 : i32 to index
      %parallel_loop3A_400 = arith.index_cast %parallel_loop3A_305 : i32 to index
      %parallel_loop3A_401 = tpu.vector_load %arg24[%parallel_loop3A_399, %parallel_loop3A_400] {strides = array<i32>} : memref<64x512xf32, #tpu.memory_space<vmem>>, vector<16xf32>,
      tpu.vector_store %arg24[%parallel_loop3A_399, %parallel_loop3A_400], %parallel_loop3A_397 {strides = array<i32>} : memref<64x512xf32, #tpu.memory_space<vmem>>, vector<16xf32>,
      %parallel_loop3A_402 = arith.constant 8 : i32
      %parallel_loop3A_403 = vector.broadcast %parallel_loop3A_402 : i32 to vector<16xi32>
      %parallel_loop3A_404 = tpu.vector_load_idx %arg25[%parallel_loop3A_403, %parallel_loop3A_309] : memref<10x18xf32, #tpu.memory_space<vmem>>[vector<16xi32>, vector<16xi32>], vector<16xf32>,
      %parallel_loop3A_405 = arith.constant 8 : i32
      %parallel_loop3A_406 = arith.index_cast %parallel_loop3A_405 : i32 to index
      %parallel_loop3A_407 = arith.index_cast %parallel_loop3A_305 : i32 to index
      %parallel_loop3A_408 = tpu.vector_load %arg24[%parallel_loop3A_406, %parallel_loop3A_407] {strides = array<i32>} : memref<64x512xf32, #tpu.memory_space<vmem>>, vector<16xf32>,
      tpu.vector_store %arg24[%parallel_loop3A_406, %parallel_loop3A_407], %parallel_loop3A_404 {strides = array<i32>} : memref<64x512xf32, #tpu.memory_space<vmem>>, vector<16xf32>,
      %parallel_loop3A_409 = arith.constant 9 : i32
      %parallel_loop3A_410 = vector.broadcast %parallel_loop3A_409 : i32 to vector<16xi32>
      %parallel_loop3A_411 = tpu.vector_load_idx %arg25[%parallel_loop3A_410, %parallel_loop3A_309] : memref<10x18xf32, #tpu.memory_space<vmem>>[vector<16xi32>, vector<16xi32>], vector<16xf32>,
      %parallel_loop3A_412 = arith.constant 9 : i32
      %parallel_loop3A_413 = arith.index_cast %parallel_loop3A_412 : i32 to index
      %parallel_loop3A_414 = arith.index_cast %parallel_loop3A_305 : i32 to index
      %parallel_loop3A_415 = tpu.vector_load %arg24[%parallel_loop3A_413, %parallel_loop3A_414] {strides = array<i32>} : memref<64x512xf32, #tpu.memory_space<vmem>>, vector<16xf32>,
      tpu.vector_store %arg24[%parallel_loop3A_413, %parallel_loop3A_414], %parallel_loop3A_411 {strides = array<i32>} : memref<64x512xf32, #tpu.memory_space<vmem>>, vector<16xf32>,
      %parallel_loop3A_416 = arith.constant 0 : i32
      %parallel_loop3A_417 = vector.broadcast %parallel_loop3A_416 : i32 to vector<16xi32>
      %parallel_loop3A_418 = tpu.vector_load_idx %arg26[%parallel_loop3A_417, %parallel_loop3A_313] : memref<10x19xf32, #tpu.memory_space<vmem>>[vector<16xi32>, vector<16xi32>], vector<16xf32>,
      %parallel_loop3A_419 = arith.constant 10 : i32
      %parallel_loop3A_420 = arith.index_cast %parallel_loop3A_419 : i32 to index
      %parallel_loop3A_421 = arith.index_cast %parallel_loop3A_305 : i32 to index
      %parallel_loop3A_422 = tpu.vector_load %arg24[%parallel_loop3A_420, %parallel_loop3A_421] {strides = array<i32>} : memref<64x512xf32, #tpu.memory_space<vmem>>, vector<16xf32>,
      tpu.vector_store %arg24[%parallel_loop3A_420, %parallel_loop3A_421], %parallel_loop3A_418 {strides = array<i32>} : memref<64x512xf32, #tpu.memory_space<vmem>>, vector<16xf32>,
      %parallel_loop3A_423 = arith.constant 1 : i32
      %parallel_loop3A_424 = vector.broadcast %parallel_loop3A_423 : i32 to vector<16xi32>
      %parallel_loop3A_425 = tpu.vector_load_idx %arg26[%parallel_loop3A_424, %parallel_loop3A_313] : memref<10x19xf32, #tpu.memory_space<vmem>>[vector<16xi32>, vector<16xi32>], vector<16xf32>,
      %parallel_loop3A_426 = arith.constant 11 : i32
      %parallel_loop3A_427 = arith.index_cast %parallel_loop3A_426 : i32 to index
      %parallel_loop3A_428 = arith.index_cast %parallel_loop3A_305 : i32 to index
      %parallel_loop3A_429 = tpu.vector_load %arg24[%parallel_loop3A_427, %parallel_loop3A_428] {strides = array<i32>} : memref<64x512xf32, #tpu.memory_space<vmem>>, vector<16xf32>,
      tpu.vector_store %arg24[%parallel_loop3A_427, %parallel_loop3A_428], %parallel_loop3A_425 {strides = array<i32>} : memref<64x512xf32, #tpu.memory_space<vmem>>, vector<16xf32>,
      %parallel_loop3A_430 = arith.constant 2 : i32
      %parallel_loop3A_431 = vector.broadcast %parallel_loop3A_430 : i32 to vector<16xi32>
      %parallel_loop3A_432 = tpu.vector_load_idx %arg26[%parallel_loop3A_431, %parallel_loop3A_313] : memref<10x19xf32, #tpu.memory_space<vmem>>[vector<16xi32>, vector<16xi32>], vector<16xf32>,
      %parallel_loop3A_433 = arith.constant 12 : i32
      %parallel_loop3A_434 = arith.index_cast %parallel_loop3A_433 : i32 to index
      %parallel_loop3A_435 = arith.index_cast %parallel_loop3A_305 : i32 to index
      %parallel_loop3A_436 = tpu.vector_load %arg24[%parallel_loop3A_434, %parallel_loop3A_435] {strides = array<i32>} : memref<64x512xf32, #tpu.memory_space<vmem>>, vector<16xf32>,
      tpu.vector_store %arg24[%parallel_loop3A_434, %parallel_loop3A_435], %parallel_loop3A_432 {strides = array<i32>} : memref<64x512xf32, #tpu.memory_space<vmem>>, vector<16xf32>,
      %parallel_loop3A_437 = arith.constant 3 : i32
      %parallel_loop3A_438 = vector.broadcast %parallel_loop3A_437 : i32 to vector<16xi32>
      %parallel_loop3A_439 = tpu.vector_load_idx %arg26[%parallel_loop3A_438, %parallel_loop3A_313] : memref<10x19xf32, #tpu.memory_space<vmem>>[vector<16xi32>, vector<16xi32>], vector<16xf32>,
      %parallel_loop3A_440 = arith.constant 13 : i32
      %parallel_loop3A_441 = arith.index_cast %parallel_loop3A_440 : i32 to index
      %parallel_loop3A_442 = arith.index_cast %parallel_loop3A_305 : i32 to index
      %parallel_loop3A_443 = tpu.vector_load %arg24[%parallel_loop3A_441, %parallel_loop3A_442] {strides = array<i32>} : memref<64x512xf32, #tpu.memory_space<vmem>>, vector<16xf32>,
      tpu.vector_store %arg24[%parallel_loop3A_441, %parallel_loop3A_442], %parallel_loop3A_439 {strides = array<i32>} : memref<64x512xf32, #tpu.memory_space<vmem>>, vector<16xf32>,
      %parallel_loop3A_444 = arith.constant 4 : i32
      %parallel_loop3A_445 = vector.broadcast %parallel_loop3A_444 : i32 to vector<16xi32>
      %parallel_loop3A_446 = tpu.vector_load_idx %arg26[%parallel_loop3A_445, %parallel_loop3A_313] : memref<10x19xf32, #tpu.memory_space<vmem>>[vector<16xi32>, vector<16xi32>], vector<16xf32>,
      %parallel_loop3A_447 = arith.constant 14 : i32
      %parallel_loop3A_448 = arith.index_cast %parallel_loop3A_447 : i32 to index
      %parallel_loop3A_449 = arith.index_cast %parallel_loop3A_305 : i32 to index
      %parallel_loop3A_450 = tpu.vector_load %arg24[%parallel_loop3A_448, %parallel_loop3A_449] {strides = array<i32>} : memref<64x512xf32, #tpu.memory_space<vmem>>, vector<16xf32>,
      tpu.vector_store %arg24[%parallel_loop3A_448, %parallel_loop3A_449], %parallel_loop3A_446 {strides = array<i32>} : memref<64x512xf32, #tpu.memory_space<vmem>>, vector<16xf32>,
      %parallel_loop3A_451 = arith.constant 5 : i32
      %parallel_loop3A_452 = vector.broadcast %parallel_loop3A_451 : i32 to vector<16xi32>
      %parallel_loop3A_453 = tpu.vector_load_idx %arg26[%parallel_loop3A_452, %parallel_loop3A_313] : memref<10x19xf32, #tpu.memory_space<vmem>>[vector<16xi32>, vector<16xi32>], vector<16xf32>,
      %parallel_loop3A_454 = arith.constant 15 : i32
      %parallel_loop3A_455 = arith.index_cast %parallel_loop3A_454 : i32 to index
      %parallel_loop3A_456 = arith.index_cast %parallel_loop3A_305 : i32 to index
      %parallel_loop3A_457 = tpu.vector_load %arg24[%parallel_loop3A_455, %parallel_loop3A_456] {strides = array<i32>} : memref<64x512xf32, #tpu.memory_space<vmem>>, vector<16xf32>,
      tpu.vector_store %arg24[%parallel_loop3A_455, %parallel_loop3A_456], %parallel_loop3A_453 {strides = array<i32>} : memref<64x512xf32, #tpu.memory_space<vmem>>, vector<16xf32>,
      %parallel_loop3A_458 = arith.constant 6 : i32
      %parallel_loop3A_459 = vector.broadcast %parallel_loop3A_458 : i32 to vector<16xi32>
      %parallel_loop3A_460 = tpu.vector_load_idx %arg26[%parallel_loop3A_459, %parallel_loop3A_313] : memref<10x19xf32, #tpu.memory_space<vmem>>[vector<16xi32>, vector<16xi32>], vector<16xf32>,
      %parallel_loop3A_461 = arith.constant 16 : i32
      %parallel_loop3A_462 = arith.index_cast %parallel_loop3A_461 : i32 to index
      %parallel_loop3A_463 = arith.index_cast %parallel_loop3A_305 : i32 to index
      %parallel_loop3A_464 = tpu.vector_load %arg24[%parallel_loop3A_462, %parallel_loop3A_463] {strides = array<i32>} : memref<64x512xf32, #tpu.memory_space<vmem>>, vector<16xf32>,
      tpu.vector_store %arg24[%parallel_loop3A_462, %parallel_loop3A_463], %parallel_loop3A_460 {strides = array<i32>} : memref<64x512xf32, #tpu.memory_space<vmem>>, vector<16xf32>,
      %parallel_loop3A_465 = arith.constant 7 : i32
      %parallel_loop3A_466 = vector.broadcast %parallel_loop3A_465 : i32 to vector<16xi32>
      %parallel_loop3A_467 = tpu.vector_load_idx %arg26[%parallel_loop3A_466, %parallel_loop3A_313] : memref<10x19xf32, #tpu.memory_space<vmem>>[vector<16xi32>, vector<16xi32>], vector<16xf32>,
      %parallel_loop3A_468 = arith.constant 17 : i32
      %parallel_loop3A_469 = arith.index_cast %parallel_loop3A_468 : i32 to index
      %parallel_loop3A_470 = arith.index_cast %parallel_loop3A_305 : i32 to index
      %parallel_loop3A_471 = tpu.vector_load %arg24[%parallel_loop3A_469, %parallel_loop3A_470] {strides = array<i32>} : memref<64x512xf32, #tpu.memory_space<vmem>>, vector<16xf32>,
      tpu.vector_store %arg24[%parallel_loop3A_469, %parallel_loop3A_470], %parallel_loop3A_467 {strides = array<i32>} : memref<64x512xf32, #tpu.memory_space<vmem>>, vector<16xf32>,
      %parallel_loop3A_472 = arith.constant 8 : i32
      %parallel_loop3A_473 = vector.broadcast %parallel_loop3A_472 : i32 to vector<16xi32>
      %parallel_loop3A_474 = tpu.vector_load_idx %arg26[%parallel_loop3A_473, %parallel_loop3A_313] : memref<10x19xf32, #tpu.memory_space<vmem>>[vector<16xi32>, vector<16xi32>], vector<16xf32>,
      %parallel_loop3A_475 = arith.constant 18 : i32
      %parallel_loop3A_476 = arith.index_cast %parallel_loop3A_475 : i32 to index
      %parallel_loop3A_477 = arith.index_cast %parallel_loop3A_305 : i32 to index
      %parallel_loop3A_478 = tpu.vector_load %arg24[%parallel_loop3A_476, %parallel_loop3A_477] {strides = array<i32>} : memref<64x512xf32, #tpu.memory_space<vmem>>, vector<16xf32>,
      tpu.vector_store %arg24[%parallel_loop3A_476, %parallel_loop3A_477], %parallel_loop3A_474 {strides = array<i32>} : memref<64x512xf32, #tpu.memory_space<vmem>>, vector<16xf32>,
      %parallel_loop3A_479 = arith.constant 9 : i32
      %parallel_loop3A_480 = vector.broadcast %parallel_loop3A_479 : i32 to vector<16xi32>
      %parallel_loop3A_481 = tpu.vector_load_idx %arg26[%parallel_loop3A_480, %parallel_loop3A_313] : memref<10x19xf32, #tpu.memory_space<vmem>>[vector<16xi32>, vector<16xi32>], vector<16xf32>,
      %parallel_loop3A_482 = arith.constant 19 : i32
      %parallel_loop3A_483 = arith.index_cast %parallel_loop3A_482 : i32 to index
      %parallel_loop3A_484 = arith.index_cast %parallel_loop3A_305 : i32 to index
      %parallel_loop3A_485 = tpu.vector_load %arg24[%parallel_loop3A_483, %parallel_loop3A_484] {strides = array<i32>} : memref<64x512xf32, #tpu.memory_space<vmem>>, vector<16xf32>,
      tpu.vector_store %arg24[%parallel_loop3A_483, %parallel_loop3A_484], %parallel_loop3A_481 {strides = array<i32>} : memref<64x512xf32, #tpu.memory_space<vmem>>, vector<16xf32>,
      %parallel_loop3A_486 = arith.constant 0 : i32
      %parallel_loop3A_487 = vector.broadcast %parallel_loop3A_486 : i32 to vector<16xi32>
      %parallel_loop3A_488 = tpu.vector_load_idx %arg27[%parallel_loop3A_487, %parallel_loop3A_317] : memref<8x10xf32, #tpu.memory_space<vmem>>[vector<16xi32>, vector<16xi32>], vector<16xf32>,
      %parallel_loop3A_489 = arith.constant 20 : i32
      %parallel_loop3A_490 = arith.index_cast %parallel_loop3A_489 : i32 to index
      %parallel_loop3A_491 = arith.index_cast %parallel_loop3A_305 : i32 to index
      %parallel_loop3A_492 = tpu.vector_load %arg24[%parallel_loop3A_490, %parallel_loop3A_491] {strides = array<i32>} : memref<64x512xf32, #tpu.memory_space<vmem>>, vector<16xf32>,
      tpu.vector_store %arg24[%parallel_loop3A_490, %parallel_loop3A_491], %parallel_loop3A_488 {strides = array<i32>} : memref<64x512xf32, #tpu.memory_space<vmem>>, vector<16xf32>,
      %parallel_loop3A_493 = arith.constant 1 : i32
      %parallel_loop3A_494 = vector.broadcast %parallel_loop3A_493 : i32 to vector<16xi32>
      %parallel_loop3A_495 = tpu.vector_load_idx %arg27[%parallel_loop3A_494, %parallel_loop3A_317] : memref<8x10xf32, #tpu.memory_space<vmem>>[vector<16xi32>, vector<16xi32>], vector<16xf32>,
      %parallel_loop3A_496 = arith.constant 21 : i32
      %parallel_loop3A_497 = arith.index_cast %parallel_loop3A_496 : i32 to index
      %parallel_loop3A_498 = arith.index_cast %parallel_loop3A_305 : i32 to index
      %parallel_loop3A_499 = tpu.vector_load %arg24[%parallel_loop3A_497, %parallel_loop3A_498] {strides = array<i32>} : memref<64x512xf32, #tpu.memory_space<vmem>>, vector<16xf32>,
      tpu.vector_store %arg24[%parallel_loop3A_497, %parallel_loop3A_498], %parallel_loop3A_495 {strides = array<i32>} : memref<64x512xf32, #tpu.memory_space<vmem>>, vector<16xf32>,
      %parallel_loop3A_500 = arith.constant 2 : i32
      %parallel_loop3A_501 = vector.broadcast %parallel_loop3A_500 : i32 to vector<16xi32>
      %parallel_loop3A_502 = tpu.vector_load_idx %arg27[%parallel_loop3A_501, %parallel_loop3A_317] : memref<8x10xf32, #tpu.memory_space<vmem>>[vector<16xi32>, vector<16xi32>], vector<16xf32>,
      %parallel_loop3A_503 = arith.constant 22 : i32
      %parallel_loop3A_504 = arith.index_cast %parallel_loop3A_503 : i32 to index
      %parallel_loop3A_505 = arith.index_cast %parallel_loop3A_305 : i32 to index
      %parallel_loop3A_506 = tpu.vector_load %arg24[%parallel_loop3A_504, %parallel_loop3A_505] {strides = array<i32>} : memref<64x512xf32, #tpu.memory_space<vmem>>, vector<16xf32>,
      tpu.vector_store %arg24[%parallel_loop3A_504, %parallel_loop3A_505], %parallel_loop3A_502 {strides = array<i32>} : memref<64x512xf32, #tpu.memory_space<vmem>>, vector<16xf32>,
      %parallel_loop3A_507 = arith.constant 3 : i32
      %parallel_loop3A_508 = vector.broadcast %parallel_loop3A_507 : i32 to vector<16xi32>
      %parallel_loop3A_509 = tpu.vector_load_idx %arg27[%parallel_loop3A_508, %parallel_loop3A_317] : memref<8x10xf32, #tpu.memory_space<vmem>>[vector<16xi32>, vector<16xi32>], vector<16xf32>,
      %parallel_loop3A_510 = arith.constant 23 : i32
      %parallel_loop3A_511 = arith.index_cast %parallel_loop3A_510 : i32 to index
      %parallel_loop3A_512 = arith.index_cast %parallel_loop3A_305 : i32 to index
      %parallel_loop3A_513 = tpu.vector_load %arg24[%parallel_loop3A_511, %parallel_loop3A_512] {strides = array<i32>} : memref<64x512xf32, #tpu.memory_space<vmem>>, vector<16xf32>,
      tpu.vector_store %arg24[%parallel_loop3A_511, %parallel_loop3A_512], %parallel_loop3A_509 {strides = array<i32>} : memref<64x512xf32, #tpu.memory_space<vmem>>, vector<16xf32>,
      %parallel_loop3A_514 = arith.constant 4 : i32
      %parallel_loop3A_515 = vector.broadcast %parallel_loop3A_514 : i32 to vector<16xi32>
      %parallel_loop3A_516 = tpu.vector_load_idx %arg27[%parallel_loop3A_515, %parallel_loop3A_317] : memref<8x10xf32, #tpu.memory_space<vmem>>[vector<16xi32>, vector<16xi32>], vector<16xf32>,
      %parallel_loop3A_517 = arith.constant 24 : i32
      %parallel_loop3A_518 = arith.index_cast %parallel_loop3A_517 : i32 to index
      %parallel_loop3A_519 = arith.index_cast %parallel_loop3A_305 : i32 to index
      %parallel_loop3A_520 = tpu.vector_load %arg24[%parallel_loop3A_518, %parallel_loop3A_519] {strides = array<i32>} : memref<64x512xf32, #tpu.memory_space<vmem>>, vector<16xf32>,
      tpu.vector_store %arg24[%parallel_loop3A_518, %parallel_loop3A_519], %parallel_loop3A_516 {strides = array<i32>} : memref<64x512xf32, #tpu.memory_space<vmem>>, vector<16xf32>,
      %parallel_loop3A_521 = arith.constant 5 : i32
      %parallel_loop3A_522 = vector.broadcast %parallel_loop3A_521 : i32 to vector<16xi32>
      %parallel_loop3A_523 = tpu.vector_load_idx %arg27[%parallel_loop3A_522, %parallel_loop3A_317] : memref<8x10xf32, #tpu.memory_space<vmem>>[vector<16xi32>, vector<16xi32>], vector<16xf32>,
      %parallel_loop3A_524 = arith.constant 25 : i32
      %parallel_loop3A_525 = arith.index_cast %parallel_loop3A_524 : i32 to index
      %parallel_loop3A_526 = arith.index_cast %parallel_loop3A_305 : i32 to index
      %parallel_loop3A_527 = tpu.vector_load %arg24[%parallel_loop3A_525, %parallel_loop3A_526] {strides = array<i32>} : memref<64x512xf32, #tpu.memory_space<vmem>>, vector<16xf32>,
      tpu.vector_store %arg24[%parallel_loop3A_525, %parallel_loop3A_526], %parallel_loop3A_523 {strides = array<i32>} : memref<64x512xf32, #tpu.memory_space<vmem>>, vector<16xf32>,
      %parallel_loop3A_528 = arith.constant 6 : i32
      %parallel_loop3A_529 = vector.broadcast %parallel_loop3A_528 : i32 to vector<16xi32>
      %parallel_loop3A_530 = tpu.vector_load_idx %arg27[%parallel_loop3A_529, %parallel_loop3A_317] : memref<8x10xf32, #tpu.memory_space<vmem>>[vector<16xi32>, vector<16xi32>], vector<16xf32>,
      %parallel_loop3A_531 = arith.constant 26 : i32
      %parallel_loop3A_532 = arith.index_cast %parallel_loop3A_531 : i32 to index
      %parallel_loop3A_533 = arith.index_cast %parallel_loop3A_305 : i32 to index
      %parallel_loop3A_534 = tpu.vector_load %arg24[%parallel_loop3A_532, %parallel_loop3A_533] {strides = array<i32>} : memref<64x512xf32, #tpu.memory_space<vmem>>, vector<16xf32>,
      tpu.vector_store %arg24[%parallel_loop3A_532, %parallel_loop3A_533], %parallel_loop3A_530 {strides = array<i32>} : memref<64x512xf32, #tpu.memory_space<vmem>>, vector<16xf32>,
      %parallel_loop3A_535 = arith.constant 7 : i32
      %parallel_loop3A_536 = vector.broadcast %parallel_loop3A_535 : i32 to vector<16xi32>
      %parallel_loop3A_537 = tpu.vector_load_idx %arg27[%parallel_loop3A_536, %parallel_loop3A_317] : memref<8x10xf32, #tpu.memory_space<vmem>>[vector<16xi32>, vector<16xi32>], vector<16xf32>,
      %parallel_loop3A_538 = arith.constant 27 : i32
      %parallel_loop3A_539 = arith.index_cast %parallel_loop3A_538 : i32 to index
      %parallel_loop3A_540 = arith.index_cast %parallel_loop3A_305 : i32 to index
      %parallel_loop3A_541 = tpu.vector_load %arg24[%parallel_loop3A_539, %parallel_loop3A_540] {strides = array<i32>} : memref<64x512xf32, #tpu.memory_space<vmem>>, vector<16xf32>,
      tpu.vector_store %arg24[%parallel_loop3A_539, %parallel_loop3A_540], %parallel_loop3A_537 {strides = array<i32>} : memref<64x512xf32, #tpu.memory_space<vmem>>, vector<16xf32>,
      %parallel_loop3A_542 = arith.constant 0 : i32
      %parallel_loop3A_543 = vector.broadcast %parallel_loop3A_542 : i32 to vector<16xi32>
      %parallel_loop3A_544 = tpu.vector_load_idx %arg28[%parallel_loop3A_543, %parallel_loop3A_321] : memref<8x11xf32, #tpu.memory_space<vmem>>[vector<16xi32>, vector<16xi32>], vector<16xf32>,
      %parallel_loop3A_545 = arith.constant 28 : i32
      %parallel_loop3A_546 = arith.index_cast %parallel_loop3A_545 : i32 to index
      %parallel_loop3A_547 = arith.index_cast %parallel_loop3A_305 : i32 to index
      %parallel_loop3A_548 = tpu.vector_load %arg24[%parallel_loop3A_546, %parallel_loop3A_547] {strides = array<i32>} : memref<64x512xf32, #tpu.memory_space<vmem>>, vector<16xf32>,
      tpu.vector_store %arg24[%parallel_loop3A_546, %parallel_loop3A_547], %parallel_loop3A_544 {strides = array<i32>} : memref<64x512xf32, #tpu.memory_space<vmem>>, vector<16xf32>,
      %parallel_loop3A_549 = arith.constant 1 : i32
      %parallel_loop3A_550 = vector.broadcast %parallel_loop3A_549 : i32 to vector<16xi32>
      %parallel_loop3A_551 = tpu.vector_load_idx %arg28[%parallel_loop3A_550, %parallel_loop3A_321] : memref<8x11xf32, #tpu.memory_space<vmem>>[vector<16xi32>, vector<16xi32>], vector<16xf32>,
      %parallel_loop3A_552 = arith.constant 29 : i32
      %parallel_loop3A_553 = arith.index_cast %parallel_loop3A_552 : i32 to index
      %parallel_loop3A_554 = arith.index_cast %parallel_loop3A_305 : i32 to index
      %parallel_loop3A_555 = tpu.vector_load %arg24[%parallel_loop3A_553, %parallel_loop3A_554] {strides = array<i32>} : memref<64x512xf32, #tpu.memory_space<vmem>>, vector<16xf32>,
      tpu.vector_store %arg24[%parallel_loop3A_553, %parallel_loop3A_554], %parallel_loop3A_551 {strides = array<i32>} : memref<64x512xf32, #tpu.memory_space<vmem>>, vector<16xf32>,
      %parallel_loop3A_556 = arith.constant 2 : i32
      %parallel_loop3A_557 = vector.broadcast %parallel_loop3A_556 : i32 to vector<16xi32>
      %parallel_loop3A_558 = tpu.vector_load_idx %arg28[%parallel_loop3A_557, %parallel_loop3A_321] : memref<8x11xf32, #tpu.memory_space<vmem>>[vector<16xi32>, vector<16xi32>], vector<16xf32>,
      %parallel_loop3A_559 = arith.constant 30 : i32
      %parallel_loop3A_560 = arith.index_cast %parallel_loop3A_559 : i32 to index
      %parallel_loop3A_561 = arith.index_cast %parallel_loop3A_305 : i32 to index
      %parallel_loop3A_562 = tpu.vector_load %arg24[%parallel_loop3A_560, %parallel_loop3A_561] {strides = array<i32>} : memref<64x512xf32, #tpu.memory_space<vmem>>, vector<16xf32>,
      tpu.vector_store %arg24[%parallel_loop3A_560, %parallel_loop3A_561], %parallel_loop3A_558 {strides = array<i32>} : memref<64x512xf32, #tpu.memory_space<vmem>>, vector<16xf32>,
      %parallel_loop3A_563 = arith.constant 3 : i32
      %parallel_loop3A_564 = vector.broadcast %parallel_loop3A_563 : i32 to vector<16xi32>
      %parallel_loop3A_565 = tpu.vector_load_idx %arg28[%parallel_loop3A_564, %parallel_loop3A_321] : memref<8x11xf32, #tpu.memory_space<vmem>>[vector<16xi32>, vector<16xi32>], vector<16xf32>,
      %parallel_loop3A_566 = arith.constant 31 : i32
      %parallel_loop3A_567 = arith.index_cast %parallel_loop3A_566 : i32 to index
      %parallel_loop3A_568 = arith.index_cast %parallel_loop3A_305 : i32 to index
      %parallel_loop3A_569 = tpu.vector_load %arg24[%parallel_loop3A_567, %parallel_loop3A_568] {strides = array<i32>} : memref<64x512xf32, #tpu.memory_space<vmem>>, vector<16xf32>,
      tpu.vector_store %arg24[%parallel_loop3A_567, %parallel_loop3A_568], %parallel_loop3A_565 {strides = array<i32>} : memref<64x512xf32, #tpu.memory_space<vmem>>, vector<16xf32>,
      %parallel_loop3A_570 = arith.constant 4 : i32
      %parallel_loop3A_571 = vector.broadcast %parallel_loop3A_570 : i32 to vector<16xi32>
      %parallel_loop3A_572 = tpu.vector_load_idx %arg28[%parallel_loop3A_571, %parallel_loop3A_321] : memref<8x11xf32, #tpu.memory_space<vmem>>[vector<16xi32>, vector<16xi32>], vector<16xf32>,
      %parallel_loop3A_573 = arith.constant 32 : i32
      %parallel_loop3A_574 = arith.index_cast %parallel_loop3A_573 : i32 to index
      %parallel_loop3A_575 = arith.index_cast %parallel_loop3A_305 : i32 to index
      %parallel_loop3A_576 = tpu.vector_load %arg24[%parallel_loop3A_574, %parallel_loop3A_575] {strides = array<i32>} : memref<64x512xf32, #tpu.memory_space<vmem>>, vector<16xf32>,
      tpu.vector_store %arg24[%parallel_loop3A_574, %parallel_loop3A_575], %parallel_loop3A_572 {strides = array<i32>} : memref<64x512xf32, #tpu.memory_space<vmem>>, vector<16xf32>,
      %parallel_loop3A_577 = arith.constant 5 : i32
      %parallel_loop3A_578 = vector.broadcast %parallel_loop3A_577 : i32 to vector<16xi32>
      %parallel_loop3A_579 = tpu.vector_load_idx %arg28[%parallel_loop3A_578, %parallel_loop3A_321] : memref<8x11xf32, #tpu.memory_space<vmem>>[vector<16xi32>, vector<16xi32>], vector<16xf32>,
      %parallel_loop3A_580 = arith.constant 33 : i32
      %parallel_loop3A_581 = arith.index_cast %parallel_loop3A_580 : i32 to index
      %parallel_loop3A_582 = arith.index_cast %parallel_loop3A_305 : i32 to index
      %parallel_loop3A_583 = tpu.vector_load %arg24[%parallel_loop3A_581, %parallel_loop3A_582] {strides = array<i32>} : memref<64x512xf32, #tpu.memory_space<vmem>>, vector<16xf32>,
      tpu.vector_store %arg24[%parallel_loop3A_581, %parallel_loop3A_582], %parallel_loop3A_579 {strides = array<i32>} : memref<64x512xf32, #tpu.memory_space<vmem>>, vector<16xf32>,
      %parallel_loop3A_584 = arith.constant 6 : i32
      %parallel_loop3A_585 = vector.broadcast %parallel_loop3A_584 : i32 to vector<16xi32>
      %parallel_loop3A_586 = tpu.vector_load_idx %arg28[%parallel_loop3A_585, %parallel_loop3A_321] : memref<8x11xf32, #tpu.memory_space<vmem>>[vector<16xi32>, vector<16xi32>], vector<16xf32>,
      %parallel_loop3A_587 = arith.constant 34 : i32
      %parallel_loop3A_588 = arith.index_cast %parallel_loop3A_587 : i32 to index
      %parallel_loop3A_589 = arith.index_cast %parallel_loop3A_305 : i32 to index
      %parallel_loop3A_590 = tpu.vector_load %arg24[%parallel_loop3A_588, %parallel_loop3A_589] {strides = array<i32>} : memref<64x512xf32, #tpu.memory_space<vmem>>, vector<16xf32>,
      tpu.vector_store %arg24[%parallel_loop3A_588, %parallel_loop3A_589], %parallel_loop3A_586 {strides = array<i32>} : memref<64x512xf32, #tpu.memory_space<vmem>>, vector<16xf32>,
      %parallel_loop3A_591 = arith.constant 7 : i32
      %parallel_loop3A_592 = vector.broadcast %parallel_loop3A_591 : i32 to vector<16xi32>
      %parallel_loop3A_593 = tpu.vector_load_idx %arg28[%parallel_loop3A_592, %parallel_loop3A_321] : memref<8x11xf32, #tpu.memory_space<vmem>>[vector<16xi32>, vector<16xi32>], vector<16xf32>,
      %parallel_loop3A_594 = arith.constant 35 : i32
      %parallel_loop3A_595 = arith.index_cast %parallel_loop3A_594 : i32 to index
      %parallel_loop3A_596 = arith.index_cast %parallel_loop3A_305 : i32 to index
      %parallel_loop3A_597 = tpu.vector_load %arg24[%parallel_loop3A_595, %parallel_loop3A_596] {strides = array<i32>} : memref<64x512xf32, #tpu.memory_space<vmem>>, vector<16xf32>,
      tpu.vector_store %arg24[%parallel_loop3A_595, %parallel_loop3A_596], %parallel_loop3A_593 {strides = array<i32>} : memref<64x512xf32, #tpu.memory_space<vmem>>, vector<16xf32>,
      %parallel_loop3A_598 = arith.constant 0 : i32
      %parallel_loop3A_599 = vector.broadcast %parallel_loop3A_598 : i32 to vector<16xi32>
      %parallel_loop3A_600 = tpu.vector_load_idx %arg29[%parallel_loop3A_599, %parallel_loop3A_325] : memref<6x14xf32, #tpu.memory_space<vmem>>[vector<16xi32>, vector<16xi32>], vector<16xf32>,
      %parallel_loop3A_601 = arith.constant 36 : i32
      %parallel_loop3A_602 = arith.index_cast %parallel_loop3A_601 : i32 to index
      %parallel_loop3A_603 = arith.index_cast %parallel_loop3A_305 : i32 to index
      %parallel_loop3A_604 = tpu.vector_load %arg24[%parallel_loop3A_602, %parallel_loop3A_603] {strides = array<i32>} : memref<64x512xf32, #tpu.memory_space<vmem>>, vector<16xf32>,
      tpu.vector_store %arg24[%parallel_loop3A_602, %parallel_loop3A_603], %parallel_loop3A_600 {strides = array<i32>} : memref<64x512xf32, #tpu.memory_space<vmem>>, vector<16xf32>,
      %parallel_loop3A_605 = arith.constant 1 : i32
      %parallel_loop3A_606 = vector.broadcast %parallel_loop3A_605 : i32 to vector<16xi32>
      %parallel_loop3A_607 = tpu.vector_load_idx %arg29[%parallel_loop3A_606, %parallel_loop3A_325] : memref<6x14xf32, #tpu.memory_space<vmem>>[vector<16xi32>, vector<16xi32>], vector<16xf32>,
      %parallel_loop3A_608 = arith.constant 37 : i32
      %parallel_loop3A_609 = arith.index_cast %parallel_loop3A_608 : i32 to index
      %parallel_loop3A_610 = arith.index_cast %parallel_loop3A_305 : i32 to index
      %parallel_loop3A_611 = tpu.vector_load %arg24[%parallel_loop3A_609, %parallel_loop3A_610] {strides = array<i32>} : memref<64x512xf32, #tpu.memory_space<vmem>>, vector<16xf32>,
      tpu.vector_store %arg24[%parallel_loop3A_609, %parallel_loop3A_610], %parallel_loop3A_607 {strides = array<i32>} : memref<64x512xf32, #tpu.memory_space<vmem>>, vector<16xf32>,
      %parallel_loop3A_612 = arith.constant 2 : i32
      %parallel_loop3A_613 = vector.broadcast %parallel_loop3A_612 : i32 to vector<16xi32>
      %parallel_loop3A_614 = tpu.vector_load_idx %arg29[%parallel_loop3A_613, %parallel_loop3A_325] : memref<6x14xf32, #tpu.memory_space<vmem>>[vector<16xi32>, vector<16xi32>], vector<16xf32>,
      %parallel_loop3A_615 = arith.constant 38 : i32
      %parallel_loop3A_616 = arith.index_cast %parallel_loop3A_615 : i32 to index
      %parallel_loop3A_617 = arith.index_cast %parallel_loop3A_305 : i32 to index
      %parallel_loop3A_618 = tpu.vector_load %arg24[%parallel_loop3A_616, %parallel_loop3A_617] {strides = array<i32>} : memref<64x512xf32, #tpu.memory_space<vmem>>, vector<16xf32>,
      tpu.vector_store %arg24[%parallel_loop3A_616, %parallel_loop3A_617], %parallel_loop3A_614 {strides = array<i32>} : memref<64x512xf32, #tpu.memory_space<vmem>>, vector<16xf32>,
      %parallel_loop3A_619 = arith.constant 3 : i32
      %parallel_loop3A_620 = vector.broadcast %parallel_loop3A_619 : i32 to vector<16xi32>
      %parallel_loop3A_621 = tpu.vector_load_idx %arg29[%parallel_loop3A_620, %parallel_loop3A_325] : memref<6x14xf32, #tpu.memory_space<vmem>>[vector<16xi32>, vector<16xi32>], vector<16xf32>,
      %parallel_loop3A_622 = arith.constant 39 : i32
      %parallel_loop3A_623 = arith.index_cast %parallel_loop3A_622 : i32 to index
      %parallel_loop3A_624 = arith.index_cast %parallel_loop3A_305 : i32 to index
      %parallel_loop3A_625 = tpu.vector_load %arg24[%parallel_loop3A_623, %parallel_loop3A_624] {strides = array<i32>} : memref<64x512xf32, #tpu.memory_space<vmem>>, vector<16xf32>,
      tpu.vector_store %arg24[%parallel_loop3A_623, %parallel_loop3A_624], %parallel_loop3A_621 {strides = array<i32>} : memref<64x512xf32, #tpu.memory_space<vmem>>, vector<16xf32>,
      %parallel_loop3A_626 = arith.constant 4 : i32
      %parallel_loop3A_627 = vector.broadcast %parallel_loop3A_626 : i32 to vector<16xi32>
      %parallel_loop3A_628 = tpu.vector_load_idx %arg29[%parallel_loop3A_627, %parallel_loop3A_325] : memref<6x14xf32, #tpu.memory_space<vmem>>[vector<16xi32>, vector<16xi32>], vector<16xf32>,
      %parallel_loop3A_629 = arith.constant 40 : i32
      %parallel_loop3A_630 = arith.index_cast %parallel_loop3A_629 : i32 to index
      %parallel_loop3A_631 = arith.index_cast %parallel_loop3A_305 : i32 to index
      %parallel_loop3A_632 = tpu.vector_load %arg24[%parallel_loop3A_630, %parallel_loop3A_631] {strides = array<i32>} : memref<64x512xf32, #tpu.memory_space<vmem>>, vector<16xf32>,
      tpu.vector_store %arg24[%parallel_loop3A_630, %parallel_loop3A_631], %parallel_loop3A_628 {strides = array<i32>} : memref<64x512xf32, #tpu.memory_space<vmem>>, vector<16xf32>,
      %parallel_loop3A_633 = arith.constant 5 : i32
      %parallel_loop3A_634 = vector.broadcast %parallel_loop3A_633 : i32 to vector<16xi32>
      %parallel_loop3A_635 = tpu.vector_load_idx %arg29[%parallel_loop3A_634, %parallel_loop3A_325] : memref<6x14xf32, #tpu.memory_space<vmem>>[vector<16xi32>, vector<16xi32>], vector<16xf32>,
      %parallel_loop3A_636 = arith.constant 41 : i32
      %parallel_loop3A_637 = arith.index_cast %parallel_loop3A_636 : i32 to index
      %parallel_loop3A_638 = arith.index_cast %parallel_loop3A_305 : i32 to index
      %parallel_loop3A_639 = tpu.vector_load %arg24[%parallel_loop3A_637, %parallel_loop3A_638] {strides = array<i32>} : memref<64x512xf32, #tpu.memory_space<vmem>>, vector<16xf32>,
      tpu.vector_store %arg24[%parallel_loop3A_637, %parallel_loop3A_638], %parallel_loop3A_635 {strides = array<i32>} : memref<64x512xf32, #tpu.memory_space<vmem>>, vector<16xf32>,
      %parallel_loop3A_640 = arith.constant 0 : i32
      %parallel_loop3A_641 = vector.broadcast %parallel_loop3A_640 : i32 to vector<16xi32>
      %parallel_loop3A_642 = tpu.vector_load_idx %arg35[%parallel_loop3A_641, %parallel_loop3A_329] : memref<6x16xf32, #tpu.memory_space<vmem>>[vector<16xi32>, vector<16xi32>], vector<16xf32>,
      %parallel_loop3A_643 = arith.constant 42 : i32
      %parallel_loop3A_644 = arith.index_cast %parallel_loop3A_643 : i32 to index
      %parallel_loop3A_645 = arith.index_cast %parallel_loop3A_305 : i32 to index
      %parallel_loop3A_646 = tpu.vector_load %arg24[%parallel_loop3A_644, %parallel_loop3A_645] {strides = array<i32>} : memref<64x512xf32, #tpu.memory_space<vmem>>, vector<16xf32>,
      tpu.vector_store %arg24[%parallel_loop3A_644, %parallel_loop3A_645], %parallel_loop3A_642 {strides = array<i32>} : memref<64x512xf32, #tpu.memory_space<vmem>>, vector<16xf32>,
      %parallel_loop3A_647 = arith.constant 1 : i32
      %parallel_loop3A_648 = vector.broadcast %parallel_loop3A_647 : i32 to vector<16xi32>
      %parallel_loop3A_649 = tpu.vector_load_idx %arg35[%parallel_loop3A_648, %parallel_loop3A_329] : memref<6x16xf32, #tpu.memory_space<vmem>>[vector<16xi32>, vector<16xi32>], vector<16xf32>,
      %parallel_loop3A_650 = arith.constant 43 : i32
      %parallel_loop3A_651 = arith.index_cast %parallel_loop3A_650 : i32 to index
      %parallel_loop3A_652 = arith.index_cast %parallel_loop3A_305 : i32 to index
      %parallel_loop3A_653 = tpu.vector_load %arg24[%parallel_loop3A_651, %parallel_loop3A_652] {strides = array<i32>} : memref<64x512xf32, #tpu.memory_space<vmem>>, vector<16xf32>,
      tpu.vector_store %arg24[%parallel_loop3A_651, %parallel_loop3A_652], %parallel_loop3A_649 {strides = array<i32>} : memref<64x512xf32, #tpu.memory_space<vmem>>, vector<16xf32>,
      %parallel_loop3A_654 = arith.constant 2 : i32
      %parallel_loop3A_655 = vector.broadcast %parallel_loop3A_654 : i32 to vector<16xi32>
      %parallel_loop3A_656 = tpu.vector_load_idx %arg35[%parallel_loop3A_655, %parallel_loop3A_329] : memref<6x16xf32, #tpu.memory_space<vmem>>[vector<16xi32>, vector<16xi32>], vector<16xf32>,
      %parallel_loop3A_657 = arith.constant 44 : i32
      %parallel_loop3A_658 = arith.index_cast %parallel_loop3A_657 : i32 to index
      %parallel_loop3A_659 = arith.index_cast %parallel_loop3A_305 : i32 to index
      %parallel_loop3A_660 = tpu.vector_load %arg24[%parallel_loop3A_658, %parallel_loop3A_659] {strides = array<i32>} : memref<64x512xf32, #tpu.memory_space<vmem>>, vector<16xf32>,
      tpu.vector_store %arg24[%parallel_loop3A_658, %parallel_loop3A_659], %parallel_loop3A_656 {strides = array<i32>} : memref<64x512xf32, #tpu.memory_space<vmem>>, vector<16xf32>,
      %parallel_loop3A_661 = arith.constant 3 : i32
      %parallel_loop3A_662 = vector.broadcast %parallel_loop3A_661 : i32 to vector<16xi32>
      %parallel_loop3A_663 = tpu.vector_load_idx %arg35[%parallel_loop3A_662, %parallel_loop3A_329] : memref<6x16xf32, #tpu.memory_space<vmem>>[vector<16xi32>, vector<16xi32>], vector<16xf32>,
      %parallel_loop3A_664 = arith.constant 45 : i32
      %parallel_loop3A_665 = arith.index_cast %parallel_loop3A_664 : i32 to index
      %parallel_loop3A_666 = arith.index_cast %parallel_loop3A_305 : i32 to index
      %parallel_loop3A_667 = tpu.vector_load %arg24[%parallel_loop3A_665, %parallel_loop3A_666] {strides = array<i32>} : memref<64x512xf32, #tpu.memory_space<vmem>>, vector<16xf32>,
      tpu.vector_store %arg24[%parallel_loop3A_665, %parallel_loop3A_666], %parallel_loop3A_663 {strides = array<i32>} : memref<64x512xf32, #tpu.memory_space<vmem>>, vector<16xf32>,
      %parallel_loop3A_668 = arith.constant 4 : i32
      %parallel_loop3A_669 = vector.broadcast %parallel_loop3A_668 : i32 to vector<16xi32>
      %parallel_loop3A_670 = tpu.vector_load_idx %arg35[%parallel_loop3A_669, %parallel_loop3A_329] : memref<6x16xf32, #tpu.memory_space<vmem>>[vector<16xi32>, vector<16xi32>], vector<16xf32>,
      %parallel_loop3A_671 = arith.constant 46 : i32
      %parallel_loop3A_672 = arith.index_cast %parallel_loop3A_671 : i32 to index
      %parallel_loop3A_673 = arith.index_cast %parallel_loop3A_305 : i32 to index
      %parallel_loop3A_674 = tpu.vector_load %arg24[%parallel_loop3A_672, %parallel_loop3A_673] {strides = array<i32>} : memref<64x512xf32, #tpu.memory_space<vmem>>, vector<16xf32>,
      tpu.vector_store %arg24[%parallel_loop3A_672, %parallel_loop3A_673], %parallel_loop3A_670 {strides = array<i32>} : memref<64x512xf32, #tpu.memory_space<vmem>>, vector<16xf32>,
      %parallel_loop3A_675 = arith.constant 5 : i32
      %parallel_loop3A_676 = vector.broadcast %parallel_loop3A_675 : i32 to vector<16xi32>
      %parallel_loop3A_677 = tpu.vector_load_idx %arg35[%parallel_loop3A_676, %parallel_loop3A_329] : memref<6x16xf32, #tpu.memory_space<vmem>>[vector<16xi32>, vector<16xi32>], vector<16xf32>,
      %parallel_loop3A_678 = arith.constant 47 : i32
      %parallel_loop3A_679 = arith.index_cast %parallel_loop3A_678 : i32 to index
      %parallel_loop3A_680 = arith.index_cast %parallel_loop3A_305 : i32 to index
      %parallel_loop3A_681 = tpu.vector_load %arg24[%parallel_loop3A_679, %parallel_loop3A_680] {strides = array<i32>} : memref<64x512xf32, #tpu.memory_space<vmem>>, vector<16xf32>,
      tpu.vector_store %arg24[%parallel_loop3A_679, %parallel_loop3A_680], %parallel_loop3A_677 {strides = array<i32>} : memref<64x512xf32, #tpu.memory_space<vmem>>, vector<16xf32>,
      %parallel_loop3A_682 = arith.constant 0 : i32
      %parallel_loop3A_683 = vector.broadcast %parallel_loop3A_682 : i32 to vector<16xi32>
      %parallel_loop3A_684 = tpu.vector_load_idx %arg36[%parallel_loop3A_683, %parallel_loop3A_333] : memref<6x16xf32, #tpu.memory_space<vmem>>[vector<16xi32>, vector<16xi32>], vector<16xf32>,
      %parallel_loop3A_685 = arith.constant 48 : i32
      %parallel_loop3A_686 = arith.index_cast %parallel_loop3A_685 : i32 to index
      %parallel_loop3A_687 = arith.index_cast %parallel_loop3A_305 : i32 to index
      %parallel_loop3A_688 = tpu.vector_load %arg24[%parallel_loop3A_686, %parallel_loop3A_687] {strides = array<i32>} : memref<64x512xf32, #tpu.memory_space<vmem>>, vector<16xf32>,
      tpu.vector_store %arg24[%parallel_loop3A_686, %parallel_loop3A_687], %parallel_loop3A_684 {strides = array<i32>} : memref<64x512xf32, #tpu.memory_space<vmem>>, vector<16xf32>,
      %parallel_loop3A_689 = arith.constant 1 : i32
      %parallel_loop3A_690 = vector.broadcast %parallel_loop3A_689 : i32 to vector<16xi32>
      %parallel_loop3A_691 = tpu.vector_load_idx %arg36[%parallel_loop3A_690, %parallel_loop3A_333] : memref<6x16xf32, #tpu.memory_space<vmem>>[vector<16xi32>, vector<16xi32>], vector<16xf32>,
      %parallel_loop3A_692 = arith.constant 49 : i32
      %parallel_loop3A_693 = arith.index_cast %parallel_loop3A_692 : i32 to index
      %parallel_loop3A_694 = arith.index_cast %parallel_loop3A_305 : i32 to index
      %parallel_loop3A_695 = tpu.vector_load %arg24[%parallel_loop3A_693, %parallel_loop3A_694] {strides = array<i32>} : memref<64x512xf32, #tpu.memory_space<vmem>>, vector<16xf32>,
      tpu.vector_store %arg24[%parallel_loop3A_693, %parallel_loop3A_694], %parallel_loop3A_691 {strides = array<i32>} : memref<64x512xf32, #tpu.memory_space<vmem>>, vector<16xf32>,
      %parallel_loop3A_696 = arith.constant 2 : i32
      %parallel_loop3A_697 = vector.broadcast %parallel_loop3A_696 : i32 to vector<16xi32>
      %parallel_loop3A_698 = tpu.vector_load_idx %arg36[%parallel_loop3A_697, %parallel_loop3A_333] : memref<6x16xf32, #tpu.memory_space<vmem>>[vector<16xi32>, vector<16xi32>], vector<16xf32>,
      %parallel_loop3A_699 = arith.constant 50 : i32
      %parallel_loop3A_700 = arith.index_cast %parallel_loop3A_699 : i32 to index
      %parallel_loop3A_701 = arith.index_cast %parallel_loop3A_305 : i32 to index
      %parallel_loop3A_702 = tpu.vector_load %arg24[%parallel_loop3A_700, %parallel_loop3A_701] {strides = array<i32>} : memref<64x512xf32, #tpu.memory_space<vmem>>, vector<16xf32>,
      tpu.vector_store %arg24[%parallel_loop3A_700, %parallel_loop3A_701], %parallel_loop3A_698 {strides = array<i32>} : memref<64x512xf32, #tpu.memory_space<vmem>>, vector<16xf32>,
      %parallel_loop3A_703 = arith.constant 3 : i32
      %parallel_loop3A_704 = vector.broadcast %parallel_loop3A_703 : i32 to vector<16xi32>
      %parallel_loop3A_705 = tpu.vector_load_idx %arg36[%parallel_loop3A_704, %parallel_loop3A_333] : memref<6x16xf32, #tpu.memory_space<vmem>>[vector<16xi32>, vector<16xi32>], vector<16xf32>,
      %parallel_loop3A_706 = arith.constant 51 : i32
      %parallel_loop3A_707 = arith.index_cast %parallel_loop3A_706 : i32 to index
      %parallel_loop3A_708 = arith.index_cast %parallel_loop3A_305 : i32 to index
      %parallel_loop3A_709 = tpu.vector_load %arg24[%parallel_loop3A_707, %parallel_loop3A_708] {strides = array<i32>} : memref<64x512xf32, #tpu.memory_space<vmem>>, vector<16xf32>,
      tpu.vector_store %arg24[%parallel_loop3A_707, %parallel_loop3A_708], %parallel_loop3A_705 {strides = array<i32>} : memref<64x512xf32, #tpu.memory_space<vmem>>, vector<16xf32>,
      %parallel_loop3A_710 = arith.constant 4 : i32
      %parallel_loop3A_711 = vector.broadcast %parallel_loop3A_710 : i32 to vector<16xi32>
      %parallel_loop3A_712 = tpu.vector_load_idx %arg36[%parallel_loop3A_711, %parallel_loop3A_333] : memref<6x16xf32, #tpu.memory_space<vmem>>[vector<16xi32>, vector<16xi32>], vector<16xf32>,
      %parallel_loop3A_713 = arith.constant 52 : i32
      %parallel_loop3A_714 = arith.index_cast %parallel_loop3A_713 : i32 to index
      %parallel_loop3A_715 = arith.index_cast %parallel_loop3A_305 : i32 to index
      %parallel_loop3A_716 = tpu.vector_load %arg24[%parallel_loop3A_714, %parallel_loop3A_715] {strides = array<i32>} : memref<64x512xf32, #tpu.memory_space<vmem>>, vector<16xf32>,
      tpu.vector_store %arg24[%parallel_loop3A_714, %parallel_loop3A_715], %parallel_loop3A_712 {strides = array<i32>} : memref<64x512xf32, #tpu.memory_space<vmem>>, vector<16xf32>,
      %parallel_loop3A_717 = arith.constant 5 : i32
      %parallel_loop3A_718 = vector.broadcast %parallel_loop3A_717 : i32 to vector<16xi32>
      %parallel_loop3A_719 = tpu.vector_load_idx %arg36[%parallel_loop3A_718, %parallel_loop3A_333] : memref<6x16xf32, #tpu.memory_space<vmem>>[vector<16xi32>, vector<16xi32>], vector<16xf32>,
      %parallel_loop3A_720 = arith.constant 53 : i32
      %parallel_loop3A_721 = arith.index_cast %parallel_loop3A_720 : i32 to index
      %parallel_loop3A_722 = arith.index_cast %parallel_loop3A_305 : i32 to index
      %parallel_loop3A_723 = tpu.vector_load %arg24[%parallel_loop3A_721, %parallel_loop3A_722] {strides = array<i32>} : memref<64x512xf32, #tpu.memory_space<vmem>>, vector<16xf32>,
      tpu.vector_store %arg24[%parallel_loop3A_721, %parallel_loop3A_722], %parallel_loop3A_719 {strides = array<i32>} : memref<64x512xf32, #tpu.memory_space<vmem>>, vector<16xf32>,
      %parallel_loop3A_724 = arith.constant 0 : i32
      %parallel_loop3A_725 = vector.broadcast %parallel_loop3A_724 : i32 to vector<16xi32>
      %parallel_loop3A_726 = tpu.vector_load_idx %arg32[%parallel_loop3A_725, %parallel_loop3A_337] : memref<6x9xf32, #tpu.memory_space<vmem>>[vector<16xi32>, vector<16xi32>], vector<16xf32>,
      %parallel_loop3A_727 = arith.constant 54 : i32
      %parallel_loop3A_728 = arith.index_cast %parallel_loop3A_727 : i32 to index
      %parallel_loop3A_729 = arith.index_cast %parallel_loop3A_305 : i32 to index
      %parallel_loop3A_730 = tpu.vector_load %arg24[%parallel_loop3A_728, %parallel_loop3A_729] {strides = array<i32>} : memref<64x512xf32, #tpu.memory_space<vmem>>, vector<16xf32>,
      tpu.vector_store %arg24[%parallel_loop3A_728, %parallel_loop3A_729], %parallel_loop3A_726 {strides = array<i32>} : memref<64x512xf32, #tpu.memory_space<vmem>>, vector<16xf32>,
      %parallel_loop3A_731 = arith.constant 1 : i32
      %parallel_loop3A_732 = vector.broadcast %parallel_loop3A_731 : i32 to vector<16xi32>
      %parallel_loop3A_733 = tpu.vector_load_idx %arg32[%parallel_loop3A_732, %parallel_loop3A_337] : memref<6x9xf32, #tpu.memory_space<vmem>>[vector<16xi32>, vector<16xi32>], vector<16xf32>,
      %parallel_loop3A_734 = arith.constant 55 : i32
      %parallel_loop3A_735 = arith.index_cast %parallel_loop3A_734 : i32 to index
      %parallel_loop3A_736 = arith.index_cast %parallel_loop3A_305 : i32 to index
      %parallel_loop3A_737 = tpu.vector_load %arg24[%parallel_loop3A_735, %parallel_loop3A_736] {strides = array<i32>} : memref<64x512xf32, #tpu.memory_space<vmem>>, vector<16xf32>,
      tpu.vector_store %arg24[%parallel_loop3A_735, %parallel_loop3A_736], %parallel_loop3A_733 {strides = array<i32>} : memref<64x512xf32, #tpu.memory_space<vmem>>, vector<16xf32>,
      %parallel_loop3A_738 = arith.constant 2 : i32
      %parallel_loop3A_739 = vector.broadcast %parallel_loop3A_738 : i32 to vector<16xi32>
      %parallel_loop3A_740 = tpu.vector_load_idx %arg32[%parallel_loop3A_739, %parallel_loop3A_337] : memref<6x9xf32, #tpu.memory_space<vmem>>[vector<16xi32>, vector<16xi32>], vector<16xf32>,
      %parallel_loop3A_741 = arith.constant 56 : i32
      %parallel_loop3A_742 = arith.index_cast %parallel_loop3A_741 : i32 to index
      %parallel_loop3A_743 = arith.index_cast %parallel_loop3A_305 : i32 to index
      %parallel_loop3A_744 = tpu.vector_load %arg24[%parallel_loop3A_742, %parallel_loop3A_743] {strides = array<i32>} : memref<64x512xf32, #tpu.memory_space<vmem>>, vector<16xf32>,
      tpu.vector_store %arg24[%parallel_loop3A_742, %parallel_loop3A_743], %parallel_loop3A_740 {strides = array<i32>} : memref<64x512xf32, #tpu.memory_space<vmem>>, vector<16xf32>,
      %parallel_loop3A_745 = arith.constant 3 : i32
      %parallel_loop3A_746 = vector.broadcast %parallel_loop3A_745 : i32 to vector<16xi32>
      %parallel_loop3A_747 = tpu.vector_load_idx %arg32[%parallel_loop3A_746, %parallel_loop3A_337] : memref<6x9xf32, #tpu.memory_space<vmem>>[vector<16xi32>, vector<16xi32>], vector<16xf32>,
      %parallel_loop3A_748 = arith.constant 57 : i32
      %parallel_loop3A_749 = arith.index_cast %parallel_loop3A_748 : i32 to index
      %parallel_loop3A_750 = arith.index_cast %parallel_loop3A_305 : i32 to index
      %parallel_loop3A_751 = tpu.vector_load %arg24[%parallel_loop3A_749, %parallel_loop3A_750] {strides = array<i32>} : memref<64x512xf32, #tpu.memory_space<vmem>>, vector<16xf32>,
      tpu.vector_store %arg24[%parallel_loop3A_749, %parallel_loop3A_750], %parallel_loop3A_747 {strides = array<i32>} : memref<64x512xf32, #tpu.memory_space<vmem>>, vector<16xf32>,
      %parallel_loop3A_752 = arith.constant 4 : i32
      %parallel_loop3A_753 = vector.broadcast %parallel_loop3A_752 : i32 to vector<16xi32>
      %parallel_loop3A_754 = tpu.vector_load_idx %arg32[%parallel_loop3A_753, %parallel_loop3A_337] : memref<6x9xf32, #tpu.memory_space<vmem>>[vector<16xi32>, vector<16xi32>], vector<16xf32>,
      %parallel_loop3A_755 = arith.constant 58 : i32
      %parallel_loop3A_756 = arith.index_cast %parallel_loop3A_755 : i32 to index
      %parallel_loop3A_757 = arith.index_cast %parallel_loop3A_305 : i32 to index
      %parallel_loop3A_758 = tpu.vector_load %arg24[%parallel_loop3A_756, %parallel_loop3A_757] {strides = array<i32>} : memref<64x512xf32, #tpu.memory_space<vmem>>, vector<16xf32>,
      tpu.vector_store %arg24[%parallel_loop3A_756, %parallel_loop3A_757], %parallel_loop3A_754 {strides = array<i32>} : memref<64x512xf32, #tpu.memory_space<vmem>>, vector<16xf32>,
      %parallel_loop3A_759 = arith.constant 5 : i32
      %parallel_loop3A_760 = vector.broadcast %parallel_loop3A_759 : i32 to vector<16xi32>
      %parallel_loop3A_761 = tpu.vector_load_idx %arg32[%parallel_loop3A_760, %parallel_loop3A_337] : memref<6x9xf32, #tpu.memory_space<vmem>>[vector<16xi32>, vector<16xi32>], vector<16xf32>,
      %parallel_loop3A_762 = arith.constant 59 : i32
      %parallel_loop3A_763 = arith.index_cast %parallel_loop3A_762 : i32 to index
      %parallel_loop3A_764 = arith.index_cast %parallel_loop3A_305 : i32 to index
      %parallel_loop3A_765 = tpu.vector_load %arg24[%parallel_loop3A_763, %parallel_loop3A_764] {strides = array<i32>} : memref<64x512xf32, #tpu.memory_space<vmem>>, vector<16xf32>,
      tpu.vector_store %arg24[%parallel_loop3A_763, %parallel_loop3A_764], %parallel_loop3A_761 {strides = array<i32>} : memref<64x512xf32, #tpu.memory_space<vmem>>, vector<16xf32>,
      %parallel_loop3A_766 = arith.constant 0 : i32
      %parallel_loop3A_767 = vector.broadcast %parallel_loop3A_766 : i32 to vector<16xi32>
      %parallel_loop3A_768 = tpu.vector_load_idx %arg37[%parallel_loop3A_767, %parallel_loop3A_341] : memref<2x16xf32, #tpu.memory_space<vmem>>[vector<16xi32>, vector<16xi32>], vector<16xf32>,
      %parallel_loop3A_769 = arith.constant 60 : i32
      %parallel_loop3A_770 = arith.index_cast %parallel_loop3A_769 : i32 to index
      %parallel_loop3A_771 = arith.index_cast %parallel_loop3A_305 : i32 to index
      %parallel_loop3A_772 = tpu.vector_load %arg24[%parallel_loop3A_770, %parallel_loop3A_771] {strides = array<i32>} : memref<64x512xf32, #tpu.memory_space<vmem>>, vector<16xf32>,
      tpu.vector_store %arg24[%parallel_loop3A_770, %parallel_loop3A_771], %parallel_loop3A_768 {strides = array<i32>} : memref<64x512xf32, #tpu.memory_space<vmem>>, vector<16xf32>,
      %parallel_loop3A_773 = arith.constant 1 : i32
      %parallel_loop3A_774 = vector.broadcast %parallel_loop3A_773 : i32 to vector<16xi32>
      %parallel_loop3A_775 = tpu.vector_load_idx %arg37[%parallel_loop3A_774, %parallel_loop3A_341] : memref<2x16xf32, #tpu.memory_space<vmem>>[vector<16xi32>, vector<16xi32>], vector<16xf32>,
      %parallel_loop3A_776 = arith.constant 61 : i32
      %parallel_loop3A_777 = arith.index_cast %parallel_loop3A_776 : i32 to index
      %parallel_loop3A_778 = arith.index_cast %parallel_loop3A_305 : i32 to index
      %parallel_loop3A_779 = tpu.vector_load %arg24[%parallel_loop3A_777, %parallel_loop3A_778] {strides = array<i32>} : memref<64x512xf32, #tpu.memory_space<vmem>>, vector<16xf32>,
      tpu.vector_store %arg24[%parallel_loop3A_777, %parallel_loop3A_778], %parallel_loop3A_775 {strides = array<i32>} : memref<64x512xf32, #tpu.memory_space<vmem>>, vector<16xf32>,
      %parallel_loop3A_780 = arith.constant 0 : i32
      %parallel_loop3A_781 = vector.broadcast %parallel_loop3A_780 : i32 to vector<16xi32>
      %parallel_loop3A_782 = tpu.vector_load_idx %arg38[%parallel_loop3A_781, %parallel_loop3A_345] : memref<2x16xf32, #tpu.memory_space<vmem>>[vector<16xi32>, vector<16xi32>], vector<16xf32>,
      %parallel_loop3A_783 = arith.constant 62 : i32
      %parallel_loop3A_784 = arith.index_cast %parallel_loop3A_783 : i32 to index
      %parallel_loop3A_785 = arith.index_cast %parallel_loop3A_305 : i32 to index
      %parallel_loop3A_786 = tpu.vector_load %arg24[%parallel_loop3A_784, %parallel_loop3A_785] {strides = array<i32>} : memref<64x512xf32, #tpu.memory_space<vmem>>, vector<16xf32>,
      tpu.vector_store %arg24[%parallel_loop3A_784, %parallel_loop3A_785], %parallel_loop3A_782 {strides = array<i32>} : memref<64x512xf32, #tpu.memory_space<vmem>>, vector<16xf32>,
      %parallel_loop3A_787 = arith.constant 1 : i32
      %parallel_loop3A_788 = vector.broadcast %parallel_loop3A_787 : i32 to vector<16xi32>
      %parallel_loop3A_789 = tpu.vector_load_idx %arg38[%parallel_loop3A_788, %parallel_loop3A_345] : memref<2x16xf32, #tpu.memory_space<vmem>>[vector<16xi32>, vector<16xi32>], vector<16xf32>,
      %parallel_loop3A_790 = arith.constant 63 : i32
      %parallel_loop3A_791 = arith.index_cast %parallel_loop3A_790 : i32 to index
      %parallel_loop3A_792 = arith.index_cast %parallel_loop3A_305 : i32 to index
      %parallel_loop3A_793 = tpu.vector_load %arg24[%parallel_loop3A_791, %parallel_loop3A_792] {strides = array<i32>} : memref<64x512xf32, #tpu.memory_space<vmem>>, vector<16xf32>,
      tpu.vector_store %arg24[%parallel_loop3A_791, %parallel_loop3A_792], %parallel_loop3A_789 {strides = array<i32>} : memref<64x512xf32, #tpu.memory_space<vmem>>, vector<16xf32>,
    } {sc.loop_unroll_factor = 1 : i64, sc.parallel_access}
    "tpu.trace_stop"() : () -> ()
    "tpu.trace_start"() <{level = 10 : i32, message = "write_out"}> : () -> ()
    "tpu.region"() ({
      %run_scoped3A = tpu.sem_alloc : memref<!tpu.dma_semaphore, #tpu.memory_space<semaphore_mem>>
      %dma_start3A_303 = arith.constant 0 : i32
      %dma_start3A_304 = tpu.memref_slice %arg22[%dma_start3A_303, %mul3A_2] : memref<64x16384xf32, #tpu.memory_space<hbm>> -> memref<64x512xf32, #tpu.memory_space<hbm>>
      %dma_start3A_305 = arith.constant 0 : i32
      %dma_start3A_306 = tpu.memref_slice %arg22[%dma_start3A_305, %mul3A_2] : memref<64x16384xf32, #tpu.memory_space<hbm>> -> memref<64x512xf32, #tpu.memory_space<hbm>>
      tpu.enqueue_dma source(%arg24 : memref<64x512xf32, #tpu.memory_space<vmem>>) target(%dma_start3A_306 : memref<64x512xf32, #tpu.memory_space<hbm>>) target_semaphore(%run_scoped3A : memref<!tpu.dma_semaphore, #tpu.memory_space<semaphore_mem>>)
      %dma_wait3A_307 = arith.constant 0 : i32
      %dma_wait3A_308 = tpu.memref_slice %arg22[%dma_wait3A_307, %mul3A_2] : memref<64x16384xf32, #tpu.memory_space<hbm>> -> memref<64x512xf32, #tpu.memory_space<hbm>>
      %dma_wait3A_309 = arith.constant 0 : i32
      %dma_wait3A_310 = tpu.memref_slice %arg22[%dma_wait3A_309, %mul3A_2] : memref<64x16384xf32, #tpu.memory_space<hbm>> -> memref<64x512xf32, #tpu.memory_space<hbm>>
      tpu.wait_dma2 semaphore(%run_scoped3A : memref<!tpu.dma_semaphore, #tpu.memory_space<semaphore_mem>>) src(%arg24 : memref<64x512xf32, #tpu.memory_space<vmem>>) dst(%dma_wait3A_310 : memref<64x512xf32, #tpu.memory_space<hbm>>)
      tpu.yield
    }) : () -> ()
    "tpu.trace_stop"() : () -> ()
    return
  }
}

</mosaic_0001>

<sc_bundles>
// kernel: kernel.3.cloned.1.call-start
scs
__scs_entry_jumppad:
0x0: {  	(pc) =	sbr.rel $0x88, $3  }
0x1: {  	(tag) =	ssettag $0x0;
	lr =	simm.s32 $0x1  }
0x2: {  	[smem:$0x3F8D] =	sst lr;
	_ =	strace $0xD0000000  }
0x3: {  	_ = 	snop  }
0x4: {  	_ = 	snop  }
0x5: {  	_ = 	snop  }
0x6: {  	_ = 	snop  }
0x7: {  	_ = 	snop  }
__scs_overlays_trampoline_lowered:
0x8: {  	[smem:$0x3F9C] =	sst s0  }
0x9: {  	[smem:$0x3F9D] =	sst s1  }
0xa: {  	[smem:$0x3F9E] =	sst s2  }
0xb: {  	[smem:$0x3F9F] =	sst s3  }
0xc: {  	[smem:$0x3FA0] =	sst s4  }
0xd: {  	[smem:$0x3FA1] =	sst s5  }
0xe: {  	[smem:$0x3FA2] =	sst s6  }
0xf: {  	[smem:$0x3FA3] =	sst s7  }
0x10: {  	[smem:$0x3FA4] =	sst s8  }
0x11: {  	[smem:$0x3FA5] =	sst s9;
	s0 =	simm.s32 @!p0 $0x0  }
0x12: {  	s1 =	sld [smem:$0x3F8B];
	s0 =	simm.s32 @p0 $0x1  }
0x13: {  	[smem:$0x3FA6] =	sst s0;
	s0 =	simm.s32 @!p1 $0x0  }
0x14: {  	s2 =	sld [smem:$0x3F8A];
	s0 =	simm.s32 @p1 $0x1  }
0x15: {  	[smem:$0x3FA7] =	sst s0;
	s0 =	simm.s32 @!p2 $0x0  }
0x16: {  	s3 =	sld [smem:$0x3FDB];
	s0 =	simm.s32 @p2 $0x1  }
0x17: {  	s4 =	simm.s32 $0x1BF5;
	[smem:$0x3FA9] =	sst s0  }
0x18: {  	s0 =	sld [smem:$0x3F8C];
	_ =	swait.ge [sflag:s4], $0x0  }
0x19: {  	s7 =	sld [smem:$0x3F8D]  }
0x1a: {  	s8 =	sadd.s32 $0xFFFFE003, lr  }
0x1b: {  	s9 =	sadd.s32 $0xFFFFFEF7, lr;
	s5 =	simm.s32 $0xFFFFFFFF;
	p2 =	slt.u32 s8, $0xFFFFF086  }
0x1c: {  	p1 =	slt.u32 s9, $0xF7A;
	s5 =	simm.s32 @!p2 $0x0  }
0x1d: {  	s5 =	simm.s32 @p1 $0x1;
	p0 =	seq.s32 s7, s2  }
0x1e: {  	s7 =	smul.u32 @!p0 $0xF7A, s2;
	p2 =	seq.s32 @!p0 s5, $0x0  }
0x1f: {  	s9 =	smul.u32 $0xF7A, s1;
	s8 =	simm.s32 @!p0 $0x1BF5;
	p2 =	por !p2, p0  }
0x20: {  	[sflag:s8] =	ssyncset.s32 @!p0 $0xFFFFF086;
	s6 =	sadd.s32 @!p0 s3, s7;
	s7 =	simm.s32 @!p0 $0x108  }
0x21: {  	s3 =	sadd.s32 s3, s9;
	s6 =	sadd.s32 @!p0 $0x88, s6;
	s7 =	simm.s32 @p2 $0x1082  }
0x22: {  	[simem:s7], [sflag:s8] =	dma.local @!p0 [hbm:s6], $0xF7A  }
0x23: {  	s9 =	sor.u32 $0xD0000000, s2;
	s6 =	simm.s32 $0x108;
	_ =	swait.ge @!p0 [sflag:s8], $0x0  }
0x24: {  	s3 =	sadd.s32 $0x88, s3;
	s6 =	simm.s32 @!p1 $0x1082;
	[sflag:s4] =	ssyncset.s32 $0xFFFFF086  }
0x25: {  	[simem:s6], [sflag:s4] =	dma.local [hbm:s3], $0xF7A  }
0x26: {  	[smem:$0x3F8D] =	sst s1;
	(tag) =	ssettag s2;
	_ =	strace s9  }
0x27: {  	s1 =	sld [smem:$0x3F9D]  }
0x28: {  	s2 =	sld [smem:$0x3F9E]  }
0x29: {  	s4 =	sld [smem:$0x3FA0]  }
0x2a: {  	p0 =	seq.s32 s5, $0x0;
	s5 =	sld [smem:$0x3FA1]  }
0x2b: {  	s6 =	sld [smem:$0x3FA2]  }
0x2c: {  	s7 =	sld [smem:$0x3FA3]  }
0x2d: {  	s3 =	simm.s32 $0x108;
	s8 =	sld [smem:$0x3FA4]  }
0x2e: {  	s3 =	simm.s32 @!p0 $0x1082;
	s9 =	sld [smem:$0x3FA5]  }
0x2f: {  	lr =	sadd.s32 s0, s3;
	s0 =	sld [smem:$0x3F9C]  }
0x30: {  	s3 =	sld [smem:$0x3F9F]  }
0x31: {  	[smem:$0x3FA8] =	sst s10  }
0x32: {  	s10 =	sld [smem:$0x3FA6];
	_ =	sdelay $0x3  }
0x33: {  	p0 =	seq.s32 s10, $0x1;
	s10 =	sld [smem:$0x3FA8];
	_ =	sdelay $0x3  }
0x34: {  	[smem:$0x3FA8] =	sst s10  }
0x35: {  	s10 =	sld [smem:$0x3FA7];
	_ =	sdelay $0x3  }
0x36: {  	p1 =	seq.s32 s10, $0x1;
	s10 =	sld [smem:$0x3FA8];
	_ =	sdelay $0x3  }
0x37: {  	[smem:$0x3FA8] =	sst s10  }
0x38: {  	s10 =	sld [smem:$0x3FA9]  }
0x39: {  	_ = 	snop;
	(pc) =	sbr.ind lr, $3  }
0x3a: {  	_ = 	snop  }
0x3b: {  	_ = 	snop  }
0x3c: {  	p2 =	seq.s32 s10, $0x1;
	s10 =	sld [smem:$0x3FA8]  }
0x3d: {  	_ =	shalt  }
0x3e: {  	_ =	shalt  }
0x3f: {  	_ =	shalt  }
0x40: {  	_ =	shalt  }
0x41: {  	_ =	shalt  }
0x42: {  	_ =	shalt  }
0x43: {  	_ =	shalt  }
0x44: {  	_ =	shalt  }
0x45: {  	_ =	shalt  }
0x46: {  	_ =	shalt  }
0x47: {  	_ =	shalt  }
0x48: {  	_ =	shalt  }
0x49: {  	_ =	shalt  }
0x4a: {  	_ =	shalt  }
0x4b: {  	_ =	shalt  }
0x4c: {  	_ =	shalt  }
0x4d: {  	_ =	shalt  }
0x4e: {  	_ =	shalt  }
0x4f: {  	_ =	shalt  }
0x50: {  	_ =	shalt  }
0x51: {  	_ =	shalt  }
0x52: {  	_ =	shalt  }
0x53: {  	_ =	shalt  }
0x54: {  	_ =	shalt  }
0x55: {  	_ =	shalt  }
0x56: {  	_ =	shalt  }
0x57: {  	_ =	shalt  }
0x58: {  	_ =	shalt  }
0x59: {  	_ =	shalt  }
0x5a: {  	_ =	shalt  }
0x5b: {  	_ =	shalt  }
0x5c: {  	_ =	shalt  }
0x5d: {  	_ =	shalt  }
0x5e: {  	_ =	shalt  }
0x5f: {  	_ =	shalt  }
0x60: {  	_ =	shalt  }
0x61: {  	_ =	shalt  }
0x62: {  	_ =	shalt  }
0x63: {  	_ =	shalt  }
0x64: {  	_ =	shalt  }
0x65: {  	_ =	shalt  }
0x66: {  	_ =	shalt  }
0x67: {  	_ =	shalt  }
0x68: {  	_ =	shalt  }
0x69: {  	_ =	shalt  }
0x6a: {  	_ =	shalt  }
0x6b: {  	_ =	shalt  }
0x6c: {  	_ =	shalt  }
0x6d: {  	_ =	shalt  }
0x6e: {  	_ =	shalt  }
0x6f: {  	_ =	shalt  }
0x70: {  	_ =	shalt  }
0x71: {  	_ =	shalt  }
0x72: {  	_ =	shalt  }
0x73: {  	_ =	shalt  }
0x74: {  	_ =	shalt  }
0x75: {  	_ =	shalt  }
0x76: {  	_ =	shalt  }
0x77: {  	_ =	shalt  }
0x78: {  	_ =	shalt  }
0x79: {  	_ =	shalt  }
0x7a: {  	_ =	shalt  }
0x7b: {  	_ =	shalt  }
0x7c: {  	_ =	shalt  }
0x7d: {  	_ =	shalt  }
0x7e: {  	_ =	shalt  }
0x7f: {  	_ =	shalt  }
0x80: {  	_ =	shalt  }
0x81: {  	_ =	shalt  }
0x82: {  	_ =	shalt  }
0x83: {  	_ =	shalt  }
0x84: {  	_ =	shalt  }
0x85: {  	_ =	shalt  }
0x86: {  	_ =	shalt  }
0x87: {  	_ =	shalt  }
.Lfunc_end0:
.L_simem_size_0:
called_computation_lowered:
.L_overlay_start_0:
0x88: {  	s2 =	sld [smem:$0x3FD9]  }
0x89: {  	s3 =	sld [smem:$0x3FFE];
	_ =	sdelay $0x1  }
0x8a: {  	s1 =	srdreg.scid  }
0x8b: {  	s0 =	sand.u32 $0x1, s1  }
0x8c: {  	s29 =	sshll.u32 s0, $0xA;
	s2 =	sadd.s32 s3, s2  }
0x8d: {  	s2 =	sadd.s32 s2, s29  }
0x8e: {  	[smem:$0x3FB4] =	sst s2  }
0x8f: {  	_ = 	snop  }
0x90: {  	s2 =	sld [smem:$0x3FC9]  }
0x91: {  	s3 =	sld [smem:$0x3FC8]  }
0x92: {  	s4 =	sld [smem:$0x3FC7]  }
0x93: {  	s5 =	sld [smem:$0x3FC6]  }
0x94: {  	s6 =	sld [smem:$0x3FC5]  }
0x95: {  	s7 =	sld [smem:$0x3FC4]  }
0x96: {  	s8 =	sld [smem:$0x3FC3]  }
0x97: {  	s9 =	sld [smem:$0x3FC2]  }
0x98: {  	s10 =	sld [smem:$0x3FC1]  }
0x99: {  	s11 =	sld [smem:$0x3FC0]  }
0x9a: {  	s12 =	sld [smem:$0x3FBF]  }
0x9b: {  	s13 =	sld [smem:$0x3FBE]  }
0x9c: {  	s14 =	sld [smem:$0x3FBD]  }
0x9d: {  	s15 =	sld [smem:$0x3FBC]  }
0x9e: {  	s17 =	sld [smem:$0x3FBB]  }
0x9f: {  	s18 =	sld [smem:$0x3FBA]  }
0xa0: {  	s19 =	sld [smem:$0x3FB9]  }
0xa1: {  	s20 =	sld [smem:$0x3FB8]  }
0xa2: {  	s21 =	sld [smem:$0x3FB7]  }
0xa3: {  	s22 =	sld [smem:$0x3FB6]  }
0xa4: {  	s23 =	sld [smem:$0x3FD0];
	(tm) =	ssettm $0x1  }
0xa5: {  	s16 =	sld [smem:$0x3FFB];
	_ =	sdelay $0x3  }
0xa6: {  	_ =	strace s16  }
0xa7: {  	s16 =	sld [smem:$0x3FFC];
	_ =	sdelay $0x3  }
0xa8: {  	_ =	strace s16  }
0xa9: {  	s16 =	sld [smem:$0x3FFD];
	_ =	sdelay $0x3  }
0xaa: {  	_ =	strace s16  }
0xab: {  	_ =	strace $0x8FFFFFFF  }
0xac: {  	s30 =	sld [smem:$0x3FDB];
	_ =	sdelay $0x1  }
0xad: {  	s24 =	simm.s32 $_scs_section_size  }
0xae: {  	s25 =	simm.s32 $_size__tile_task_arg_handler_lowered;
	s26 =	simm.s32 $_tile_task_arg_handler_lowered  }
0xaf: {  	s28 =	simm.s32 $0x60;
	s26 =	sshll.u32 s26, $0x1;
	s24 =	sadd.s32 s24, s30  }
0xb0: {  	s31 =	sshll.u32 s25, $0x1;
	s25 =	sadd.s32 s26, s24;
	s26 =	simm.s32 $0x1BFF  }
0xb1: {  	[timem:s28], [sflag:s26] =	dma.local [hbm:s25], s31  }
0xb2: {  	_ =	swait.ge [sflag:s26], s31  }
0xb3: {  	s16 =	ssub.s32 $0x0, s31;
	s28 =	simm.s32 $_tile_overlayer_lowered;
	[sflag:s26] =	ssyncset.done $0x0  }
0xb4: {  	s30 =	simm.s32 $_size__tile_overlayer_lowered;
	s29 =	sshll.u32 s28, $0x1;
	[sflag:s26] =	ssyncadd.s32 s16  }
0xb5: {  	s25 =	sshll.u32 s30, $0x1;
	s31 =	sadd.s32 s29, s24;
	s16 =	simm.s32 $0x0  }
0xb6: {  	[timem:s16], [sflag:s26] =	dma.local [hbm:s31], s25  }
0xb7: {  	_ =	swait.ge [sflag:s26], s25  }
0xb8: {  	s25 =	ssub.s32 $0x0, s25;
	[sflag:s26] =	ssyncset.done $0x0  }
0xb9: {  	[sflag:s26] =	ssyncadd.s32 s25;
	_ =	sdelay $0x1  }
0xba: {  	s28 =	simm.s32 $0x1B8B  }
0xbb: {  	_ =	swait.ge [sflag:s28], $0x1  }
0xbc: {  	[sflag:s28] =	ssyncset.done $0x0  }
0xbd: {  	s29 =	simm.s32 $0x1B8E;
	[sflag:s28] =	ssyncadd.s32 $0xFFFFFFFF  }
0xbe: {  	s30 =	simm.s32 $execute0_lowered;
	[smem:$0x3FD2] =	sst s29  }
0xbf: {  	s25 =	sshll.u32 s30, $0x1;
	_ =	strace $0x80000046;
	[dreg:$0x1] =	wrdreg $0xFFFFFFFF  }
0xc0: {  	s31 =	simm.s32 $_size_execute0_lowered;
	s24 =	sadd.s32 s24, s25;
	[dreg:$0x0] =	wrdreg $0x0  }
0xc1: {  	s26 =	sshll.u32 s31, $0x1;
	[dreg:$0x2] =	wrdreg s24  }
0xc2: {  	[dreg:$0x3] =	wrdreg s26  }
0xc3: {  	[dreg:$0x4] =	wrdreg $0xC0  }
0xc4: {  	_ =	task [dreg:s16], $0x5FFFF  }
0xc5: {  	[dreg:$0x1] =	wrdreg $0xFFFFFFFF  }
0xc6: {  	[dreg:$0x0] =	wrdreg $0x30  }
0xc7: {  	[dreg:$0x2] =	wrdreg $0x0  }
0xc8: {  	[dreg:$0x3] =	wrdreg s17  }
0xc9: {  	[dreg:$0x4] =	wrdreg s18  }
0xca: {  	[dreg:$0x5] =	wrdreg s19  }
0xcb: {  	[dreg:$0x6] =	wrdreg s20  }
0xcc: {  	[dreg:$0x7] =	wrdreg s21  }
0xcd: {  	[dreg:$0x8] =	wrdreg s22  }
0xce: {  	[dreg:$0x9] =	wrdreg s23  }
0xcf: {  	[dreg:$0xa] =	wrdreg $0x9  }
0xd0: {  	_ =	task [dreg:s16], $0xBFFFF  }
0xd1: {  	[dreg:$0x1] =	wrdreg $0xFFFFFFFF  }
0xd2: {  	[dreg:$0x0] =	wrdreg $0x60  }
0xd3: {  	[dreg:$0x2] =	wrdreg s2  }
0xd4: {  	[dreg:$0x3] =	wrdreg s3  }
0xd5: {  	[dreg:$0x4] =	wrdreg s4  }
0xd6: {  	[dreg:$0x5] =	wrdreg s5  }
0xd7: {  	[dreg:$0x6] =	wrdreg s6  }
0xd8: {  	[dreg:$0x7] =	wrdreg s7  }
0xd9: {  	[dreg:$0x8] =	wrdreg s8  }
0xda: {  	[dreg:$0x9] =	wrdreg s9  }
0xdb: {  	[dreg:$0xa] =	wrdreg s10  }
0xdc: {  	[dreg:$0xb] =	wrdreg s11  }
0xdd: {  	[dreg:$0xc] =	wrdreg s12  }
0xde: {  	[dreg:$0xd] =	wrdreg s13  }
0xdf: {  	[dreg:$0xe] =	wrdreg s14  }
0xe0: {  	[dreg:$0xf] =	wrdreg s15  }
0xe1: {  	_ =	task.clear_ibuf [dreg:s16], $0x10FFFF;
	_ =	strace $0x90000046  }
0xe2: {  	s28 =	simm.s32 $0x9;
	_ =	strace $0x8000004C  }
0xe3: {  	_ =	swait.ge [sflag:s28], $0x1  }
0xe4: {  	[sflag:s28] =	ssyncadd.s32 $0xFFFFFFFF  }
0xe5: {  	_ =	strace $0x9000004C  }
0xe6: {  	_ =	sfence  }
0xe7: {  	s29 =	sld [smem:$0x0];
	_ =	sdelay $0x2  }
0xe8: {  	s30 =	sshll.u32 s1, $0xD;
	s1 =	sshrl.u32 s1, $0x2  }
0xe9: {  	s31 =	sand.u32 $0x4000, s30;
	s1 =	sadd.s32 s1, s29  }
0xea: {  	s0 =	sor.u32 s31, s0;
	s1 =	sshll.u32 s1, $0x11  }
0xeb: {  	s0 =	sor.u32 s1, s0  }
0xec: {  	s0 =	sadd.s32 $0x8F2B, s0  }
0xed: {  	[sflag:s0] =	ssyncadd.remote.s32 $0x1  }
0xee: {  	_ =	sfence.sel $0xFFFF  }
0xef: {  	[dreg:$0x0] =	wrdreg $0xFFFFFFFF;
	(pc) =	sbr.abs _section_cstart, $3  }
0xf0: {  	[dreg:$0x1] =	wrdreg $0xFFFFFFFF  }
0xf1: {  	_ =	task.clear_ibuf [dreg:s16], $0x2FFFF;
	_ =	strace $0x9FFFFFFF  }
0xf2: {  	(tm) =	ssettm $0x7FFFFFFF  }
0xf3: {  	_ =	shalt  }
tec
_tile_task_arg_handler_lowered:
.L_overlay_start_1:
0x0: {  	(tag) =	ssettag $0x1  }
0x1: {  	s0 =	rddreg [dreg:$0x0]  }
0x2: {  	s1 =	rddreg [dreg:$0x1]  }
0x3: {  	s2 =	rddreg [dreg:$0x2]  }
0x4: {  	s3 =	rddreg [dreg:$0x3]  }
0x5: {  	s4 =	rddreg [dreg:$0x4]  }
0x6: {  	s5 =	rddreg [dreg:$0x5]  }
0x7: {  	s6 =	rddreg [dreg:$0x6]  }
0x8: {  	s7 =	rddreg [dreg:$0x7]  }
0x9: {  	s8 =	rddreg [dreg:$0x8]  }
0xa: {  	s9 =	rddreg [dreg:$0x9]  }
0xb: {  	s10 =	rddreg [dreg:$0xa]  }
0xc: {  	s11 =	rddreg [dreg:$0xb]  }
0xd: {  	s12 =	rddreg [dreg:$0xc]  }
0xe: {  	s13 =	rddreg [dreg:$0xd]  }
0xf: {  	[smem:s0] =	sst s1  }
0x10: {  	[smem:s0+$0x1] =	sst s2  }
0x11: {  	[smem:s0+$0x2] =	sst s3  }
0x12: {  	[smem:s0+$0x3] =	sst s4  }
0x13: {  	[smem:s0+$0x4] =	sst s5  }
0x14: {  	[smem:s0+$0x5] =	sst s6  }
0x15: {  	[smem:s0+$0x6] =	sst s7  }
0x16: {  	[smem:s0+$0x7] =	sst s8  }
0x17: {  	[smem:s0+$0x8] =	sst s9  }
0x18: {  	[smem:s0+$0x9] =	sst s10  }
0x19: {  	[smem:s0+$0xA] =	sst s11  }
0x1a: {  	[smem:s0+$0xB] =	sst s12  }
0x1b: {  	[smem:s0+$0xC] =	sst s13;
	_ =	shalt  }
.Lfunc_end2:
execute0_lowered:
.L_overlay_start_2:
0x1c: {  	(tag) =	ssettag $0x2  }
0x1d: {  	s0 =	rddreg [dreg:$0x0]  }
0x1e: {  	s1 =	rddreg [dreg:$0x1]  }
0x1f: {  	s2 =	rddreg [dreg:$0x2]  }
0x20: {  	s3 =	rddreg [dreg:$0x3]  }
0x21: {  	s5 =	rddreg [dreg:$0x4]  }
0x22: {  	s6 =	rddreg [dreg:$0x5]  }
0x23: {  	s7 =	rddreg [dreg:$0x6]  }
0x24: {  	s8 =	rddreg [dreg:$0x7]  }
0x25: {  	s9 =	rddreg [dreg:$0x8]  }
0x26: {  	s10 =	rddreg [dreg:$0x9];
	s4 =	simm.s32 $0x0  }
0x27: {  	[smem:$0x7FF] =	sst s4  }
0x28: {  	s11 =	sld [smem:$0x0]  }
0x29: {  	s22 =	sld [smem:$0x1]  }
0x2a: {  	s23 =	sld [smem:$0x2]  }
0x2b: {  	s24 =	sld [smem:$0x3]  }
0x2c: {  	s12 =	sld [smem:$0x4]  }
0x2d: {  	s14 =	sld [smem:$0x5]  }
0x2e: {  	s15 =	sld [smem:$0x6]  }
0x2f: {  	[dreg:$0xe] =	wrdreg s11  }
0x30: {  	s25 =	srdreg.scid;
	[dreg:$0xf] =	wrdreg s22  }
0x31: {  	s13 =	stileid.u32;
	[dreg:$0x10] =	wrdreg s23  }
0x32: {  	s28 =	simm.s32 $0xB000;
	s29 =	simm.s32 $0xB400;
	[dreg:$0x11] =	wrdreg s24  }
0x33: {  	s30 =	simm.s32 $0xB800;
	[dreg:$0x12] =	wrdreg s12;
	s11 =	sand.u32 $0x1, s25  }
0x34: {  	s13 =	sshll.u32 s13, $0xA;
	s25 =	sld [smem:$0x7];
	s26 =	ssub.s32 $0x2, s11  }
0x35: {  	[dreg:$0x13] =	wrdreg s14;
	s11 =	sshll.u32 s11, $0x9;
	s31 =	sshrl.u32 s26, $0x1  }
0x36: {  	s14 =	simm.s32 $0xC200;
	s11 =	sor.u32 s11, s13;
	s12 =	ssub.s32 s26, s31  }
0x37: {  	s16 =	sshrl.u32 s11, $0x3;
	[dreg:$0x16] =	wrdreg s25;
	s26 =	sadd.s32 s15, s11  }
0x38: {  	s25 =	simm.s32 $0xA000;
	s15 =	simm.s32 $0x1000;
	s11 =	simm.s32 $0x0  }
0x39: {  	s0 =	sadd.s32 s0, s16;
	s22 =	sadd.s32 s1, s16;
	s23 =	sadd.s32 s2, s16  }
0x3a: {  	s24 =	sadd.s32 s3, s16;
	s17 =	sadd.s32 s5, s16;
	s18 =	sadd.s32 s6, s16  }
0x3b: {  	s19 =	sadd.s32 s7, s16;
	s20 =	sadd.s32 s8, s16;
	[dreg:$0x14] =	wrdreg s0  }
0x3c: {  	v0 =	vlaneseq.u32;
	s21 =	sadd.s32 s9, s16;
	s31 =	smax.u32 s12, $0x1;
	[dreg:$0x15] =	wrdreg s22  }
0x3d: {  	v0 =	vmul.u32 $0x80, v0;
	s2 =	simm.s32 $0x1;
	s5 =	simm.s32 $0xC800;
	[dreg:$0x17] =	wrdreg s23  }
0x3e: {  	s6 =	simm.s32 $0xCC00;
	s8 =	simm.s32 $0xD000;
	[dreg:$0x18] =	wrdreg s24  }
0x3f: {  	v1 =	vor.u32 $0x1, v0;
	v2 =	vor.u32 $0x2, v0;
	s9 =	simm.s32 $0xD100;
	_ =	strace $0x80000047;
	[dreg:$0x19] =	wrdreg s26  }
0x40: {  	v3 =	vor.u32 $0x3, v0;
	v4 =	vor.u32 $0x4, v0;
	v5 =	vor.u32 $0x5, v0;
	s22 =	sadd.s32 s10, s16;
	[dreg:$0x1a] =	wrdreg s31;
	s26 =	simm.s32 $0xA800  }
.LBB3_1:
0x41: {  	_ =	strace $0x80000048  }
0x42: {  	s0 =	rddreg [dreg:$0xa]  }
0x43: {  	[tilespmem:s25], [sflag:$0x1] =	stream.linear.gather [hbm4b:s0+s4], $0x500, $0x200038;
	[tilespmem:$0xD200] =	vst v63  }
0x44: {  	s12 =	rddreg [dreg:$0xb]  }
0x45: {  	[tilespmem:s26], [sflag:$0x1] =	stream.linear.gather [hbm4b:s12+s4], $0x500, $0x200038;
	[tilespmem:$0xD200] =	vst v63  }
0x46: {  	s13 =	rddreg [dreg:$0xc]  }
0x47: {  	[tilespmem:s28], [sflag:$0x1] =	stream.linear.gather [hbm4b:s13+s4], $0x400, $0x200038;
	[tilespmem:$0xD200] =	vst v63  }
0x48: {  	s16 =	rddreg [dreg:$0xd]  }
0x49: {  	[tilespmem:s29], [sflag:$0x1] =	stream.linear.gather [hbm4b:s16+s4], $0x400, $0x200038;
	[tilespmem:$0xD200] =	vst v63  }
0x4a: {  	s23 =	rddreg [dreg:$0xe]  }
0x4b: {  	[tilespmem:s30], [sflag:$0x1] =	stream.linear.gather [hbm4b:s23+s4], $0x300, $0x200038;
	[tilespmem:$0xD200] =	vst v63  }
0x4c: {  	s3 =	simm.s32 $0xBC00;
	s24 =	rddreg [dreg:$0xf]  }
0x4d: {  	[tilespmem:s3], [sflag:$0x1] =	stream.linear.gather [hbm4b:s24+s4], $0x300, $0x200038;
	[tilespmem:$0xD200] =	vst v63  }
0x4e: {  	s7 =	simm.s32 $0xC000;
	s1 =	rddreg [dreg:$0x10]  }
0x4f: {  	[tilespmem:s7], [sflag:$0x1] =	stream.linear.gather [hbm4b:s1+s4], $0x180, $0x200038;
	[tilespmem:$0xD200] =	vst v63  }
0x50: {  	s10 =	rddreg [dreg:$0x11]  }
0x51: {  	[tilespmem:s14], [sflag:$0x1] =	stream.linear.gather [hbm4b:s10+s4], $0x300, $0x200038;
	[tilespmem:$0xD200] =	vst v63  }
0x52: {  	s12 =	rddreg [dreg:$0x12];
	s10 =	simm.s32 $0xC600  }
0x53: {  	[tilespmem:s10], [sflag:$0x1] =	stream.linear.gather [hbm4b:s12+s4], $0x100, $0x200038;
	[tilespmem:$0xD200] =	vst v63  }
0x54: {  	s13 =	rddreg [dreg:$0x13];
	s12 =	simm.s32 $0xC700  }
0x55: {  	[tilespmem:s12], [sflag:$0x1] =	stream.linear.gather [hbm4b:s13+s4], $0x100, $0x200038;
	[tilespmem:$0xD200] =	vst v63  }
0x56: {  	s1 =	rddreg [dreg:$0x14]  }
0x57: {  	[tilespmem:s4], [sflag:$0x1] =	stream.linear.gather [hbm4b:s1+s4], $0x80, $0x200038;
	[tilespmem:$0xD200] =	vst v63  }
0x58: {  	s16 =	sadd.s32 $0x10, s1;
	s13 =	simm.s32 $0x400  }
0x59: {  	[tilespmem:s13], [sflag:$0x1] =	stream.linear.gather [hbm4b:s16+s4], $0x80, $0x200038;
	[tilespmem:$0xD200] =	vst v63  }
0x5a: {  	s24 =	simm.s32 $0x800;
	s23 =	sadd.s32 $0x20, s1  }
0x5b: {  	[tilespmem:s24], [sflag:$0x1] =	stream.linear.gather [hbm4b:s23+s4], $0x80, $0x200038;
	[tilespmem:$0xD200] =	vst v63  }
0x5c: {  	s16 =	sadd.s32 $0x30, s1;
	s23 =	simm.s32 $0xC00  }
0x5d: {  	[tilespmem:s23], [sflag:$0x1] =	stream.linear.gather [hbm4b:s16+s4], $0x80, $0x200038;
	[tilespmem:$0xD200] =	vst v63  }
0x5e: {  	s1 =	rddreg [dreg:$0x15];
	s24 =	simm.s32 $0x80  }
0x5f: {  	[tilespmem:s24], [sflag:$0x1] =	stream.linear.gather [hbm4b:s1+s4], $0x80, $0x200038;
	[tilespmem:$0xD200] =	vst v63  }
0x60: {  	s13 =	sadd.s32 $0x10, s1;
	s16 =	simm.s32 $0x480  }
0x61: {  	[tilespmem:s16], [sflag:$0x1] =	stream.linear.gather [hbm4b:s13+s4], $0x80, $0x200038;
	[tilespmem:$0xD200] =	vst v63  }
0x62: {  	s23 =	sadd.s32 $0x20, s1;
	s24 =	simm.s32 $0x880  }
0x63: {  	[tilespmem:s24], [sflag:$0x1] =	stream.linear.gather [hbm4b:s23+s4], $0x80, $0x200038;
	[tilespmem:$0xD200] =	vst v63  }
0x64: {  	s16 =	sadd.s32 $0x30, s1;
	s23 =	simm.s32 $0xC80  }
0x65: {  	[tilespmem:s23], [sflag:$0x1] =	stream.linear.gather [hbm4b:s16+s4], $0x80, $0x200038;
	[tilespmem:$0xD200] =	vst v63  }
0x66: {  	s1 =	rddreg [dreg:$0x17];
	s24 =	simm.s32 $0x100  }
0x67: {  	[tilespmem:s24], [sflag:$0x1] =	stream.linear.gather [hbm4b:s1+s4], $0x80, $0x200038;
	[tilespmem:$0xD200] =	vst v63  }
0x68: {  	s13 =	sadd.s32 $0x10, s1;
	s16 =	simm.s32 $0x500  }
0x69: {  	[tilespmem:s16], [sflag:$0x1] =	stream.linear.gather [hbm4b:s13+s4], $0x80, $0x200038;
	[tilespmem:$0xD200] =	vst v63  }
0x6a: {  	s23 =	sadd.s32 $0x20, s1;
	s24 =	simm.s32 $0x900  }
0x6b: {  	[tilespmem:s24], [sflag:$0x1] =	stream.linear.gather [hbm4b:s23+s4], $0x80, $0x200038;
	[tilespmem:$0xD200] =	vst v63  }
0x6c: {  	s16 =	sadd.s32 $0x30, s1;
	s23 =	simm.s32 $0xD00  }
0x6d: {  	[tilespmem:s23], [sflag:$0x1] =	stream.linear.gather [hbm4b:s16+s4], $0x80, $0x200038;
	[tilespmem:$0xD200] =	vst v63  }
0x6e: {  	s1 =	rddreg [dreg:$0x18];
	s24 =	simm.s32 $0x180  }
0x6f: {  	[tilespmem:s24], [sflag:$0x1] =	stream.linear.gather [hbm4b:s1+s4], $0x80, $0x200038;
	[tilespmem:$0xD200] =	vst v63  }
0x70: {  	s13 =	sadd.s32 $0x10, s1;
	s16 =	simm.s32 $0x580  }
0x71: {  	[tilespmem:s16], [sflag:$0x1] =	stream.linear.gather [hbm4b:s13+s4], $0x80, $0x200038;
	[tilespmem:$0xD200] =	vst v63  }
0x72: {  	s23 =	sadd.s32 $0x20, s1;
	s24 =	simm.s32 $0x980  }
0x73: {  	[tilespmem:s24], [sflag:$0x1] =	stream.linear.gather [hbm4b:s23+s4], $0x80, $0x200038;
	[tilespmem:$0xD200] =	vst v63  }
0x74: {  	s1 =	sadd.s32 $0x30, s1;
	s13 =	simm.s32 $0xD80  }
0x75: {  	[tilespmem:s13], [sflag:$0x1] =	stream.linear.gather [hbm4b:s1+s4], $0x80, $0x200038;
	[tilespmem:$0xD200] =	vst v63  }
0x76: {  	s16 =	simm.s32 $0x200  }
0x77: {  	[tilespmem:s16], [sflag:$0x1] =	stream.linear.gather [hbm4b:s17+s4], $0x80, $0x200038;
	[tilespmem:$0xD200] =	vst v63  }
0x78: {  	s23 =	sadd.s32 $0x10, s17;
	s24 =	simm.s32 $0x600  }
0x79: {  	[tilespmem:s24], [sflag:$0x1] =	stream.linear.gather [hbm4b:s23+s4], $0x80, $0x200038;
	[tilespmem:$0xD200] =	vst v63  }
0x7a: {  	s13 =	sadd.s32 $0x20, s17;
	s16 =	simm.s32 $0xA00  }
0x7b: {  	[tilespmem:s16], [sflag:$0x1] =	stream.linear.gather [hbm4b:s13+s4], $0x80, $0x200038;
	[tilespmem:$0xD200] =	vst v63  }
0x7c: {  	s23 =	sadd.s32 $0x30, s17;
	s24 =	simm.s32 $0xE00  }
0x7d: {  	[tilespmem:s24], [sflag:$0x1] =	stream.linear.gather [hbm4b:s23+s4], $0x80, $0x200038;
	[tilespmem:$0xD200] =	vst v63  }
0x7e: {  	s1 =	simm.s32 $0x280  }
0x7f: {  	[tilespmem:s1], [sflag:$0x1] =	stream.linear.gather [hbm4b:s18+s4], $0x80, $0x200038;
	[tilespmem:$0xD200] =	vst v63  }
0x80: {  	s13 =	sadd.s32 $0x10, s18;
	s16 =	simm.s32 $0x680  }
0x81: {  	[tilespmem:s16], [sflag:$0x1] =	stream.linear.gather [hbm4b:s13+s4], $0x80, $0x200038;
	[tilespmem:$0xD200] =	vst v63  }
0x82: {  	s23 =	sadd.s32 $0x20, s18;
	s24 =	simm.s32 $0xA80  }
0x83: {  	[tilespmem:s24], [sflag:$0x1] =	stream.linear.gather [hbm4b:s23+s4], $0x80, $0x200038;
	[tilespmem:$0xD200] =	vst v63  }
0x84: {  	s1 =	sadd.s32 $0x30, s18;
	s13 =	simm.s32 $0xE80  }
0x85: {  	[tilespmem:s13], [sflag:$0x1] =	stream.linear.gather [hbm4b:s1+s4], $0x80, $0x200038;
	[tilespmem:$0xD200] =	vst v63  }
0x86: {  	s16 =	simm.s32 $0x300  }
0x87: {  	[tilespmem:s16], [sflag:$0x1] =	stream.linear.gather [hbm4b:s19+s4], $0x80, $0x200038;
	[tilespmem:$0xD200] =	vst v63  }
0x88: {  	s23 =	sadd.s32 $0x10, s19;
	s24 =	simm.s32 $0x700  }
0x89: {  	[tilespmem:s24], [sflag:$0x1] =	stream.linear.gather [hbm4b:s23+s4], $0x80, $0x200038;
	[tilespmem:$0xD200] =	vst v63  }
0x8a: {  	s13 =	sadd.s32 $0x20, s19;
	s16 =	simm.s32 $0xB00  }
0x8b: {  	[tilespmem:s16], [sflag:$0x1] =	stream.linear.gather [hbm4b:s13+s4], $0x80, $0x200038;
	[tilespmem:$0xD200] =	vst v63  }
0x8c: {  	s23 =	sadd.s32 $0x30, s19;
	s24 =	simm.s32 $0xF00  }
0x8d: {  	[tilespmem:s24], [sflag:$0x1] =	stream.linear.gather [hbm4b:s23+s4], $0x80, $0x200038;
	[tilespmem:$0xD200] =	vst v63  }
0x8e: {  	s1 =	simm.s32 $0x380  }
0x8f: {  	[tilespmem:s1], [sflag:$0x1] =	stream.linear.gather [hbm4b:s20+s4], $0x80, $0x200038;
	[tilespmem:$0xD200] =	vst v63  }
0x90: {  	s13 =	sadd.s32 $0x10, s20;
	s16 =	simm.s32 $0x780  }
0x91: {  	[tilespmem:s16], [sflag:$0x1] =	stream.linear.gather [hbm4b:s13+s4], $0x80, $0x200038;
	[tilespmem:$0xD200] =	vst v63  }
0x92: {  	s23 =	sadd.s32 $0x20, s20;
	s24 =	simm.s32 $0xB80  }
0x93: {  	[tilespmem:s24], [sflag:$0x1] =	stream.linear.gather [hbm4b:s23+s4], $0x80, $0x200038;
	[tilespmem:$0xD200] =	vst v63  }
0x94: {  	s1 =	sadd.s32 $0x30, s20;
	s13 =	simm.s32 $0xF80  }
0x95: {  	[tilespmem:s13], [sflag:$0x1] =	stream.linear.gather [hbm4b:s1+s4], $0x80, $0x200038;
	[tilespmem:$0xD200] =	vst v63  }
0x96: {  	_ = 	snop  }
0x97: {  	[tilespmem:s15], [sflag:$0x1] =	stream.linear.gather [hbm4b:s21+s4], $0x80, $0x200038;
	[tilespmem:$0xD200] =	vst v63  }
0x98: {  	s16 =	simm.s32 $0x1400;
	s15 =	sadd.s32 $0x10, s21  }
0x99: {  	[tilespmem:s16], [sflag:$0x1] =	stream.linear.gather [hbm4b:s15+s4], $0x80, $0x200038;
	[tilespmem:$0xD200] =	vst v63  }
0x9a: {  	s23 =	sadd.s32 $0x20, s21;
	s24 =	simm.s32 $0x1800  }
0x9b: {  	[tilespmem:s24], [sflag:$0x1] =	stream.linear.gather [hbm4b:s23+s4], $0x80, $0x200038;
	[tilespmem:$0xD200] =	vst v63  }
0x9c: {  	s13 =	sadd.s32 $0x30, s21;
	s15 =	simm.s32 $0x1C00  }
0x9d: {  	[tilespmem:s15], [sflag:$0x1] =	stream.linear.gather [hbm4b:s13+s4], $0x80, $0x200038;
	[tilespmem:$0xD200] =	vst v63  }
0x9e: {  	s16 =	simm.s32 $0x1080  }
0x9f: {  	[tilespmem:s16], [sflag:$0x1] =	stream.linear.gather [hbm4b:s22+s4], $0x80, $0x200038;
	[tilespmem:$0xD200] =	vst v63  }
0xa0: {  	s23 =	sadd.s32 $0x10, s22;
	s24 =	simm.s32 $0x1480  }
0xa1: {  	[tilespmem:s24], [sflag:$0x1] =	stream.linear.gather [hbm4b:s23+s4], $0x80, $0x200038;
	[tilespmem:$0xD200] =	vst v63  }
0xa2: {  	s1 =	sadd.s32 $0x20, s22;
	s13 =	simm.s32 $0x1880  }
0xa3: {  	[tilespmem:s13], [sflag:$0x1] =	stream.linear.gather [hbm4b:s1+s4], $0x80, $0x200038;
	[tilespmem:$0xD200] =	vst v63  }
0xa4: {  	s15 =	sadd.s32 $0x30, s22;
	s16 =	simm.s32 $0x1C80  }
0xa5: {  	[tilespmem:s16], [sflag:$0x1] =	stream.linear.gather [hbm4b:s15+s4], $0x80, $0x200038;
	[tilespmem:$0xD200] =	vst v63  }
0xa6: {  	_ =	swait.ge [sflag:s2], $0x500  }
0xa7: {  	[sflag:s2] =	ssyncset.done $0x0  }
0xa8: {  	[sflag:s2] =	ssyncadd.s32 $0xFFFFFB00  }
0xa9: {  	_ =	swait.ge [sflag:s2], $0x500  }
0xaa: {  	[sflag:s2] =	ssyncset.done $0x0  }
0xab: {  	[sflag:s2] =	ssyncadd.s32 $0xFFFFFB00  }
0xac: {  	_ =	swait.ge [sflag:s2], $0x400  }
0xad: {  	[sflag:s2] =	ssyncset.done $0x0  }
0xae: {  	[sflag:s2] =	ssyncadd.s32 $0xFFFFFC00  }
0xaf: {  	_ =	swait.ge [sflag:s2], $0x400  }
0xb0: {  	[sflag:s2] =	ssyncset.done $0x0  }
0xb1: {  	[sflag:s2] =	ssyncadd.s32 $0xFFFFFC00  }
0xb2: {  	_ =	swait.ge [sflag:s2], $0x300  }
0xb3: {  	[sflag:s2] =	ssyncset.done $0x0  }
0xb4: {  	[sflag:s2] =	ssyncadd.s32 $0xFFFFFD00  }
0xb5: {  	_ =	swait.ge [sflag:s2], $0x300  }
0xb6: {  	[sflag:s2] =	ssyncset.done $0x0  }
0xb7: {  	[sflag:s2] =	ssyncadd.s32 $0xFFFFFD00  }
0xb8: {  	_ =	swait.ge [sflag:s2], $0x180  }
0xb9: {  	[sflag:s2] =	ssyncset.done $0x0  }
0xba: {  	[sflag:s2] =	ssyncadd.s32 $0xFFFFFE80  }
0xbb: {  	_ =	swait.ge [sflag:s2], $0x300  }
0xbc: {  	[sflag:s2] =	ssyncset.done $0x0  }
0xbd: {  	[sflag:s2] =	ssyncadd.s32 $0xFFFFFD00  }
0xbe: {  	_ =	swait.ge [sflag:s2], $0x100  }
0xbf: {  	[sflag:s2] =	ssyncset.done $0x0  }
0xc0: {  	[sflag:s2] =	ssyncadd.s32 $0xFFFFFF00  }
0xc1: {  	_ =	swait.ge [sflag:s2], $0x100  }
0xc2: {  	[sflag:s2] =	ssyncset.done $0x0  }
0xc3: {  	[sflag:s2] =	ssyncadd.s32 $0xFFFFFF00  }
0xc4: {  	_ =	swait.ge [sflag:s2], $0x200  }
0xc5: {  	[sflag:s2] =	ssyncset.done $0x0  }
0xc6: {  	[sflag:s2] =	ssyncadd.s32 $0xFFFFFE00  }
0xc7: {  	_ =	swait.ge [sflag:s2], $0x200  }
0xc8: {  	[sflag:s2] =	ssyncset.done $0x0  }
0xc9: {  	[sflag:s2] =	ssyncadd.s32 $0xFFFFFE00  }
0xca: {  	_ =	swait.ge [sflag:s2], $0x200  }
0xcb: {  	[sflag:s2] =	ssyncset.done $0x0  }
0xcc: {  	[sflag:s2] =	ssyncadd.s32 $0xFFFFFE00  }
0xcd: {  	_ =	swait.ge [sflag:s2], $0x200  }
0xce: {  	[sflag:s2] =	ssyncset.done $0x0  }
0xcf: {  	[sflag:s2] =	ssyncadd.s32 $0xFFFFFE00  }
0xd0: {  	_ =	swait.ge [sflag:s2], $0x200  }
0xd1: {  	[sflag:s2] =	ssyncset.done $0x0  }
0xd2: {  	[sflag:s2] =	ssyncadd.s32 $0xFFFFFE00  }
0xd3: {  	_ =	swait.ge [sflag:s2], $0x200  }
0xd4: {  	[sflag:s2] =	ssyncset.done $0x0  }
0xd5: {  	[sflag:s2] =	ssyncadd.s32 $0xFFFFFE00  }
0xd6: {  	_ =	swait.ge [sflag:s2], $0x200  }
0xd7: {  	[sflag:s2] =	ssyncset.done $0x0  }
0xd8: {  	[sflag:s2] =	ssyncadd.s32 $0xFFFFFE00  }
0xd9: {  	_ =	swait.ge [sflag:s2], $0x200  }
0xda: {  	[sflag:s2] =	ssyncset.done $0x0  }
0xdb: {  	[sflag:s2] =	ssyncadd.s32 $0xFFFFFE00  }
0xdc: {  	_ =	swait.ge [sflag:s2], $0x200  }
0xdd: {  	[sflag:s2] =	ssyncset.done $0x0  }
0xde: {  	[sflag:s2] =	ssyncadd.s32 $0xFFFFFE00  }
0xdf: {  	_ =	swait.ge [sflag:s2], $0x200  }
0xe0: {  	[sflag:s2] =	ssyncset.done $0x0  }
0xe1: {  	[sflag:s2] =	ssyncadd.s32 $0xFFFFFE00  }
0xe2: {  	_ =	strace $0x90000048  }
0xe3: {  	_ =	strace $0x80000049  }
0xe4: {  	v6 =	vld.idx.msk [tilespmem:v0+s3+$0x0], $0x3f;
	_ =	sdelay $0x4  }
0xe5: {  	[tilespmem:$0xC800] =	vst v6  }
0xe6: {  	v6 =	vld.idx.msk [tilespmem:v1+s3+$0x0], $0x3f;
	_ =	sdelay $0x4  }
0xe7: {  	[tilespmem:$0xC880] =	vst v6  }
0xe8: {  	v6 =	vld.idx.msk [tilespmem:v2+s3+$0x0], $0x3f;
	_ =	sdelay $0x4  }
0xe9: {  	[tilespmem:$0xC900] =	vst v6  }
0xea: {  	v6 =	vld.idx.msk [tilespmem:v3+s3+$0x0], $0x3f;
	_ =	sdelay $0x4  }
0xeb: {  	[tilespmem:$0xC980] =	vst v6  }
0xec: {  	v6 =	vld.idx.msk [tilespmem:v4+s3+$0x0], $0x3f;
	_ =	sdelay $0x4  }
0xed: {  	[tilespmem:$0xCA00] =	vst v6  }
0xee: {  	v6 =	vld.idx.msk [tilespmem:v5+s3+$0x0], $0x3f;
	_ =	sdelay $0x4  }
0xef: {  	[tilespmem:$0xCA80] =	vst v6  }
0xf0: {  	v6 =	vld.idx.msk [tilespmem:v0+s7+$0x0], $0x7;
	_ =	sdelay $0x4  }
0xf1: {  	[tilespmem:$0xCC00] =	vst v6  }
0xf2: {  	v6 =	vld.idx.msk [tilespmem:v1+s7+$0x0], $0x7;
	_ =	sdelay $0x4  }
0xf3: {  	[tilespmem:$0xCC80] =	vst v6  }
0xf4: {  	v6 =	vld.idx.msk [tilespmem:v2+s7+$0x0], $0x7;
	_ =	sdelay $0x4  }
0xf5: {  	[tilespmem:$0xCD00] =	vst v6  }
0xf6: {  	v6 =	vld.idx.msk [tilespmem:v3+s7+$0x0], $0x7;
	_ =	sdelay $0x4  }
0xf7: {  	[tilespmem:$0xCD80] =	vst v6  }
0xf8: {  	v6 =	vld.idx.msk [tilespmem:v4+s7+$0x0], $0x7;
	_ =	sdelay $0x4  }
0xf9: {  	[tilespmem:$0xCE00] =	vst v6  }
0xfa: {  	v6 =	vld.idx.msk [tilespmem:v5+s7+$0x0], $0x7;
	_ =	sdelay $0x4  }
0xfb: {  	[tilespmem:$0xCE80] =	vst v6  }
0xfc: {  	v6 =	vld.idx.msk [tilespmem:v0+s10+$0x0], $0x3;
	_ =	sdelay $0x4  }
0xfd: {  	[tilespmem:$0xD000] =	vst v6  }
0xfe: {  	v6 =	vld.idx.msk [tilespmem:v1+s10+$0x0], $0x3;
	_ =	sdelay $0x4  }
0xff: {  	[tilespmem:$0xD080] =	vst v6  }
0x100: {  	v6 =	vld.idx.msk [tilespmem:v0+s12+$0x0], $0x3;
	_ =	sdelay $0x4  }
0x101: {  	[tilespmem:$0xD100] =	vst v6  }
0x102: {  	v6 =	vld.idx.msk [tilespmem:v1+s12+$0x0], $0x3;
	_ =	sdelay $0x4  }
0x103: {  	[tilespmem:$0xD180] =	vst v6  }
0x104: {  	s23 =	sand.u32 $0x70, s4;
	s24 =	sand.u32 $0xC00, s4;
	_ =	strace $0x90000049  }
0x105: {  	s3 =	sor.u32 s23, s24;
	_ =	strace $0x8000004A  }
0x106: {  	v6 =	vld [tilespmem:s3+$0x0];
	_ =	sdelay $0x7  }
0x107: {  	v7 =	vld.idx.msk [tilespmem:v6+s25+$0x0], $0xffff  }
0x108: {  	v8 =	vadd.s32 $0x80, v6  }
0x109: {  	s7 =	sor.u32 s4, s4  }
0x10a: {  	s1 =	sor.u32 s24, s4;
	s0 =	sor.u32 $0x380, s7  }
0x10b: {  	s1 =	sor.u32 $0x180, s1;
	v40 =	vld [tilespmem:s0+$0x0]  }
0x10c: {  	v14 =	vld [tilespmem:s1+$0x0];
	[tilespmem:s3+$0x2000] =	vst v7  }
0x10d: {  	v7 =	vld.idx.msk [tilespmem:v8+s25+$0x0], $0xffff  }
0x10e: {  	v8 =	vadd.s32 $0x100, v6;
	_ =	sdelay $0x3  }
0x10f: {  	[tilespmem:s3+$0x2080] =	vst v7  }
0x110: {  	v7 =	vld.idx.msk [tilespmem:v8+s25+$0x0], $0xffff  }
0x111: {  	v8 =	vadd.s32 $0x180, v6;
	_ =	sdelay $0x2  }
0x112: {  	v9 =	vld [tilespmem:s3+$0x80]  }
0x113: {  	v15 =	vld [tilespmem:s3+$0x100];
	[tilespmem:s3+$0x2100] =	vst v7  }
0x114: {  	v7 =	vld.idx.msk [tilespmem:v8+s25+$0x0], $0xffff  }
0x115: {  	v20 =	vld [tilespmem:s3+$0x200];
	v8 =	vadd.s32 $0x200, v6  }
0x116: {  	v32 =	vld [tilespmem:s3+$0x280]  }
0x117: {  	v28 =	vld [tilespmem:s3+$0x300]  }
0x118: {  	v39 =	vld [tilespmem:s3+$0x1000]  }
0x119: {  	v13 =	vld [tilespmem:s3+$0x1080];
	[tilespmem:s1+$0x2000] =	vst v7  }
0x11a: {  	v7 =	vld.idx.msk [tilespmem:v8+s25+$0x0], $0xffff  }
0x11b: {  	v8 =	vadd.s32 $0x280, v6;
	_ =	sdelay $0x3  }
0x11c: {  	[tilespmem:s3+$0x2200] =	vst v7  }
0x11d: {  	v7 =	vld.idx.msk [tilespmem:v8+s25+$0x0], $0xffff  }
0x11e: {  	v8 =	vadd.s32 $0x300, v6;
	_ =	sdelay $0x3  }
0x11f: {  	[tilespmem:s3+$0x2280] =	vst v7  }
0x120: {  	v7 =	vld.idx.msk [tilespmem:v8+s25+$0x0], $0xffff  }
0x121: {  	v8 =	vadd.s32 $0x380, v6;
	_ =	sdelay $0x3  }
0x122: {  	[tilespmem:s3+$0x2300] =	vst v7  }
0x123: {  	v7 =	vld.idx.msk [tilespmem:v8+s25+$0x0], $0xffff  }
0x124: {  	v8 =	vadd.s32 $0x400, v6;
	_ =	sdelay $0x3  }
0x125: {  	[tilespmem:s0+$0x2000] =	vst v7  }
0x126: {  	v7 =	vld.idx.msk [tilespmem:v8+s25+$0x0], $0xffff  }
0x127: {  	v6 =	vadd.s32 $0x480, v6;
	_ =	sdelay $0x2  }
0x128: {  	s10 =	simm.s32 $0x10;
	s12 =	simm.s32 $0x80  }
0x129: {  	s13 =	sand.u32 $0x70, s10;
	s15 =	sand.u32 $0xC00, s12;
	[tilespmem:s3+$0x3000] =	vst v7  }
0x12a: {  	s23 =	sor.u32 s13, s15;
	v6 =	vld.idx.msk [tilespmem:v6+s25+$0x0], $0xffff  }
0x12b: {  	v10 =	vld [tilespmem:s23+$0x0];
	_ =	sdelay $0x3  }
0x12c: {  	[tilespmem:s3+$0x3080] =	vst v6  }
0x12d: {  	v6 =	vld.idx.msk [tilespmem:v9+s26+$0x0], $0xffff  }
0x12e: {  	v7 =	vadd.s32 $0x80, v9;
	_ =	sdelay $0x1  }
0x12f: {  	v11 =	vld.idx.msk [tilespmem:v10+s25+$0x0], $0xffff  }
0x130: {  	v12 =	vadd.s32 $0x80, v10  }
0x131: {  	s1 =	sor.u32 s12, s10;
	[tilespmem:s3+$0x3100] =	vst v6  }
0x132: {  	s1 =	sor.u32 $0x380, s1;
	s0 =	sor.u32 s15, s10;
	v6 =	vld.idx.msk [tilespmem:v7+s26+$0x0], $0xffff  }
0x133: {  	v8 =	vld [tilespmem:s1+$0x0];
	s0 =	sor.u32 $0x180, s0;
	v7 =	vadd.s32 $0x100, v9  }
0x134: {  	v21 =	vld [tilespmem:s0+$0x0];
	[tilespmem:s23+$0x2000] =	vst v11  }
0x135: {  	v11 =	vld.idx.msk [tilespmem:v12+s25+$0x0], $0xffff  }
0x136: {  	v17 =	vadd.s32 $0x100, v10  }
0x137: {  	[tilespmem:s3+$0x3180] =	vst v6  }
0x138: {  	v6 =	vld.idx.msk [tilespmem:v7+s26+$0x0], $0xffff  }
0x139: {  	v7 =	vadd.s32 $0x180, v9  }
0x13a: {  	[tilespmem:s23+$0x2080] =	vst v11  }
0x13b: {  	v11 =	vld.idx.msk [tilespmem:v17+s25+$0x0], $0xffff  }
0x13c: {  	v17 =	vadd.s32 $0x180, v10  }
0x13d: {  	v16 =	vld [tilespmem:s23+$0x80];
	[tilespmem:s3+$0x3200] =	vst v6  }
0x13e: {  	v6 =	vld.idx.msk [tilespmem:v7+s26+$0x0], $0xffff  }
0x13f: {  	v22 =	vld [tilespmem:s23+$0x100];
	v18 =	vadd.s32 $0x200, v9  }
0x140: {  	v26 =	vld [tilespmem:s23+$0x200];
	[tilespmem:s23+$0x2100] =	vst v11  }
0x141: {  	v11 =	vld.idx.msk [tilespmem:v17+s25+$0x0], $0xffff  }
0x142: {  	v43 =	vld [tilespmem:s23+$0x280];
	v17 =	vadd.s32 $0x200, v10  }
0x143: {  	v12 =	vld [tilespmem:s23+$0x300];
	[tilespmem:s3+$0x3280] =	vst v6  }
0x144: {  	v18 =	vld.idx.msk [tilespmem:v18+s26+$0x0], $0xffff  }
0x145: {  	v19 =	vadd.s32 $0x280, v9;
	v7 =	vld [tilespmem:s23+$0x1000]  }
0x146: {  	v6 =	vld [tilespmem:s23+$0x1080];
	[tilespmem:s0+$0x2000] =	vst v11  }
0x147: {  	v11 =	vld.idx.msk [tilespmem:v17+s25+$0x0], $0xffff  }
0x148: {  	v17 =	vadd.s32 $0x280, v10  }
0x149: {  	[tilespmem:s3+$0x3300] =	vst v18  }
0x14a: {  	v18 =	vld.idx.msk [tilespmem:v19+s26+$0x0], $0xffff  }
0x14b: {  	v19 =	vadd.s32 $0x300, v9  }
0x14c: {  	[tilespmem:s23+$0x2200] =	vst v11  }
0x14d: {  	v11 =	vld.idx.msk [tilespmem:v17+s25+$0x0], $0xffff  }
0x14e: {  	v17 =	vadd.s32 $0x300, v10  }
0x14f: {  	[tilespmem:s3+$0x3380] =	vst v18  }
0x150: {  	v18 =	vld.idx.msk [tilespmem:v19+s26+$0x0], $0xffff  }
0x151: {  	v19 =	vadd.s32 $0x380, v9  }
0x152: {  	[tilespmem:s23+$0x2280] =	vst v11  }
0x153: {  	v11 =	vld.idx.msk [tilespmem:v17+s25+$0x0], $0xffff  }
0x154: {  	v17 =	vadd.s32 $0x380, v10  }
0x155: {  	[tilespmem:s3+$0x4000] =	vst v18  }
0x156: {  	v18 =	vld.idx.msk [tilespmem:v19+s26+$0x0], $0xffff  }
0x157: {  	v19 =	vadd.s32 $0x400, v9  }
0x158: {  	[tilespmem:s23+$0x2300] =	vst v11  }
0x159: {  	v11 =	vld.idx.msk [tilespmem:v17+s25+$0x0], $0xffff  }
0x15a: {  	v17 =	vadd.s32 $0x400, v10  }
0x15b: {  	[tilespmem:s3+$0x4080] =	vst v18  }
0x15c: {  	v18 =	vld.idx.msk [tilespmem:v19+s26+$0x0], $0xffff  }
0x15d: {  	v9 =	vadd.s32 $0x480, v9  }
0x15e: {  	[tilespmem:s1+$0x2000] =	vst v11  }
0x15f: {  	v11 =	vld.idx.msk [tilespmem:v17+s25+$0x0], $0xffff  }
0x160: {  	v10 =	vadd.s32 $0x480, v10  }
0x161: {  	[tilespmem:s3+$0x4100] =	vst v18  }
0x162: {  	v9 =	vld.idx.msk [tilespmem:v9+s26+$0x0], $0xffff;
	_ =	sdelay $0x1  }
0x163: {  	s16 =	simm.s32 $0x20;
	s10 =	simm.s32 $0x100;
	[tilespmem:s23+$0x3000] =	vst v11  }
0x164: {  	s12 =	sand.u32 $0x70, s16;
	s13 =	sand.u32 $0xC00, s10;
	v10 =	vld.idx.msk [tilespmem:v10+s25+$0x0], $0xffff  }
0x165: {  	s24 =	sor.u32 s12, s13  }
0x166: {  	v19 =	vld [tilespmem:s24+$0x0];
	[tilespmem:s3+$0x4180] =	vst v9  }
0x167: {  	v9 =	vld.idx.msk [tilespmem:v15+s28+$0x0], $0xffff  }
0x168: {  	v11 =	vadd.s32 $0x80, v15  }
0x169: {  	[tilespmem:s23+$0x3080] =	vst v10  }
0x16a: {  	v10 =	vld.idx.msk [tilespmem:v16+s26+$0x0], $0xffff  }
0x16b: {  	v17 =	vadd.s32 $0x80, v16  }
0x16c: {  	[tilespmem:s3+$0x4200] =	vst v9  }
0x16d: {  	v9 =	vld.idx.msk [tilespmem:v11+s28+$0x0], $0xffff  }
0x16e: {  	v24 =	vadd.s32 $0x100, v15;
	v23 =	vld.idx.msk [tilespmem:v19+s25+$0x0], $0xffff  }
0x16f: {  	s1 =	sor.u32 s13, s16;
	v27 =	vadd.s32 $0x80, v19;
	[tilespmem:s23+$0x3100] =	vst v10  }
0x170: {  	s0 =	sor.u32 s10, s16;
	s1 =	sor.u32 $0x180, s1;
	v10 =	vld.idx.msk [tilespmem:v17+s26+$0x0], $0xffff  }
0x171: {  	s0 =	sor.u32 $0x380, s0;
	v31 =	vld [tilespmem:s1+$0x0];
	v17 =	vadd.s32 $0x100, v16  }
0x172: {  	v11 =	vld [tilespmem:s0+$0x0];
	[tilespmem:s3+$0x4280] =	vst v9  }
0x173: {  	[tilespmem:s24+$0x2000] =	vst v23;
	v9 =	vld.idx.msk [tilespmem:v24+s28+$0x0], $0xffff  }
0x174: {  	v23 =	vld.idx.msk [tilespmem:v27+s25+$0x0], $0xffff;
	v24 =	vadd.s32 $0x180, v15  }
0x175: {  	v27 =	vadd.s32 $0x100, v19;
	[tilespmem:s23+$0x3180] =	vst v10  }
0x176: {  	v10 =	vld.idx.msk [tilespmem:v17+s26+$0x0], $0xffff  }
0x177: {  	v29 =	vadd.s32 $0x180, v16  }
0x178: {  	v25 =	vld [tilespmem:s24+$0x80];
	[tilespmem:s3+$0x4300] =	vst v9  }
0x179: {  	[tilespmem:s24+$0x2080] =	vst v23;
	v9 =	vld.idx.msk [tilespmem:v24+s28+$0x0], $0xffff  }
0x17a: {  	v23 =	vld.idx.msk [tilespmem:v27+s25+$0x0], $0xffff;
	v24 =	vadd.s32 $0x200, v15  }
0x17b: {  	v34 =	vld [tilespmem:s24+$0x100];
	v27 =	vadd.s32 $0x180, v19;
	[tilespmem:s23+$0x3200] =	vst v10  }
0x17c: {  	v29 =	vld.idx.msk [tilespmem:v29+s26+$0x0], $0xffff  }
0x17d: {  	v30 =	vadd.s32 $0x200, v16;
	v42 =	vld [tilespmem:s24+$0x200]  }
0x17e: {  	v18 =	vld [tilespmem:s24+$0x280];
	[tilespmem:s3+$0x4380] =	vst v9  }
0x17f: {  	[tilespmem:s24+$0x2100] =	vst v23;
	v23 =	vld.idx.msk [tilespmem:v24+s28+$0x0], $0xffff  }
0x180: {  	v24 =	vld.idx.msk [tilespmem:v27+s25+$0x0], $0xffff;
	v27 =	vadd.s32 $0x280, v15  }
0x181: {  	v33 =	vadd.s32 $0x200, v19;
	v17 =	vld [tilespmem:s24+$0x300];
	[tilespmem:s23+$0x3280] =	vst v29  }
0x182: {  	v29 =	vld.idx.msk [tilespmem:v30+s26+$0x0], $0xffff  }
0x183: {  	v10 =	vld [tilespmem:s24+$0x1000];
	v30 =	vadd.s32 $0x280, v16  }
0x184: {  	v9 =	vld [tilespmem:s24+$0x1080];
	[tilespmem:s3+$0x5000] =	vst v23  }
0x185: {  	[tilespmem:s1+$0x2000] =	vst v24;
	v23 =	vld.idx.msk [tilespmem:v27+s28+$0x0], $0xffff  }
0x186: {  	v24 =	vld.idx.msk [tilespmem:v33+s25+$0x0], $0xffff;
	v27 =	vadd.s32 $0x300, v15  }
0x187: {  	v46 =	vadd.s32 $0x280, v19;
	[tilespmem:s23+$0x3300] =	vst v29  }
0x188: {  	v29 =	vld.idx.msk [tilespmem:v30+s26+$0x0], $0xffff  }
0x189: {  	v30 =	vadd.s32 $0x300, v16  }
0x18a: {  	[tilespmem:s3+$0x5080] =	vst v23  }
0x18b: {  	[tilespmem:s24+$0x2200] =	vst v24;
	v23 =	vld.idx.msk [tilespmem:v27+s28+$0x0], $0xffff  }
0x18c: {  	v15 =	vadd.s32 $0x380, v15;
	v24 =	vld.idx.msk [tilespmem:v46+s25+$0x0], $0xffff  }
0x18d: {  	[tilespmem:s23+$0x3380] =	vst v29;
	v27 =	vadd.s32 $0x300, v19  }
0x18e: {  	v29 =	vld.idx.msk [tilespmem:v30+s26+$0x0], $0xffff  }
0x18f: {  	v30 =	vadd.s32 $0x380, v16  }
0x190: {  	[tilespmem:s3+$0x5100] =	vst v23  }
0x191: {  	[tilespmem:s24+$0x2280] =	vst v24;
	v15 =	vld.idx.msk [tilespmem:v15+s28+$0x0], $0xffff  }
0x192: {  	v23 =	vld.idx.msk [tilespmem:v27+s25+$0x0], $0xffff  }
0x193: {  	v24 =	vadd.s32 $0x380, v19;
	[tilespmem:s23+$0x4000] =	vst v29  }
0x194: {  	v27 =	vld.idx.msk [tilespmem:v30+s26+$0x0], $0xffff  }
0x195: {  	v29 =	vadd.s32 $0x400, v16  }
0x196: {  	[tilespmem:s3+$0x5180] =	vst v15  }
0x197: {  	[tilespmem:s24+$0x2300] =	vst v23;
	v15 =	vld.idx.msk [tilespmem:v14+s29+$0x0], $0xffff  }
0x198: {  	v23 =	vld.idx.msk [tilespmem:v24+s25+$0x0], $0xffff;
	v24 =	vadd.s32 $0x80, v14  }
0x199: {  	v30 =	vadd.s32 $0x400, v19;
	[tilespmem:s23+$0x4080] =	vst v27  }
0x19a: {  	v27 =	vld.idx.msk [tilespmem:v29+s26+$0x0], $0xffff  }
0x19b: {  	v16 =	vadd.s32 $0x480, v16  }
0x19c: {  	[tilespmem:s3+$0x5200] =	vst v15  }
0x19d: {  	[tilespmem:s0+$0x2000] =	vst v23;
	v15 =	vld.idx.msk [tilespmem:v24+s29+$0x0], $0xffff  }
0x19e: {  	v23 =	vld.idx.msk [tilespmem:v30+s25+$0x0], $0xffff;
	v24 =	vadd.s32 $0x100, v14  }
0x19f: {  	v19 =	vadd.s32 $0x480, v19;
	[tilespmem:s23+$0x4100] =	vst v27  }
0x1a0: {  	v16 =	vld.idx.msk [tilespmem:v16+s26+$0x0], $0xffff;
	_ =	sdelay $0x1  }
0x1a1: {  	s15 =	simm.s32 $0x30;
	s16 =	simm.s32 $0x180;
	[tilespmem:s3+$0x5280] =	vst v15  }
0x1a2: {  	s10 =	sand.u32 $0x70, s15;
	s12 =	sand.u32 $0xC00, s16;
	[tilespmem:s24+$0x3000] =	vst v23;
	v15 =	vld.idx.msk [tilespmem:v24+s29+$0x0], $0xffff  }
0x1a3: {  	s0 =	sor.u32 s10, s12;
	v23 =	vadd.s32 $0x180, v14;
	v19 =	vld.idx.msk [tilespmem:v19+s25+$0x0], $0xffff  }
0x1a4: {  	v27 =	vld [tilespmem:s0+$0x0];
	[tilespmem:s23+$0x4180] =	vst v16  }
0x1a5: {  	v16 =	vld.idx.msk [tilespmem:v22+s28+$0x0], $0xffff  }
0x1a6: {  	v29 =	vadd.s32 $0x80, v22  }
0x1a7: {  	[tilespmem:s3+$0x5300] =	vst v15  }
0x1a8: {  	[tilespmem:s24+$0x3080] =	vst v19;
	v19 =	vld.idx.msk [tilespmem:v23+s29+$0x0], $0xffff  }
0x1a9: {  	v47 =	vadd.s32 $0x200, v14;
	v30 =	vld.idx.msk [tilespmem:v25+s26+$0x0], $0xffff  }
0x1aa: {  	v35 =	vadd.s32 $0x80, v25;
	[tilespmem:s23+$0x4200] =	vst v16  }
0x1ab: {  	s7 =	sor.u32 s16, s15;
	v16 =	vld.idx.msk [tilespmem:v29+s28+$0x0], $0xffff  }
0x1ac: {  	v37 =	vadd.s32 $0x100, v22;
	s7 =	sor.u32 $0x380, s7;
	v36 =	vld.idx.msk [tilespmem:v27+s25+$0x0], $0xffff  }
0x1ad: {  	v15 =	vld [tilespmem:s7+$0x0];
	[tilespmem:s3+$0x5380] =	vst v19;
	v19 =	vadd.s32 $0x80, v27  }
0x1ae: {  	s1 =	sor.u32 s12, s15;
	[tilespmem:s24+$0x3100] =	vst v30;
	v30 =	vld.idx.msk [tilespmem:v47+s29+$0x0], $0xffff  }
0x1af: {  	v49 =	vadd.s32 $0x280, v14;
	s1 =	sor.u32 $0x180, s1;
	v48 =	vld.idx.msk [tilespmem:v35+s26+$0x0], $0xffff  }
0x1b0: {  	v41 =	vadd.s32 $0x100, v25;
	v29 =	vld [tilespmem:s1+$0x0];
	[tilespmem:s23+$0x4280] =	vst v16  }
0x1b1: {  	[tilespmem:s0+$0x2000] =	vst v36;
	v16 =	vld.idx.msk [tilespmem:v37+s28+$0x0], $0xffff  }
0x1b2: {  	v50 =	vadd.s32 $0x180, v22;
	v36 =	vld.idx.msk [tilespmem:v19+s25+$0x0], $0xffff  }
0x1b3: {  	v38 =	vld [tilespmem:s0+$0x80];
	[tilespmem:s3+$0x6000] =	vst v30;
	v30 =	vadd.s32 $0x100, v27  }
0x1b4: {  	[tilespmem:s24+$0x3180] =	vst v48;
	v51 =	vld.idx.msk [tilespmem:v49+s29+$0x0], $0xffff  }
0x1b5: {  	v53 =	vadd.s32 $0x300, v14;
	v52 =	vld.idx.msk [tilespmem:v41+s26+$0x0], $0xffff  }
0x1b6: {  	v45 =	vadd.s32 $0x180, v25;
	v44 =	vld [tilespmem:s0+$0x100];
	[tilespmem:s23+$0x4300] =	vst v16  }
0x1b7: {  	v54 =	vld.idx.msk [tilespmem:v50+s28+$0x0], $0xffff;
	[tilespmem:s0+$0x2080] =	vst v36  }
0x1b8: {  	v55 =	vadd.s32 $0x200, v22;
	v30 =	vld.idx.msk [tilespmem:v30+s25+$0x0], $0xffff  }
0x1b9: {  	v24 =	vld [tilespmem:s0+$0x200];
	[tilespmem:s3+$0x6080] =	vst v51  }
0x1ba: {  	v56 =	vadd.s32 $0x180, v27;
	[tilespmem:s24+$0x3200] =	vst v52;
	v57 =	vld.idx.msk [tilespmem:v53+s29+$0x0], $0xffff  }
0x1bb: {  	v14 =	vadd.s32 $0x380, v14;
	v58 =	vld.idx.msk [tilespmem:v45+s26+$0x0], $0xffff  }
0x1bc: {  	v59 =	vadd.s32 $0x200, v25;
	v23 =	vld [tilespmem:s0+$0x280];
	[tilespmem:s23+$0x4380] =	vst v54  }
0x1bd: {  	[tilespmem:s0+$0x2100] =	vst v30;
	v30 =	vld.idx.msk [tilespmem:v55+s28+$0x0], $0xffff  }
0x1be: {  	v60 =	vadd.s32 $0x280, v22;
	v19 =	vld [tilespmem:s0+$0x300]  }
0x1bf: {  	v33 =	vld.idx.msk [tilespmem:v56+s25+$0x0], $0xffff;
	[tilespmem:s3+$0x6100] =	vst v57  }
0x1c0: {  	v61 =	vadd.s32 $0x200, v27;
	[tilespmem:s24+$0x3280] =	vst v58;
	v62 =	vld.idx.msk [tilespmem:v14+s29+$0x0], $0xffff  }
0x1c1: {  	v41 =	vld.idx.msk [tilespmem:v59+s26+$0x0], $0xffff  }
0x1c2: {  	v63 =	vadd.s32 $0x280, v25;
	v16 =	vld [tilespmem:s0+$0x1000];
	[tilespmem:s23+$0x5000] =	vst v30  }
0x1c3: {  	v30 =	vld.idx.msk [tilespmem:v60+s28+$0x0], $0xffff  }
0x1c4: {  	v48 =	vadd.s32 $0x300, v22;
	v14 =	vld [tilespmem:s0+$0x1080];
	[tilespmem:s1+$0x2000] =	vst v33  }
0x1c5: {  	v33 =	vld.idx.msk [tilespmem:v61+s25+$0x0], $0xffff;
	[tilespmem:s3+$0x6180] =	vst v62  }
0x1c6: {  	v49 =	vadd.s32 $0x280, v27;
	[tilespmem:s24+$0x3300] =	vst v41;
	v37 =	vld.idx.msk [tilespmem:v20+s30+$0x0], $0xffff  }
0x1c7: {  	v50 =	vadd.s32 $0x80, v20;
	v41 =	vld.idx.msk [tilespmem:v63+s26+$0x0], $0xffff  }
0x1c8: {  	v46 =	vadd.s32 $0x300, v25;
	[tilespmem:s23+$0x5080] =	vst v30  }
0x1c9: {  	v30 =	vld.idx.msk [tilespmem:v48+s28+$0x0], $0xffff  }
0x1ca: {  	v22 =	vadd.s32 $0x380, v22;
	[tilespmem:s0+$0x2200] =	vst v33  }
0x1cb: {  	v33 =	vld.idx.msk [tilespmem:v49+s25+$0x0], $0xffff;
	[tilespmem:s3+$0x6200] =	vst v37  }
0x1cc: {  	v51 =	vadd.s32 $0x300, v27;
	[tilespmem:s24+$0x3380] =	vst v41;
	v52 =	vld.idx.msk [tilespmem:v50+s30+$0x0], $0xffff  }
0x1cd: {  	v54 =	vadd.s32 $0x100, v20;
	v53 =	vld.idx.msk [tilespmem:v46+s26+$0x0], $0xffff  }
0x1ce: {  	v55 =	vadd.s32 $0x380, v25;
	[tilespmem:s23+$0x5100] =	vst v30  }
0x1cf: {  	v22 =	vld.idx.msk [tilespmem:v22+s28+$0x0], $0xffff  }
0x1d0: {  	[tilespmem:s0+$0x2280] =	vst v33  }
0x1d1: {  	v30 =	vld.idx.msk [tilespmem:v51+s25+$0x0], $0xffff;
	[tilespmem:s3+$0x6280] =	vst v52  }
0x1d2: {  	v56 =	vadd.s32 $0x380, v27;
	[tilespmem:s24+$0x4000] =	vst v53;
	v57 =	vld.idx.msk [tilespmem:v54+s30+$0x0], $0xffff  }
0x1d3: {  	v59 =	vadd.s32 $0x180, v20;
	v58 =	vld.idx.msk [tilespmem:v55+s26+$0x0], $0xffff  }
0x1d4: {  	v60 =	vadd.s32 $0x400, v25;
	[tilespmem:s23+$0x5180] =	vst v22  }
0x1d5: {  	v22 =	vld.idx.msk [tilespmem:v21+s29+$0x0], $0xffff  }
0x1d6: {  	v61 =	vadd.s32 $0x80, v21;
	[tilespmem:s0+$0x2300] =	vst v30  }
0x1d7: {  	s13 =	simm.s32 $0x200;
	s10 =	simm.s32 $0x40;
	v30 =	vld.idx.msk [tilespmem:v56+s25+$0x0], $0xffff;
	[tilespmem:s3+$0x6300] =	vst v57  }
0x1d8: {  	s16 =	sand.u32 $0xC00, s13;
	s15 =	sand.u32 $0x70, s10;
	v62 =	vadd.s32 $0x400, v27;
	[tilespmem:s24+$0x4080] =	vst v58;
	v37 =	vld.idx.msk [tilespmem:v59+s30+$0x0], $0xffff  }
0x1d9: {  	s1 =	sor.u32 s15, s16;
	v63 =	vadd.s32 $0x200, v20;
	v41 =	vld.idx.msk [tilespmem:v60+s26+$0x0], $0xffff  }
0x1da: {  	v25 =	vadd.s32 $0x480, v25;
	v36 =	vld [tilespmem:s1+$0x100];
	[tilespmem:s23+$0x5200] =	vst v22  }
0x1db: {  	v22 =	vld.idx.msk [tilespmem:v61+s29+$0x0], $0xffff  }
0x1dc: {  	v45 =	vld [tilespmem:s1+$0x0];
	v49 =	vadd.s32 $0x100, v21;
	[tilespmem:s7+$0x2000] =	vst v30  }
0x1dd: {  	v48 =	vld.idx.msk [tilespmem:v62+s25+$0x0], $0xffff;
	[tilespmem:s3+$0x6380] =	vst v37  }
0x1de: {  	v27 =	vadd.s32 $0x480, v27;
	[tilespmem:s24+$0x4100] =	vst v41;
	v37 =	vld.idx.msk [tilespmem:v63+s30+$0x0], $0xffff  }
0x1df: {  	v20 =	vadd.s32 $0x280, v20;
	v25 =	vld.idx.msk [tilespmem:v25+s26+$0x0], $0xffff  }
0x1e0: {  	v46 =	vld [tilespmem:s1+$0x80];
	[tilespmem:s23+$0x5280] =	vst v22  }
0x1e1: {  	v22 =	vld.idx.msk [tilespmem:v49+s29+$0x0], $0xffff  }
0x1e2: {  	v50 =	vadd.s32 $0x180, v21;
	v30 =	vld [tilespmem:s1+$0x200];
	[tilespmem:s0+$0x3000] =	vst v48  }
0x1e3: {  	v33 =	vld.idx.msk [tilespmem:v27+s25+$0x0], $0xffff;
	[tilespmem:s3+$0x7000] =	vst v37  }
0x1e4: {  	[tilespmem:s24+$0x4180] =	vst v25;
	v25 =	vld.idx.msk [tilespmem:v20+s30+$0x0], $0xffff  }
0x1e5: {  	v51 =	vld.idx.msk [tilespmem:v34+s28+$0x0], $0xffff  }
0x1e6: {  	v52 =	vadd.s32 $0x80, v34;
	v48 =	vld.idx.msk [tilespmem:v45+s25+$0x0], $0xffff;
	[tilespmem:s23+$0x5300] =	vst v22  }
0x1e7: {  	v22 =	vld.idx.msk [tilespmem:v50+s29+$0x0], $0xffff  }
0x1e8: {  	v53 =	vadd.s32 $0x200, v21;
	v27 =	vld [tilespmem:s1+$0x280];
	[tilespmem:s0+$0x3080] =	vst v33  }
0x1e9: {  	v33 =	vld.idx.msk [tilespmem:v38+s26+$0x0], $0xffff;
	[tilespmem:s3+$0x7080] =	vst v25  }
0x1ea: {  	s12 =	sor.u32 s13, s10;
	v25 =	vadd.s32 $0x80, v38;
	[tilespmem:s24+$0x4200] =	vst v51;
	v54 =	vld.idx.msk [tilespmem:v32+s5+$0x0], $0xffff  }
0x1eb: {  	v47 =	vadd.s32 $0x80, v32;
	s7 =	sor.u32 $0x380, s12;
	v41 =	vld.idx.msk [tilespmem:v52+s28+$0x0], $0xffff  }
0x1ec: {  	s10 =	sor.u32 s16, s10;
	v49 =	vadd.s32 $0x100, v34;
	v20 =	vld [tilespmem:s7+$0x0];
	[tilespmem:s23+$0x5380] =	vst v22  }
0x1ed: {  	s10 =	sor.u32 $0x180, s10;
	v22 =	vadd.s32 $0x80, v45;
	v35 =	vld.idx.msk [tilespmem:v53+s29+$0x0], $0xffff  }
0x1ee: {  	v50 =	vadd.s32 $0x280, v21;
	[tilespmem:s0+$0x3100] =	vst v33;
	v33 =	vld [tilespmem:s10+$0x0]  }
0x1ef: {  	v25 =	vld.idx.msk [tilespmem:v25+s26+$0x0], $0xffff;
	[tilespmem:s3+$0x7100] =	vst v54  }
0x1f0: {  	v55 =	vadd.s32 $0x100, v38;
	[tilespmem:s24+$0x4280] =	vst v41;
	v56 =	vld.idx.msk [tilespmem:v47+s5+$0x0], $0xffff  }
0x1f1: {  	v58 =	vadd.s32 $0x100, v32;
	[tilespmem:s1+$0x2000] =	vst v48;
	v57 =	vld.idx.msk [tilespmem:v49+s28+$0x0], $0xffff  }
0x1f2: {  	v59 =	vadd.s32 $0x180, v34;
	v22 =	vld.idx.msk [tilespmem:v22+s25+$0x0], $0xffff;
	[tilespmem:s23+$0x6000] =	vst v35  }
0x1f3: {  	v60 =	vadd.s32 $0x100, v45;
	v50 =	vld.idx.msk [tilespmem:v50+s29+$0x0], $0xffff  }
0x1f4: {  	v51 =	vadd.s32 $0x300, v21;
	[tilespmem:s0+$0x3180] =	vst v25;
	v25 =	vld [tilespmem:s1+$0x300]  }
0x1f5: {  	v37 =	vld.idx.msk [tilespmem:v55+s26+$0x0], $0xffff;
	[tilespmem:s3+$0x7180] =	vst v56  }
0x1f6: {  	v61 =	vadd.s32 $0x180, v38;
	[tilespmem:s24+$0x4300] =	vst v57;
	v62 =	vld.idx.msk [tilespmem:v58+s5+$0x0], $0xffff  }
0x1f7: {  	v56 =	vadd.s32 $0x180, v32;
	[tilespmem:s1+$0x2080] =	vst v22;
	v63 =	vld.idx.msk [tilespmem:v59+s28+$0x0], $0xffff  }
0x1f8: {  	v52 =	vadd.s32 $0x200, v34;
	v35 =	vld.idx.msk [tilespmem:v60+s25+$0x0], $0xffff;
	[tilespmem:s23+$0x6080] =	vst v50  }
0x1f9: {  	v57 =	vadd.s32 $0x180, v45;
	v58 =	vld.idx.msk [tilespmem:v51+s29+$0x0], $0xffff  }
0x1fa: {  	v21 =	vadd.s32 $0x380, v21;
	v22 =	vld [tilespmem:s1+$0x1000];
	[tilespmem:s0+$0x3200] =	vst v37  }
0x1fb: {  	v41 =	vld.idx.msk [tilespmem:v61+s26+$0x0], $0xffff;
	[tilespmem:s3+$0x7200] =	vst v62  }
0x1fc: {  	v59 =	vadd.s32 $0x200, v38;
	[tilespmem:s24+$0x4380] =	vst v63;
	v60 =	vld.idx.msk [tilespmem:v56+s5+$0x0], $0xffff  }
0x1fd: {  	v62 =	vadd.s32 $0x200, v32;
	[tilespmem:s1+$0x2100] =	vst v35;
	v61 =	vld.idx.msk [tilespmem:v52+s28+$0x0], $0xffff  }
0x1fe: {  	v63 =	vadd.s32 $0x280, v34;
	v50 =	vld.idx.msk [tilespmem:v57+s25+$0x0], $0xffff;
	[tilespmem:s23+$0x6100] =	vst v58  }
0x1ff: {  	v53 =	vadd.s32 $0x200, v45;
	v54 =	vld.idx.msk [tilespmem:v21+s29+$0x0], $0xffff  }
0x200: {  	[tilespmem:s0+$0x3280] =	vst v41;
	v21 =	vld [tilespmem:s1+$0x1080]  }
0x201: {  	v47 =	vld.idx.msk [tilespmem:v59+s26+$0x0], $0xffff;
	[tilespmem:s3+$0x7280] =	vst v60  }
0x202: {  	v55 =	vadd.s32 $0x280, v38;
	[tilespmem:s24+$0x5000] =	vst v61;
	v56 =	vld.idx.msk [tilespmem:v62+s5+$0x0], $0xffff  }
0x203: {  	s13 =	simm.s32 $0x280;
	s12 =	simm.s32 $0x50;
	v32 =	vadd.s32 $0x280, v32;
	[tilespmem:s10+$0x2000] =	vst v50;
	v57 =	vld.idx.msk [tilespmem:v63+s28+$0x0], $0xffff  }
0x204: {  	s16 =	sand.u32 $0xC00, s13;
	s15 =	sand.u32 $0x70, s12;
	v58 =	vadd.s32 $0x300, v34;
	v37 =	vld.idx.msk [tilespmem:v53+s25+$0x0], $0xffff;
	[tilespmem:s23+$0x6180] =	vst v54  }
0x205: {  	v59 =	vadd.s32 $0x280, v45;
	s10 =	sor.u32 s15, s16;
	v60 =	vld.idx.msk [tilespmem:v26+s30+$0x0], $0xffff  }
0x206: {  	v61 =	vadd.s32 $0x80, v26;
	v41 =	vld [tilespmem:s10+$0x80];
	[tilespmem:s0+$0x3300] =	vst v47  }
0x207: {  	v48 =	vld.idx.msk [tilespmem:v55+s26+$0x0], $0xffff;
	[tilespmem:s3+$0x7300] =	vst v56  }
0x208: {  	v62 =	vadd.s32 $0x300, v38;
	[tilespmem:s24+$0x5080] =	vst v57;
	v32 =	vld.idx.msk [tilespmem:v32+s5+$0x0], $0xffff  }
0x209: {  	[tilespmem:s1+$0x2200] =	vst v37;
	v49 =	vld.idx.msk [tilespmem:v58+s28+$0x0], $0xffff  }
0x20a: {  	v34 =	vadd.s32 $0x380, v34;
	v63 =	vld.idx.msk [tilespmem:v59+s25+$0x0], $0xffff;
	[tilespmem:s23+$0x6200] =	vst v60  }
0x20b: {  	v54 =	vadd.s32 $0x300, v45;
	v55 =	vld.idx.msk [tilespmem:v61+s30+$0x0], $0xffff  }
0x20c: {  	v56 =	vadd.s32 $0x100, v26;
	v37 =	vld [tilespmem:s10+$0x100];
	[tilespmem:s0+$0x3380] =	vst v48  }
0x20d: {  	v35 =	vld.idx.msk [tilespmem:v62+s26+$0x0], $0xffff;
	[tilespmem:s3+$0x7380] =	vst v32  }
0x20e: {  	v57 =	vadd.s32 $0x380, v38;
	[tilespmem:s24+$0x5100] =	vst v49;
	v58 =	vld.idx.msk [tilespmem:v28+s6+$0x0], $0xffff  }
0x20f: {  	v59 =	vadd.s32 $0x80, v28;
	[tilespmem:s1+$0x2280] =	vst v63;
	v34 =	vld.idx.msk [tilespmem:v34+s28+$0x0], $0xffff  }
0x210: {  	v47 =	vld.idx.msk [tilespmem:v54+s25+$0x0], $0xffff;
	[tilespmem:s23+$0x6280] =	vst v55  }
0x211: {  	v60 =	vadd.s32 $0x380, v45;
	v51 =	vld.idx.msk [tilespmem:v56+s30+$0x0], $0xffff  }
0x212: {  	v61 =	vadd.s32 $0x180, v26;
	[tilespmem:s0+$0x4000] =	vst v35;
	v35 =	vld [tilespmem:s10+$0x200]  }
0x213: {  	v32 =	vld.idx.msk [tilespmem:v57+s26+$0x0], $0xffff;
	[tilespmem:s3+$0x8000] =	vst v58  }
0x214: {  	v62 =	vadd.s32 $0x400, v38;
	[tilespmem:s24+$0x5180] =	vst v34;
	v63 =	vld.idx.msk [tilespmem:v59+s6+$0x0], $0xffff  }
0x215: {  	v58 =	vadd.s32 $0x100, v28;
	[tilespmem:s1+$0x2300] =	vst v47;
	v57 =	vld.idx.msk [tilespmem:v31+s29+$0x0], $0xffff  }
0x216: {  	v53 =	vadd.s32 $0x80, v31;
	v48 =	vld.idx.msk [tilespmem:v60+s25+$0x0], $0xffff;
	[tilespmem:s23+$0x6300] =	vst v51  }
0x217: {  	v59 =	vadd.s32 $0x400, v45;
	v52 =	vld.idx.msk [tilespmem:v61+s30+$0x0], $0xffff  }
0x218: {  	v54 =	vadd.s32 $0x200, v26;
	v47 =	vld [tilespmem:s10+$0x0];
	[tilespmem:s0+$0x4080] =	vst v32  }
0x219: {  	v49 =	vld.idx.msk [tilespmem:v62+s26+$0x0], $0xffff;
	[tilespmem:s3+$0x8080] =	vst v63  }
0x21a: {  	v60 =	vadd.s32 $0x480, v38;
	[tilespmem:s24+$0x5200] =	vst v57;
	v61 =	vld.idx.msk [tilespmem:v58+s6+$0x0], $0xffff  }
0x21b: {  	v63 =	vadd.s32 $0x180, v28;
	[tilespmem:s7+$0x2000] =	vst v48;
	v62 =	vld.idx.msk [tilespmem:v53+s29+$0x0], $0xffff  }
0x21c: {  	v56 =	vadd.s32 $0x100, v31;
	v51 =	vld.idx.msk [tilespmem:v59+s25+$0x0], $0xffff;
	[tilespmem:s23+$0x6380] =	vst v52  }
0x21d: {  	v45 =	vadd.s32 $0x480, v45;
	v57 =	vld.idx.msk [tilespmem:v54+s30+$0x0], $0xffff  }
0x21e: {  	v26 =	vadd.s32 $0x280, v26;
	v32 =	vld [tilespmem:s10+$0x280];
	[tilespmem:s0+$0x4100] =	vst v49  }
0x21f: {  	v34 =	vld.idx.msk [tilespmem:v60+s26+$0x0], $0xffff;
	[tilespmem:s3+$0x8100] =	vst v61  }
0x220: {  	[tilespmem:s24+$0x5280] =	vst v62;
	v38 =	vld.idx.msk [tilespmem:v63+s6+$0x0], $0xffff  }
0x221: {  	v58 =	vadd.s32 $0x200, v28;
	[tilespmem:s1+$0x3000] =	vst v51;
	v48 =	vld.idx.msk [tilespmem:v56+s29+$0x0], $0xffff  }
0x222: {  	s13 =	sor.u32 s13, s12;
	v59 =	vadd.s32 $0x180, v31;
	v45 =	vld.idx.msk [tilespmem:v45+s25+$0x0], $0xffff;
	[tilespmem:s23+$0x7000] =	vst v57  }
0x223: {  	s13 =	sor.u32 $0x380, s13;
	v60 =	vld.idx.msk [tilespmem:v26+s30+$0x0], $0xffff  }
0x224: {  	[tilespmem:s0+$0x4180] =	vst v34;
	v26 =	vld [tilespmem:s13+$0x0]  }
0x225: {  	v61 =	vld.idx.msk [tilespmem:v44+s28+$0x0], $0xffff;
	[tilespmem:s3+$0x8180] =	vst v38  }
0x226: {  	v62 =	vadd.s32 $0x80, v44;
	[tilespmem:s24+$0x5300] =	vst v48;
	v63 =	vld.idx.msk [tilespmem:v58+s6+$0x0], $0xffff  }
0x227: {  	[tilespmem:s1+$0x3080] =	vst v45;
	v45 =	vld.idx.msk [tilespmem:v59+s29+$0x0], $0xffff  }
0x228: {  	v28 =	vadd.s32 $0x280, v28;
	v50 =	vld.idx.msk [tilespmem:v46+s26+$0x0], $0xffff;
	[tilespmem:s23+$0x7080] =	vst v60  }
0x229: {  	v57 =	vadd.s32 $0x200, v31;
	v59 =	vld.idx.msk [tilespmem:v43+s5+$0x0], $0xffff  }
0x22a: {  	s16 =	sor.u32 s16, s12;
	v58 =	vadd.s32 $0x80, v46;
	[tilespmem:s0+$0x4200] =	vst v61;
	v61 =	vld.idx.msk [tilespmem:v47+s25+$0x0], $0xffff  }
0x22b: {  	s7 =	sor.u32 $0x180, s16;
	v60 =	vld.idx.msk [tilespmem:v62+s28+$0x0], $0xffff;
	v62 =	vadd.s32 $0x80, v43;
	[tilespmem:s3+$0x8200] =	vst v63  }
0x22c: {  	v56 =	vadd.s32 $0x80, v47;
	v38 =	vld [tilespmem:s7+$0x0];
	[tilespmem:s24+$0x5380] =	vst v45  }
0x22d: {  	v63 =	vadd.s32 $0x100, v44;
	v28 =	vld.idx.msk [tilespmem:v28+s6+$0x0], $0xffff;
	[tilespmem:s1+$0x3100] =	vst v50  }
0x22e: {  	v57 =	vld.idx.msk [tilespmem:v57+s29+$0x0], $0xffff;
	[tilespmem:s23+$0x7100] =	vst v59  }
0x22f: {  	v34 =	vld.idx.msk [tilespmem:v58+s26+$0x0], $0xffff;
	v58 =	vadd.s32 $0x280, v31;
	[tilespmem:s10+$0x2000] =	vst v61  }
0x230: {  	[tilespmem:s0+$0x4280] =	vst v60;
	v60 =	vld.idx.msk [tilespmem:v62+s5+$0x0], $0xffff  }
0x231: {  	v59 =	vadd.s32 $0x100, v46;
	v45 =	vld.idx.msk [tilespmem:v56+s25+$0x0], $0xffff  }
0x232: {  	v61 =	vadd.s32 $0x100, v43;
	v48 =	vld.idx.msk [tilespmem:v63+s28+$0x0], $0xffff;
	[tilespmem:s3+$0x8280] =	vst v28  }
0x233: {  	v63 =	vadd.s32 $0x100, v47;
	[tilespmem:s24+$0x6000] =	vst v57;
	v62 =	vld.idx.msk [tilespmem:v40+s14+$0x0], $0xffff  }
0x234: {  	v28 =	vadd.s32 $0x180, v44;
	[tilespmem:s1+$0x3180] =	vst v34;
	v51 =	vld.idx.msk [tilespmem:v58+s29+$0x0], $0xffff  }
0x235: {  	v34 =	vld [tilespmem:s10+$0x300];
	[tilespmem:s23+$0x7180] =	vst v60  }
0x236: {  	v55 =	vadd.s32 $0x80, v40;
	v49 =	vld.idx.msk [tilespmem:v59+s26+$0x0], $0xffff;
	[tilespmem:s10+$0x2080] =	vst v45  }
0x237: {  	v56 =	vadd.s32 $0x300, v31;
	[tilespmem:s0+$0x4300] =	vst v48;
	v48 =	vld.idx.msk [tilespmem:v61+s5+$0x0], $0xffff  }
0x238: {  	v59 =	vadd.s32 $0x180, v46;
	v53 =	vld.idx.msk [tilespmem:v63+s25+$0x0], $0xffff  }
0x239: {  	v54 =	vadd.s32 $0x180, v43;
	v45 =	vld.idx.msk [tilespmem:v28+s28+$0x0], $0xffff;
	[tilespmem:s3+$0x8300] =	vst v62  }
0x23a: {  	v61 =	vadd.s32 $0x180, v47;
	v28 =	vld [tilespmem:s10+$0x1000];
	[tilespmem:s24+$0x6080] =	vst v51  }
0x23b: {  	v50 =	vadd.s32 $0x200, v44;
	v60 =	vld.idx.msk [tilespmem:v55+s14+$0x0], $0xffff;
	[tilespmem:s1+$0x3200] =	vst v49  }
0x23c: {  	v63 =	vadd.s32 $0x100, v40;
	v62 =	vld.idx.msk [tilespmem:v56+s29+$0x0], $0xffff;
	[tilespmem:s23+$0x7200] =	vst v48  }
0x23d: {  	v31 =	vadd.s32 $0x380, v31;
	v52 =	vld.idx.msk [tilespmem:v59+s26+$0x0], $0xffff;
	[tilespmem:s10+$0x2100] =	vst v53  }
0x23e: {  	[tilespmem:s0+$0x4380] =	vst v45;
	v45 =	vld.idx.msk [tilespmem:v54+s5+$0x0], $0xffff  }
0x23f: {  	v59 =	vadd.s32 $0x200, v46;
	v53 =	vld.idx.msk [tilespmem:v61+s25+$0x0], $0xffff  }
0x240: {  	v54 =	vadd.s32 $0x200, v43;
	v50 =	vld.idx.msk [tilespmem:v50+s28+$0x0], $0xffff;
	[tilespmem:s3+$0x8380] =	vst v60  }
0x241: {  	v61 =	vadd.s32 $0x200, v47;
	[tilespmem:s24+$0x6100] =	vst v62;
	v60 =	vld.idx.msk [tilespmem:v63+s14+$0x0], $0xffff  }
0x242: {  	v51 =	vadd.s32 $0x280, v44;
	[tilespmem:s1+$0x3280] =	vst v52;
	v62 =	vld.idx.msk [tilespmem:v31+s29+$0x0], $0xffff  }
0x243: {  	v63 =	vadd.s32 $0x180, v40;
	v31 =	vld [tilespmem:s10+$0x1080];
	[tilespmem:s23+$0x7280] =	vst v45  }
0x244: {  	v48 =	vld.idx.msk [tilespmem:v59+s26+$0x0], $0xffff;
	[tilespmem:s7+$0x2000] =	vst v53  }
0x245: {  	[tilespmem:s0+$0x5000] =	vst v50;
	v50 =	vld.idx.msk [tilespmem:v54+s5+$0x0], $0xffff  }
0x246: {  	v59 =	vadd.s32 $0x280, v46;
	v53 =	vld.idx.msk [tilespmem:v61+s25+$0x0], $0xffff  }
0x247: {  	s12 =	simm.s32 $0x60;
	v43 =	vadd.s32 $0x280, v43;
	s7 =	simm.s32 $0x300;
	v51 =	vld.idx.msk [tilespmem:v51+s28+$0x0], $0xffff;
	[tilespmem:s3+$0x9000] =	vst v60  }
0x248: {  	s16 =	sand.u32 $0x70, s12;
	s15 =	sand.u32 $0xC00, s7;
	v60 =	vadd.s32 $0x300, v44;
	[tilespmem:s24+$0x6180] =	vst v62;
	v52 =	vld.idx.msk [tilespmem:v63+s14+$0x0], $0xffff  }
0x249: {  	v61 =	vadd.s32 $0x280, v47;
	s31 =	sor.u32 s16, s15;
	v62 =	vld.idx.msk [tilespmem:v42+s30+$0x0], $0xffff  }
0x24a: {  	[tilespmem:s1+$0x3300] =	vst v48;
	v63 =	vadd.s32 $0x200, v40;
	v48 =	vld [tilespmem:s31+$0x80]  }
0x24b: {  	v57 =	vadd.s32 $0x80, v42;
	v45 =	vld.idx.msk [tilespmem:v59+s26+$0x0], $0xffff;
	[tilespmem:s23+$0x7300] =	vst v50  }
0x24c: {  	[tilespmem:s0+$0x5080] =	vst v51;
	v43 =	vld.idx.msk [tilespmem:v43+s5+$0x0], $0xffff  }
0x24d: {  	v59 =	vadd.s32 $0x300, v46;
	[tilespmem:s10+$0x2200] =	vst v53;
	v49 =	vld.idx.msk [tilespmem:v60+s28+$0x0], $0xffff  }
0x24e: {  	v60 =	vld.idx.msk [tilespmem:v61+s25+$0x0], $0xffff;
	[tilespmem:s3+$0x9080] =	vst v52  }
0x24f: {  	v44 =	vadd.s32 $0x380, v44;
	[tilespmem:s24+$0x6200] =	vst v62;
	v52 =	vld.idx.msk [tilespmem:v63+s14+$0x0], $0xffff  }
0x250: {  	v61 =	vadd.s32 $0x300, v47;
	v62 =	vld.idx.msk [tilespmem:v57+s30+$0x0], $0xffff  }
0x251: {  	v40 =	vadd.s32 $0x280, v40;
	[tilespmem:s1+$0x3380] =	vst v45;
	v45 =	vld [tilespmem:s31+$0x100]  }
0x252: {  	v63 =	vadd.s32 $0x100, v42;
	v50 =	vld.idx.msk [tilespmem:v59+s26+$0x0], $0xffff;
	[tilespmem:s23+$0x7380] =	vst v43  }
0x253: {  	[tilespmem:s0+$0x5100] =	vst v49;
	v58 =	vld.idx.msk [tilespmem:v12+s6+$0x0], $0xffff  }
0x254: {  	v57 =	vadd.s32 $0x380, v46;
	[tilespmem:s10+$0x2280] =	vst v60;
	v44 =	vld.idx.msk [tilespmem:v44+s28+$0x0], $0xffff  }
0x255: {  	v59 =	vadd.s32 $0x80, v12;
	v51 =	vld.idx.msk [tilespmem:v61+s25+$0x0], $0xffff;
	[tilespmem:s3+$0x9100] =	vst v52  }
0x256: {  	[tilespmem:s24+$0x6280] =	vst v62;
	v52 =	vld.idx.msk [tilespmem:v40+s14+$0x0], $0xffff  }
0x257: {  	v60 =	vadd.s32 $0x380, v47;
	v61 =	vld.idx.msk [tilespmem:v63+s30+$0x0], $0xffff  }
0x258: {  	[tilespmem:s1+$0x4000] =	vst v50;
	v40 =	vld [tilespmem:s31+$0x200]  }
0x259: {  	v62 =	vadd.s32 $0x180, v42;
	v43 =	vld.idx.msk [tilespmem:v57+s26+$0x0], $0xffff;
	[tilespmem:s23+$0x8000] =	vst v58  }
0x25a: {  	[tilespmem:s0+$0x5180] =	vst v44;
	v44 =	vld.idx.msk [tilespmem:v59+s6+$0x0], $0xffff  }
0x25b: {  	v63 =	vadd.s32 $0x400, v46;
	[tilespmem:s10+$0x2300] =	vst v51;
	v51 =	vld.idx.msk [tilespmem:v29+s29+$0x0], $0xffff  }
0x25c: {  	v54 =	vadd.s32 $0x100, v12;
	v53 =	vld.idx.msk [tilespmem:v60+s25+$0x0], $0xffff;
	[tilespmem:s3+$0x9180] =	vst v52  }
0x25d: {  	v60 =	vadd.s32 $0x80, v29;
	[tilespmem:s24+$0x6300] =	vst v61;
	v50 =	vld.idx.msk [tilespmem:v39+s8+$0x0], $0xffff  }
0x25e: {  	[tilespmem:s1+$0x4080] =	vst v43;
	v43 =	vld.idx.msk [tilespmem:v62+s30+$0x0], $0xffff  }
0x25f: {  	v61 =	vadd.s32 $0x400, v47;
	v62 =	vadd.s32 $0x80, v39;
	v39 =	vld [tilespmem:s31+$0x280]  }
0x260: {  	v49 =	vld.idx.msk [tilespmem:v63+s26+$0x0], $0xffff;
	[tilespmem:s23+$0x8080] =	vst v44  }
0x261: {  	v59 =	vadd.s32 $0x480, v46;
	v63 =	vadd.s32 $0x200, v42;
	[tilespmem:s0+$0x5200] =	vst v51;
	v46 =	vld.idx.msk [tilespmem:v54+s6+$0x0], $0xffff  }
0x262: {  	[tilespmem:s13+$0x2000] =	vst v53;
	v52 =	vld.idx.msk [tilespmem:v60+s29+$0x0], $0xffff  }
0x263: {  	v51 =	vld [tilespmem:s31+$0x0];
	v60 =	vadd.s32 $0x180, v12;
	[tilespmem:s3+$0x9200] =	vst v50  }
0x264: {  	v53 =	vld.idx.msk [tilespmem:v61+s25+$0x0], $0xffff;
	v61 =	vadd.s32 $0x100, v29;
	[tilespmem:s24+$0x6380] =	vst v43  }
0x265: {  	v47 =	vadd.s32 $0x480, v47;
	v62 =	vld.idx.msk [tilespmem:v62+s8+$0x0], $0xffff;
	[tilespmem:s1+$0x4100] =	vst v49  }
0x266: {  	v63 =	vld.idx.msk [tilespmem:v63+s30+$0x0], $0xffff;
	[tilespmem:s23+$0x8100] =	vst v46  }
0x267: {  	v56 =	vld.idx.msk [tilespmem:v59+s26+$0x0], $0xffff;
	[tilespmem:s0+$0x5280] =	vst v52;
	v52 =	vadd.s32 $0x280, v42  }
0x268: {  	v46 =	vld.idx.msk [tilespmem:v60+s6+$0x0], $0xffff  }
0x269: {  	[tilespmem:s10+$0x3000] =	vst v53;
	v53 =	vld.idx.msk [tilespmem:v61+s29+$0x0], $0xffff  }
0x26a: {  	v57 =	vld.idx.msk [tilespmem:v47+s25+$0x0], $0xffff;
	v47 =	vadd.s32 $0x200, v12;
	[tilespmem:s3+$0x9280] =	vst v62  }
0x26b: {  	v55 =	vadd.s32 $0x180, v29;
	s13 =	simm.s32 $0x70;
	[tilespmem:s24+$0x7000] =	vst v63;
	v50 =	vld.idx.msk [tilespmem:v13+s9+$0x0], $0xffff  }
.LBB3_2:
0x26c: {  	p0 =	sne.s32 s13, $0x1F0;
	s16 =	sor.u32 s7, s12;
	[tilespmem:s1+$0x4180] =	vst v56;
	v43 =	vld.idx.msk [tilespmem:v52+s30+$0x0], $0xffff  }
0x26d: {  	v49 =	vadd.s32 $0x80, v13;
	v13 =	vmovc v6;
	v6 =	vmovc v9;
	v9 =	vmov v14;
	v14 =	vmov v21;
	s16 =	sor.u32 $0x380, s16;
	v44 =	vld.idx.msk [tilespmem:v36+s28+$0x0], $0xffff  }
0x26e: {  	v21 =	vmov v31;
	v42 =	vld [tilespmem:s16+$0x0];
	[tilespmem:s23+$0x8180] =	vst v46  }
0x26f: {  	v31 =	vadd.s32 $0x80, v36;
	[tilespmem:s0+$0x5300] =	vst v53;
	v46 =	vld.idx.msk [tilespmem:v47+s6+$0x0], $0xffff  }
0x270: {  	[tilespmem:s10+$0x3080] =	vst v57;
	v47 =	vld.idx.msk [tilespmem:v55+s29+$0x0], $0xffff  }
0x271: {  	v53 =	vadd.s32 $0x280, v12;
	v12 =	vmovc v17;
	v17 =	vmovc v19;
	v19 =	vmov v25;
	v25 =	vmov v34;
	v52 =	vld.idx.msk [tilespmem:v41+s26+$0x0], $0xffff;
	[tilespmem:s3+$0x9300] =	vst v50  }
0x272: {  	v34 =	vadd.s32 $0x200, v29;
	[tilespmem:s24+$0x7080] =	vst v43;
	v43 =	vld.idx.msk [tilespmem:v49+s9+$0x0], $0xffff  }
0x273: {  	v49 =	vadd.s32 $0x80, v41;
	[tilespmem:s1+$0x4200] =	vst v44;
	v44 =	vld.idx.msk [tilespmem:v18+s5+$0x0], $0xffff  }
0x274: {  	v31 =	vld.idx.msk [tilespmem:v31+s28+$0x0], $0xffff  }
0x275: {  	v54 =	vadd.s32 $0x80, v18;
	v50 =	vld.idx.msk [tilespmem:v51+s25+$0x0], $0xffff;
	[tilespmem:s23+$0x8200] =	vst v46  }
0x276: {  	v46 =	vadd.s32 $0x100, v36;
	[tilespmem:s0+$0x5380] =	vst v47;
	v47 =	vld.idx.msk [tilespmem:v53+s6+$0x0], $0xffff  }
0x277: {  	s15 =	sor.u32 s15, s12;
	s12 =	smov.u32 s13;
	v53 =	vadd.s32 $0x80, v51;
	[tilespmem:s10+$0x3100] =	vst v52;
	v34 =	vld.idx.msk [tilespmem:v34+s29+$0x0], $0xffff  }
0x278: {  	s15 =	sor.u32 $0x180, s15;
	v49 =	vld.idx.msk [tilespmem:v49+s26+$0x0], $0xffff;
	[tilespmem:s3+$0x9380] =	vst v43;
	s3 =	smov.u32 s23;
	s23 =	smov.u32 s24  }
0x279: {  	v43 =	vadd.s32 $0x280, v29;
	s24 =	smov.u32 s0;
	s0 =	smov.u32 s1;
	s1 =	smov.u32 s10;
	v52 =	vld [tilespmem:s15+$0x0];
	[tilespmem:s23+$0x7100] =	vst v44  }
0x27a: {  	s10 =	smov.u32 s31;
	v44 =	vadd.s32 $0x100, v41;
	[tilespmem:s0+$0x4280] =	vst v31;
	v31 =	vld.idx.msk [tilespmem:v54+s5+$0x0], $0xffff  }
0x27b: {  	[tilespmem:s10+$0x2000] =	vst v50;
	v46 =	vld.idx.msk [tilespmem:v46+s28+$0x0], $0xffff  }
0x27c: {  	v50 =	vld.idx.msk [tilespmem:v53+s25+$0x0], $0xffff;
	v53 =	vadd.s32 $0x100, v18;
	[tilespmem:s3+$0x8280] =	vst v47  }
0x27d: {  	v47 =	vadd.s32 $0x180, v36;
	[tilespmem:s24+$0x6000] =	vst v34;
	v54 =	vld.idx.msk [tilespmem:v8+s14+$0x0], $0xffff  }
0x27e: {  	v55 =	vadd.s32 $0x100, v51;
	[tilespmem:s1+$0x3180] =	vst v49;
	v43 =	vld.idx.msk [tilespmem:v43+s29+$0x0], $0xffff  }
0x27f: {  	v49 =	vadd.s32 $0x80, v8;
	v44 =	vld.idx.msk [tilespmem:v44+s26+$0x0], $0xffff  }
0x280: {  	v56 =	vadd.s32 $0x300, v29;
	v34 =	vld [tilespmem:s10+$0x300];
	[tilespmem:s23+$0x7180] =	vst v31  }
0x281: {  	v31 =	vadd.s32 $0x180, v41;
	[tilespmem:s0+$0x4300] =	vst v46;
	v46 =	vld.idx.msk [tilespmem:v53+s5+$0x0], $0xffff  }
0x282: {  	[tilespmem:s10+$0x2080] =	vst v50;
	v47 =	vld.idx.msk [tilespmem:v47+s28+$0x0], $0xffff  }
0x283: {  	v53 =	vadd.s32 $0x180, v18;
	v50 =	vld.idx.msk [tilespmem:v55+s25+$0x0], $0xffff;
	[tilespmem:s3+$0x8300] =	vst v54  }
0x284: {  	v54 =	vadd.s32 $0x200, v36;
	[tilespmem:s24+$0x6080] =	vst v43;
	v49 =	vld.idx.msk [tilespmem:v49+s14+$0x0], $0xffff  }
0x285: {  	v55 =	vadd.s32 $0x180, v51;
	[tilespmem:s1+$0x3200] =	vst v44;
	v44 =	vld.idx.msk [tilespmem:v56+s29+$0x0], $0xffff  }
0x286: {  	v56 =	vadd.s32 $0x100, v8;
	v31 =	vld.idx.msk [tilespmem:v31+s26+$0x0], $0xffff  }
0x287: {  	v57 =	vadd.s32 $0x380, v29;
	v29 =	vmovc v33;
	v33 =	vmov v38;
	v38 =	vmov v52;
	v43 =	vld [tilespmem:s10+$0x1000];
	[tilespmem:s23+$0x7200] =	vst v46  }
0x288: {  	v46 =	vadd.s32 $0x200, v41;
	[tilespmem:s0+$0x4380] =	vst v47;
	v47 =	vld.idx.msk [tilespmem:v53+s5+$0x0], $0xffff  }
0x289: {  	[tilespmem:s10+$0x2100] =	vst v50;
	v50 =	vld.idx.msk [tilespmem:v54+s28+$0x0], $0xffff  }
0x28a: {  	v53 =	vadd.s32 $0x200, v18;
	v52 =	vld.idx.msk [tilespmem:v55+s25+$0x0], $0xffff;
	[tilespmem:s3+$0x8380] =	vst v49  }
0x28b: {  	v49 =	vadd.s32 $0x280, v36;
	[tilespmem:s24+$0x6100] =	vst v44;
	v44 =	vld.idx.msk [tilespmem:v56+s14+$0x0], $0xffff  }
0x28c: {  	v54 =	vadd.s32 $0x200, v51;
	[tilespmem:s1+$0x3280] =	vst v31;
	v55 =	vld.idx.msk [tilespmem:v57+s29+$0x0], $0xffff  }
0x28d: {  	v56 =	vadd.s32 $0x180, v8;
	v46 =	vld.idx.msk [tilespmem:v46+s26+$0x0], $0xffff  }
0x28e: {  	v31 =	vld [tilespmem:s10+$0x1080];
	[tilespmem:s23+$0x7280] =	vst v47  }
0x28f: {  	v47 =	vadd.s32 $0x280, v41;
	[tilespmem:s0+$0x5000] =	vst v50;
	v50 =	vld.idx.msk [tilespmem:v53+s5+$0x0], $0xffff  }
0x290: {  	[tilespmem:s15+$0x2000] =	vst v52;
	v49 =	vld.idx.msk [tilespmem:v49+s28+$0x0], $0xffff  }
0x291: {  	v53 =	vadd.s32 $0x280, v18;
	v18 =	vmovc v23;
	v23 =	vmovc v27;
	v27 =	vmov v32;
	v32 =	vmov v39;
	v52 =	vld.idx.msk [tilespmem:v54+s25+$0x0], $0xffff;
	[tilespmem:s3+$0x9000] =	vst v44  }
0x292: {  	s7 =	sadd.s32 $0x80, s7;
	v39 =	vadd.s32 $0x300, v36;
	[tilespmem:s24+$0x6180] =	vst v55;
	v44 =	vld.idx.msk [tilespmem:v56+s14+$0x0], $0xffff  }
0x293: {  	s31 =	sand.u32 $0x70, s13;
	s15 =	sand.u32 $0xC00, s7;
	v54 =	vadd.s32 $0x280, v51;
	[tilespmem:s1+$0x3300] =	vst v46;
	v46 =	vld.idx.msk [tilespmem:v24+s30+$0x0], $0xffff  }
0x294: {  	s31 =	sor.u32 s31, s15;
	v55 =	vadd.s32 $0x200, v8;
	v47 =	vld.idx.msk [tilespmem:v47+s26+$0x0], $0xffff  }
0x295: {  	v57 =	vadd.s32 $0x80, v24;
	v56 =	vld [tilespmem:s31+$0x80];
	[tilespmem:s23+$0x7300] =	vst v50  }
0x296: {  	v50 =	vadd.s32 $0x300, v41;
	[tilespmem:s0+$0x5080] =	vst v49;
	v49 =	vld.idx.msk [tilespmem:v53+s5+$0x0], $0xffff  }
0x297: {  	[tilespmem:s10+$0x2200] =	vst v52;
	v39 =	vld.idx.msk [tilespmem:v39+s28+$0x0], $0xffff  }
0x298: {  	v52 =	vld.idx.msk [tilespmem:v54+s25+$0x0], $0xffff;
	[tilespmem:s3+$0x9080] =	vst v44  }
0x299: {  	v44 =	vadd.s32 $0x380, v36;
	v36 =	vmov v37;
	v37 =	vmov v45;
	[tilespmem:s24+$0x6200] =	vst v46;
	v46 =	vld.idx.msk [tilespmem:v55+s14+$0x0], $0xffff  }
0x29a: {  	v53 =	vadd.s32 $0x300, v51;
	[tilespmem:s1+$0x3380] =	vst v47;
	v47 =	vld.idx.msk [tilespmem:v57+s30+$0x0], $0xffff  }
0x29b: {  	v54 =	vadd.s32 $0x280, v8;
	v8 =	vmovc v11;
	v11 =	vmovc v15;
	v15 =	vmov v20;
	v20 =	vmov v26;
	v50 =	vld.idx.msk [tilespmem:v50+s26+$0x0], $0xffff  }
0x29c: {  	v26 =	vmov v42;
	v55 =	vadd.s32 $0x100, v24;
	v45 =	vld [tilespmem:s31+$0x100];
	[tilespmem:s23+$0x7380] =	vst v49  }
0x29d: {  	v42 =	vadd.s32 $0x380, v41;
	[tilespmem:s0+$0x5100] =	vst v39;
	v39 =	vld.idx.msk [tilespmem:v12+s6+$0x0], $0xffff  }
0x29e: {  	[tilespmem:s10+$0x2280] =	vst v52;
	v44 =	vld.idx.msk [tilespmem:v44+s28+$0x0], $0xffff  }
0x29f: {  	v52 =	vadd.s32 $0x80, v12;
	v49 =	vld.idx.msk [tilespmem:v53+s25+$0x0], $0xffff;
	[tilespmem:s3+$0x9100] =	vst v46  }
0x2a0: {  	[tilespmem:s24+$0x6280] =	vst v47;
	v46 =	vld.idx.msk [tilespmem:v54+s14+$0x0], $0xffff  }
0x2a1: {  	v47 =	vadd.s32 $0x380, v51;
	[tilespmem:s1+$0x4000] =	vst v50;
	v50 =	vld.idx.msk [tilespmem:v55+s30+$0x0], $0xffff  }
0x2a2: {  	v42 =	vld.idx.msk [tilespmem:v42+s26+$0x0], $0xffff  }
0x2a3: {  	v54 =	vadd.s32 $0x180, v24;
	v53 =	vld [tilespmem:s31+$0x200];
	[tilespmem:s23+$0x8000] =	vst v39  }
0x2a4: {  	v39 =	vadd.s32 $0x400, v41;
	[tilespmem:s0+$0x5180] =	vst v44;
	v44 =	vld.idx.msk [tilespmem:v52+s6+$0x0], $0xffff  }
0x2a5: {  	[tilespmem:s10+$0x2300] =	vst v49;
	v49 =	vld.idx.msk [tilespmem:v29+s29+$0x0], $0xffff  }
0x2a6: {  	v52 =	vadd.s32 $0x100, v12;
	v47 =	vld.idx.msk [tilespmem:v47+s25+$0x0], $0xffff;
	[tilespmem:s3+$0x9180] =	vst v46  }
0x2a7: {  	v46 =	vadd.s32 $0x80, v29;
	[tilespmem:s24+$0x6300] =	vst v50;
	v50 =	vld.idx.msk [tilespmem:v7+s8+$0x0], $0xffff  }
0x2a8: {  	v55 =	vadd.s32 $0x400, v51;
	[tilespmem:s1+$0x4080] =	vst v42;
	v42 =	vld.idx.msk [tilespmem:v54+s30+$0x0], $0xffff  }
0x2a9: {  	v57 =	vadd.s32 $0x80, v7;
	v7 =	vmovc v10;
	v10 =	vmovc v16;
	v16 =	vmov v22;
	v22 =	vmov v28;
	v54 =	vld.idx.msk [tilespmem:v39+s26+$0x0], $0xffff  }
0x2aa: {  	v58 =	vadd.s32 $0x200, v24;
	v28 =	vmov v43;
	v39 =	vld [tilespmem:s31+$0x280];
	[tilespmem:s23+$0x8080] =	vst v44  }
0x2ab: {  	v43 =	vadd.s32 $0x480, v41;
	v41 =	vmov v48;
	v48 =	vmov v56;
	[tilespmem:s0+$0x5200] =	vst v49;
	v44 =	vld.idx.msk [tilespmem:v52+s6+$0x0], $0xffff  }
0x2ac: {  	[tilespmem:s16+$0x2000] =	vst v47;
	v46 =	vld.idx.msk [tilespmem:v46+s29+$0x0], $0xffff  }
0x2ad: {  	v49 =	vadd.s32 $0x180, v12;
	v47 =	vld.idx.msk [tilespmem:v55+s25+$0x0], $0xffff;
	[tilespmem:s3+$0x9200] =	vst v50  }
0x2ae: {  	v50 =	vadd.s32 $0x100, v29;
	[tilespmem:s24+$0x6380] =	vst v42;
	v42 =	vld.idx.msk [tilespmem:v57+s8+$0x0], $0xffff  }
0x2af: {  	v55 =	vadd.s32 $0x480, v51;
	[tilespmem:s1+$0x4100] =	vst v54;
	v54 =	vld.idx.msk [tilespmem:v58+s30+$0x0], $0xffff  }
0x2b0: {  	v56 =	vld.idx.msk [tilespmem:v43+s26+$0x0], $0xffff  }
.Ltmp0:
0x2b1: {  	v52 =	vadd.s32 $0x280, v24;
	v24 =	vmovc v30;
	v30 =	vmovc v35;
	v35 =	vmov v40;
	v40 =	vmov v53;
	v51 =	vld [tilespmem:s31+$0x0];
	[tilespmem:s23+$0x8100] =	vst v44;
	(pc) =	sbr.rel @p0 .LBB3_2-.Ltmp0, $4  }
0x2b2: {  	[tilespmem:s0+$0x5280] =	vst v46;
	v46 =	vld.idx.msk [tilespmem:v49+s6+$0x0], $0xffff  }
0x2b3: {  	[tilespmem:s10+$0x3000] =	vst v47;
	v53 =	vld.idx.msk [tilespmem:v50+s29+$0x0], $0xffff  }
0x2b4: {  	v47 =	vadd.s32 $0x200, v12;
	v57 =	vld.idx.msk [tilespmem:v55+s25+$0x0], $0xffff;
	[tilespmem:s3+$0x9280] =	vst v42  }
0x2b5: {  	s13 =	sadd.s32 $0x10, s13;
	v55 =	vadd.s32 $0x180, v29;
	[tilespmem:s24+$0x7000] =	vst v54;
	v50 =	vld.idx.msk [tilespmem:v13+s9+$0x0], $0xffff  }
0x2b6: {  	_ =	sdelay $0x3  }
0x2b7: {  	v42 =	vld.idx.msk [tilespmem:v51+s25+$0x0], $0xffff  }
0x2b8: {  	v43 =	vadd.s32 $0x80, v51  }
0x2b9: {  	s7 =	sor.u32 s7, s12  }
0x2ba: {  	s16 =	sor.u32 s15, s12;
	s7 =	sor.u32 $0x380, s7  }
0x2bb: {  	s12 =	sor.u32 $0x180, s16;
	v44 =	vld [tilespmem:s7+$0x0]  }
0x2bc: {  	v54 =	vld [tilespmem:s12+$0x0];
	[tilespmem:s31+$0x2000] =	vst v42  }
0x2bd: {  	v42 =	vld.idx.msk [tilespmem:v43+s25+$0x0], $0xffff  }
0x2be: {  	v61 =	vadd.s32 $0x100, v51;
	_ =	sdelay $0x3  }
0x2bf: {  	[tilespmem:s31+$0x2080] =	vst v42  }
0x2c0: {  	v42 =	vld.idx.msk [tilespmem:v61+s25+$0x0], $0xffff  }
0x2c1: {  	v58 =	vadd.s32 $0x180, v51;
	_ =	sdelay $0x3  }
0x2c2: {  	[tilespmem:s31+$0x2100] =	vst v42  }
0x2c3: {  	v58 =	vld.idx.msk [tilespmem:v58+s25+$0x0], $0xffff  }
0x2c4: {  	v59 =	vadd.s32 $0x200, v51;
	_ =	sdelay $0x1  }
0x2c5: {  	v49 =	vld [tilespmem:s31+$0x300]  }
0x2c6: {  	v43 =	vld [tilespmem:s31+$0x1000]  }
0x2c7: {  	v42 =	vld [tilespmem:s31+$0x1080];
	[tilespmem:s12+$0x2000] =	vst v58  }
0x2c8: {  	v58 =	vld.idx.msk [tilespmem:v59+s25+$0x0], $0xffff  }
0x2c9: {  	v62 =	vadd.s32 $0x280, v51;
	_ =	sdelay $0x3  }
0x2ca: {  	[tilespmem:s31+$0x2200] =	vst v58  }
0x2cb: {  	v58 =	vld.idx.msk [tilespmem:v62+s25+$0x0], $0xffff  }
0x2cc: {  	v63 =	vadd.s32 $0x300, v51;
	_ =	sdelay $0x3  }
0x2cd: {  	[tilespmem:s31+$0x2280] =	vst v58  }
0x2ce: {  	v58 =	vld.idx.msk [tilespmem:v63+s25+$0x0], $0xffff  }
0x2cf: {  	v60 =	vadd.s32 $0x380, v51;
	_ =	sdelay $0x3  }
0x2d0: {  	[tilespmem:s31+$0x2300] =	vst v58  }
0x2d1: {  	v58 =	vld.idx.msk [tilespmem:v60+s25+$0x0], $0xffff  }
0x2d2: {  	v61 =	vadd.s32 $0x400, v51;
	_ =	sdelay $0x3  }
0x2d3: {  	[tilespmem:s7+$0x2000] =	vst v58  }
0x2d4: {  	v58 =	vld.idx.msk [tilespmem:v61+s25+$0x0], $0xffff  }
0x2d5: {  	v62 =	vadd.s32 $0x480, v51;
	_ =	sdelay $0x3  }
0x2d6: {  	[tilespmem:s31+$0x3000] =	vst v58  }
0x2d7: {  	v51 =	vld.idx.msk [tilespmem:v62+s25+$0x0], $0xffff;
	_ =	sdelay $0x3  }
0x2d8: {  	[tilespmem:s10+$0x3080] =	vst v57  }
0x2d9: {  	v57 =	vld.idx.msk [tilespmem:v41+s26+$0x0], $0xffff;
	[tilespmem:s31+$0x3080] =	vst v51  }
0x2da: {  	v63 =	vadd.s32 $0x80, v41;
	v58 =	vld.idx.msk [tilespmem:v48+s26+$0x0], $0xffff  }
0x2db: {  	v60 =	vadd.s32 $0x80, v48;
	_ =	sdelay $0x2  }
0x2dc: {  	[tilespmem:s10+$0x3100] =	vst v57  }
0x2dd: {  	v51 =	vld.idx.msk [tilespmem:v63+s26+$0x0], $0xffff;
	[tilespmem:s31+$0x3100] =	vst v58  }
0x2de: {  	v61 =	vadd.s32 $0x100, v41;
	v58 =	vld.idx.msk [tilespmem:v60+s26+$0x0], $0xffff  }
0x2df: {  	v62 =	vadd.s32 $0x100, v48;
	_ =	sdelay $0x2  }
0x2e0: {  	[tilespmem:s10+$0x3180] =	vst v51  }
0x2e1: {  	v51 =	vld.idx.msk [tilespmem:v61+s26+$0x0], $0xffff;
	[tilespmem:s31+$0x3180] =	vst v58  }
0x2e2: {  	v63 =	vadd.s32 $0x180, v41;
	v58 =	vld.idx.msk [tilespmem:v62+s26+$0x0], $0xffff  }
0x2e3: {  	v60 =	vadd.s32 $0x180, v48;
	_ =	sdelay $0x2  }
0x2e4: {  	[tilespmem:s10+$0x3200] =	vst v51  }
0x2e5: {  	v51 =	vld.idx.msk [tilespmem:v63+s26+$0x0], $0xffff;
	[tilespmem:s31+$0x3200] =	vst v58  }
0x2e6: {  	v61 =	vadd.s32 $0x200, v41;
	v58 =	vld.idx.msk [tilespmem:v60+s26+$0x0], $0xffff  }
0x2e7: {  	v62 =	vadd.s32 $0x200, v48;
	_ =	sdelay $0x2  }
0x2e8: {  	[tilespmem:s10+$0x3280] =	vst v51  }
0x2e9: {  	v51 =	vld.idx.msk [tilespmem:v61+s26+$0x0], $0xffff;
	[tilespmem:s31+$0x3280] =	vst v58  }
0x2ea: {  	v63 =	vadd.s32 $0x280, v41;
	v58 =	vld.idx.msk [tilespmem:v62+s26+$0x0], $0xffff  }
0x2eb: {  	v60 =	vadd.s32 $0x280, v48;
	_ =	sdelay $0x2  }
0x2ec: {  	[tilespmem:s10+$0x3300] =	vst v51  }
0x2ed: {  	v51 =	vld.idx.msk [tilespmem:v63+s26+$0x0], $0xffff;
	[tilespmem:s31+$0x3300] =	vst v58  }
0x2ee: {  	v61 =	vadd.s32 $0x300, v41;
	v58 =	vld.idx.msk [tilespmem:v60+s26+$0x0], $0xffff  }
0x2ef: {  	v62 =	vadd.s32 $0x300, v48;
	_ =	sdelay $0x2  }
0x2f0: {  	[tilespmem:s10+$0x3380] =	vst v51  }
0x2f1: {  	v51 =	vld.idx.msk [tilespmem:v61+s26+$0x0], $0xffff;
	[tilespmem:s31+$0x3380] =	vst v58  }
0x2f2: {  	v63 =	vadd.s32 $0x380, v41;
	v58 =	vld.idx.msk [tilespmem:v62+s26+$0x0], $0xffff  }
0x2f3: {  	v60 =	vadd.s32 $0x380, v48;
	_ =	sdelay $0x2  }
0x2f4: {  	[tilespmem:s10+$0x4000] =	vst v51  }
0x2f5: {  	v51 =	vld.idx.msk [tilespmem:v63+s26+$0x0], $0xffff;
	[tilespmem:s31+$0x4000] =	vst v58  }
0x2f6: {  	v61 =	vadd.s32 $0x400, v41;
	v58 =	vld.idx.msk [tilespmem:v60+s26+$0x0], $0xffff  }
0x2f7: {  	v62 =	vadd.s32 $0x400, v48;
	_ =	sdelay $0x2  }
0x2f8: {  	[tilespmem:s10+$0x4080] =	vst v51  }
0x2f9: {  	v51 =	vld.idx.msk [tilespmem:v61+s26+$0x0], $0xffff;
	[tilespmem:s31+$0x4080] =	vst v58  }
0x2fa: {  	v63 =	vadd.s32 $0x480, v41;
	v60 =	vld.idx.msk [tilespmem:v62+s26+$0x0], $0xffff  }
0x2fb: {  	v61 =	vadd.s32 $0x480, v48;
	_ =	sdelay $0x2  }
0x2fc: {  	[tilespmem:s10+$0x4100] =	vst v51  }
0x2fd: {  	v41 =	vld.idx.msk [tilespmem:v63+s26+$0x0], $0xffff;
	[tilespmem:s31+$0x4100] =	vst v60  }
0x2fe: {  	v48 =	vld.idx.msk [tilespmem:v61+s26+$0x0], $0xffff;
	_ =	sdelay $0x2  }
0x2ff: {  	[tilespmem:s1+$0x4180] =	vst v56  }
0x300: {  	v51 =	vld.idx.msk [tilespmem:v36+s28+$0x0], $0xffff;
	[tilespmem:s10+$0x4180] =	vst v41  }
0x301: {  	v62 =	vadd.s32 $0x80, v36;
	v63 =	vld.idx.msk [tilespmem:v37+s28+$0x0], $0xffff;
	[tilespmem:s31+$0x4180] =	vst v48  }
0x302: {  	v60 =	vadd.s32 $0x80, v37;
	v57 =	vld.idx.msk [tilespmem:v45+s28+$0x0], $0xffff  }
0x303: {  	v61 =	vadd.s32 $0x80, v45;
	_ =	sdelay $0x1  }
0x304: {  	[tilespmem:s1+$0x4200] =	vst v51  }
0x305: {  	v41 =	vld.idx.msk [tilespmem:v62+s28+$0x0], $0xffff;
	[tilespmem:s10+$0x4200] =	vst v63  }
0x306: {  	v62 =	vadd.s32 $0x100, v36;
	v48 =	vld.idx.msk [tilespmem:v60+s28+$0x0], $0xffff;
	[tilespmem:s31+$0x4200] =	vst v57  }
0x307: {  	v63 =	vadd.s32 $0x100, v37;
	v57 =	vld.idx.msk [tilespmem:v61+s28+$0x0], $0xffff  }
0x308: {  	v60 =	vadd.s32 $0x100, v45;
	_ =	sdelay $0x1  }
0x309: {  	[tilespmem:s1+$0x4280] =	vst v41  }
0x30a: {  	v41 =	vld.idx.msk [tilespmem:v62+s28+$0x0], $0xffff;
	[tilespmem:s10+$0x4280] =	vst v48  }
0x30b: {  	v62 =	vld.idx.msk [tilespmem:v63+s28+$0x0], $0xffff;
	v61 =	vadd.s32 $0x180, v36;
	[tilespmem:s31+$0x4280] =	vst v57  }
0x30c: {  	v63 =	vadd.s32 $0x180, v37;
	v57 =	vld.idx.msk [tilespmem:v60+s28+$0x0], $0xffff  }
0x30d: {  	v60 =	vadd.s32 $0x180, v45;
	_ =	sdelay $0x1  }
0x30e: {  	[tilespmem:s1+$0x4300] =	vst v41  }
0x30f: {  	[tilespmem:s10+$0x4300] =	vst v62;
	v41 =	vld.idx.msk [tilespmem:v61+s28+$0x0], $0xffff  }
0x310: {  	v61 =	vadd.s32 $0x200, v36;
	v51 =	vld.idx.msk [tilespmem:v63+s28+$0x0], $0xffff;
	[tilespmem:s31+$0x4300] =	vst v57  }
0x311: {  	v62 =	vadd.s32 $0x200, v37;
	v57 =	vld.idx.msk [tilespmem:v60+s28+$0x0], $0xffff  }
0x312: {  	v63 =	vadd.s32 $0x200, v45;
	_ =	sdelay $0x1  }
0x313: {  	[tilespmem:s1+$0x4380] =	vst v41  }
0x314: {  	[tilespmem:s10+$0x4380] =	vst v51;
	v41 =	vld.idx.msk [tilespmem:v61+s28+$0x0], $0xffff  }
0x315: {  	v51 =	vld.idx.msk [tilespmem:v62+s28+$0x0], $0xffff;
	v60 =	vadd.s32 $0x280, v36;
	[tilespmem:s31+$0x4380] =	vst v57  }
0x316: {  	v61 =	vadd.s32 $0x280, v37;
	v57 =	vld.idx.msk [tilespmem:v63+s28+$0x0], $0xffff  }
0x317: {  	v62 =	vadd.s32 $0x280, v45;
	_ =	sdelay $0x1  }
0x318: {  	[tilespmem:s1+$0x5000] =	vst v41  }
0x319: {  	[tilespmem:s10+$0x5000] =	vst v51;
	v41 =	vld.idx.msk [tilespmem:v60+s28+$0x0], $0xffff  }
0x31a: {  	v51 =	vld.idx.msk [tilespmem:v61+s28+$0x0], $0xffff;
	v63 =	vadd.s32 $0x300, v36;
	[tilespmem:s31+$0x5000] =	vst v57  }
0x31b: {  	v60 =	vadd.s32 $0x300, v37;
	v57 =	vld.idx.msk [tilespmem:v62+s28+$0x0], $0xffff  }
0x31c: {  	v61 =	vadd.s32 $0x300, v45;
	_ =	sdelay $0x1  }
0x31d: {  	[tilespmem:s1+$0x5080] =	vst v41  }
0x31e: {  	[tilespmem:s10+$0x5080] =	vst v51;
	v41 =	vld.idx.msk [tilespmem:v63+s28+$0x0], $0xffff  }
0x31f: {  	v63 =	vld.idx.msk [tilespmem:v60+s28+$0x0], $0xffff;
	v62 =	vadd.s32 $0x380, v36;
	[tilespmem:s31+$0x5080] =	vst v57  }
0x320: {  	v56 =	vadd.s32 $0x380, v37;
	v57 =	vld.idx.msk [tilespmem:v61+s28+$0x0], $0xffff  }
0x321: {  	v58 =	vadd.s32 $0x380, v45;
	_ =	sdelay $0x1  }
0x322: {  	[tilespmem:s1+$0x5100] =	vst v41  }
0x323: {  	[tilespmem:s10+$0x5100] =	vst v63;
	v36 =	vld.idx.msk [tilespmem:v62+s28+$0x0], $0xffff  }
0x324: {  	v37 =	vld.idx.msk [tilespmem:v56+s28+$0x0], $0xffff;
	[tilespmem:s31+$0x5100] =	vst v57  }
0x325: {  	v59 =	vld.idx.msk [tilespmem:v58+s28+$0x0], $0xffff;
	_ =	sdelay $0x2  }
0x326: {  	[tilespmem:s1+$0x5180] =	vst v36  }
0x327: {  	[tilespmem:s10+$0x5180] =	vst v37;
	v36 =	vld.idx.msk [tilespmem:v33+s29+$0x0], $0xffff  }
0x328: {  	v60 =	vadd.s32 $0x80, v33;
	v61 =	vld.idx.msk [tilespmem:v38+s29+$0x0], $0xffff;
	[tilespmem:s31+$0x5180] =	vst v59  }
0x329: {  	v62 =	vadd.s32 $0x80, v38;
	v63 =	vld.idx.msk [tilespmem:v54+s29+$0x0], $0xffff  }
0x32a: {  	v56 =	vadd.s32 $0x80, v54;
	_ =	sdelay $0x1  }
0x32b: {  	[tilespmem:s1+$0x5200] =	vst v36  }
0x32c: {  	[tilespmem:s10+$0x5200] =	vst v61;
	v36 =	vld.idx.msk [tilespmem:v60+s29+$0x0], $0xffff  }
0x32d: {  	v57 =	vadd.s32 $0x100, v33;
	v41 =	vld.idx.msk [tilespmem:v62+s29+$0x0], $0xffff;
	[tilespmem:s31+$0x5200] =	vst v63  }
0x32e: {  	v58 =	vadd.s32 $0x100, v38;
	v48 =	vld.idx.msk [tilespmem:v56+s29+$0x0], $0xffff  }
0x32f: {  	v59 =	vadd.s32 $0x100, v54;
	_ =	sdelay $0x1  }
0x330: {  	[tilespmem:s1+$0x5280] =	vst v36  }
0x331: {  	[tilespmem:s10+$0x5280] =	vst v41;
	v36 =	vld.idx.msk [tilespmem:v57+s29+$0x0], $0xffff  }
0x332: {  	v60 =	vadd.s32 $0x180, v33;
	v41 =	vld.idx.msk [tilespmem:v58+s29+$0x0], $0xffff;
	[tilespmem:s31+$0x5280] =	vst v48  }
0x333: {  	v61 =	vadd.s32 $0x180, v38;
	v48 =	vld.idx.msk [tilespmem:v59+s29+$0x0], $0xffff  }
0x334: {  	v62 =	vadd.s32 $0x180, v54  }
0x335: {  	[tilespmem:s0+$0x5300] =	vst v53  }
0x336: {  	v53 =	vld.idx.msk [tilespmem:v55+s29+$0x0], $0xffff;
	[tilespmem:s1+$0x5300] =	vst v36  }
0x337: {  	v63 =	vadd.s32 $0x200, v29;
	[tilespmem:s10+$0x5300] =	vst v41;
	v37 =	vld.idx.msk [tilespmem:v60+s29+$0x0], $0xffff  }
0x338: {  	v57 =	vadd.s32 $0x200, v33;
	v45 =	vld.idx.msk [tilespmem:v61+s29+$0x0], $0xffff;
	[tilespmem:s31+$0x5300] =	vst v48  }
0x339: {  	v58 =	vadd.s32 $0x200, v38;
	v51 =	vld.idx.msk [tilespmem:v62+s29+$0x0], $0xffff  }
0x33a: {  	v59 =	vadd.s32 $0x200, v54  }
0x33b: {  	[tilespmem:s0+$0x5380] =	vst v53  }
0x33c: {  	v36 =	vld.idx.msk [tilespmem:v63+s29+$0x0], $0xffff;
	[tilespmem:s1+$0x5380] =	vst v37  }
0x33d: {  	v60 =	vadd.s32 $0x280, v29;
	[tilespmem:s10+$0x5380] =	vst v45;
	v41 =	vld.idx.msk [tilespmem:v57+s29+$0x0], $0xffff  }
0x33e: {  	v61 =	vadd.s32 $0x280, v33;
	v48 =	vld.idx.msk [tilespmem:v58+s29+$0x0], $0xffff;
	[tilespmem:s31+$0x5380] =	vst v51  }
0x33f: {  	v62 =	vadd.s32 $0x280, v38;
	v63 =	vld.idx.msk [tilespmem:v59+s29+$0x0], $0xffff  }
0x340: {  	v57 =	vadd.s32 $0x280, v54  }
0x341: {  	[tilespmem:s0+$0x6000] =	vst v36  }
0x342: {  	v36 =	vld.idx.msk [tilespmem:v60+s29+$0x0], $0xffff;
	[tilespmem:s1+$0x6000] =	vst v41  }
0x343: {  	v58 =	vadd.s32 $0x300, v29;
	[tilespmem:s10+$0x6000] =	vst v48;
	v41 =	vld.idx.msk [tilespmem:v61+s29+$0x0], $0xffff  }
0x344: {  	v48 =	vld.idx.msk [tilespmem:v62+s29+$0x0], $0xffff;
	v59 =	vadd.s32 $0x300, v33;
	[tilespmem:s31+$0x6000] =	vst v63  }
0x345: {  	v60 =	vadd.s32 $0x300, v38;
	v53 =	vld.idx.msk [tilespmem:v57+s29+$0x0], $0xffff  }
0x346: {  	v61 =	vadd.s32 $0x300, v54  }
0x347: {  	[tilespmem:s0+$0x6080] =	vst v36  }
0x348: {  	v36 =	vld.idx.msk [tilespmem:v58+s29+$0x0], $0xffff;
	[tilespmem:s1+$0x6080] =	vst v41  }
0x349: {  	v62 =	vadd.s32 $0x380, v29;
	[tilespmem:s10+$0x6080] =	vst v48;
	v63 =	vld.idx.msk [tilespmem:v59+s29+$0x0], $0xffff  }
0x34a: {  	v56 =	vadd.s32 $0x380, v33;
	v57 =	vld.idx.msk [tilespmem:v60+s29+$0x0], $0xffff;
	[tilespmem:s31+$0x6080] =	vst v53  }
0x34b: {  	v58 =	vadd.s32 $0x380, v38;
	v59 =	vld.idx.msk [tilespmem:v61+s29+$0x0], $0xffff  }
0x34c: {  	v60 =	vadd.s32 $0x380, v54  }
0x34d: {  	[tilespmem:s0+$0x6100] =	vst v36  }
0x34e: {  	v29 =	vld.idx.msk [tilespmem:v62+s29+$0x0], $0xffff;
	[tilespmem:s1+$0x6100] =	vst v63  }
0x34f: {  	v33 =	vld.idx.msk [tilespmem:v56+s29+$0x0], $0xffff;
	[tilespmem:s10+$0x6100] =	vst v57  }
0x350: {  	v61 =	vld.idx.msk [tilespmem:v58+s29+$0x0], $0xffff;
	[tilespmem:s31+$0x6100] =	vst v59  }
0x351: {  	v62 =	vld.idx.msk [tilespmem:v60+s29+$0x0], $0xffff;
	_ =	sdelay $0x1  }
0x352: {  	[tilespmem:s0+$0x6180] =	vst v29  }
0x353: {  	v29 =	vld.idx.msk [tilespmem:v24+s30+$0x0], $0xffff;
	[tilespmem:s1+$0x6180] =	vst v33  }
0x354: {  	v63 =	vadd.s32 $0x80, v24;
	v53 =	vld.idx.msk [tilespmem:v30+s30+$0x0], $0xffff;
	[tilespmem:s10+$0x6180] =	vst v61  }
0x355: {  	v54 =	vadd.s32 $0x80, v30;
	v41 =	vld.idx.msk [tilespmem:v35+s30+$0x0], $0xffff;
	[tilespmem:s31+$0x6180] =	vst v62  }
0x356: {  	v55 =	vadd.s32 $0x80, v35;
	v45 =	vld.idx.msk [tilespmem:v40+s30+$0x0], $0xffff  }
0x357: {  	v56 =	vadd.s32 $0x80, v40  }
0x358: {  	[tilespmem:s0+$0x6200] =	vst v29  }
0x359: {  	v29 =	vld.idx.msk [tilespmem:v63+s30+$0x0], $0xffff;
	[tilespmem:s1+$0x6200] =	vst v53  }
0x35a: {  	v57 =	vadd.s32 $0x100, v24;
	v36 =	vld.idx.msk [tilespmem:v54+s30+$0x0], $0xffff;
	[tilespmem:s10+$0x6200] =	vst v41  }
0x35b: {  	v58 =	vadd.s32 $0x100, v30;
	v37 =	vld.idx.msk [tilespmem:v55+s30+$0x0], $0xffff;
	[tilespmem:s31+$0x6200] =	vst v45  }
0x35c: {  	v59 =	vadd.s32 $0x100, v35;
	v45 =	vld.idx.msk [tilespmem:v56+s30+$0x0], $0xffff  }
0x35d: {  	v60 =	vadd.s32 $0x100, v40  }
0x35e: {  	[tilespmem:s0+$0x6280] =	vst v29  }
0x35f: {  	v29 =	vld.idx.msk [tilespmem:v57+s30+$0x0], $0xffff;
	[tilespmem:s1+$0x6280] =	vst v36  }
0x360: {  	v61 =	vadd.s32 $0x180, v24;
	v36 =	vld.idx.msk [tilespmem:v58+s30+$0x0], $0xffff;
	[tilespmem:s10+$0x6280] =	vst v37  }
0x361: {  	v62 =	vadd.s32 $0x180, v30;
	v63 =	vld.idx.msk [tilespmem:v59+s30+$0x0], $0xffff;
	[tilespmem:s31+$0x6280] =	vst v45  }
0x362: {  	v53 =	vadd.s32 $0x180, v35;
	v45 =	vld.idx.msk [tilespmem:v60+s30+$0x0], $0xffff  }
0x363: {  	v54 =	vadd.s32 $0x180, v40  }
0x364: {  	[tilespmem:s0+$0x6300] =	vst v29  }
0x365: {  	v29 =	vld.idx.msk [tilespmem:v61+s30+$0x0], $0xffff;
	[tilespmem:s1+$0x6300] =	vst v36  }
0x366: {  	v55 =	vadd.s32 $0x200, v24;
	v36 =	vld.idx.msk [tilespmem:v62+s30+$0x0], $0xffff;
	[tilespmem:s10+$0x6300] =	vst v63  }
0x367: {  	v56 =	vadd.s32 $0x200, v30;
	v38 =	vld.idx.msk [tilespmem:v53+s30+$0x0], $0xffff;
	[tilespmem:s31+$0x6300] =	vst v45  }
0x368: {  	v57 =	vadd.s32 $0x200, v35;
	v45 =	vld.idx.msk [tilespmem:v54+s30+$0x0], $0xffff  }
0x369: {  	v58 =	vadd.s32 $0x200, v40  }
0x36a: {  	[tilespmem:s0+$0x6380] =	vst v29  }
0x36b: {  	v29 =	vld.idx.msk [tilespmem:v55+s30+$0x0], $0xffff;
	[tilespmem:s1+$0x6380] =	vst v36  }
0x36c: {  	v59 =	vadd.s32 $0x280, v24;
	v60 =	vld.idx.msk [tilespmem:v56+s30+$0x0], $0xffff;
	[tilespmem:s10+$0x6380] =	vst v38  }
0x36d: {  	v61 =	vadd.s32 $0x280, v30;
	v62 =	vld.idx.msk [tilespmem:v57+s30+$0x0], $0xffff;
	[tilespmem:s31+$0x6380] =	vst v45  }
0x36e: {  	v63 =	vadd.s32 $0x280, v35;
	v45 =	vld.idx.msk [tilespmem:v58+s30+$0x0], $0xffff  }
0x36f: {  	v48 =	vadd.s32 $0x280, v40  }
0x370: {  	v51 =	vld.idx.msk [tilespmem:v52+s30+$0x0], $0xffff;
	[tilespmem:s0+$0x7000] =	vst v29  }
0x371: {  	v24 =	vld.idx.msk [tilespmem:v59+s30+$0x0], $0xffff;
	[tilespmem:s1+$0x7000] =	vst v60  }
0x372: {  	v52 =	vld.idx.msk [tilespmem:v61+s30+$0x0], $0xffff;
	[tilespmem:s10+$0x7000] =	vst v62  }
0x373: {  	v53 =	vld.idx.msk [tilespmem:v63+s30+$0x0], $0xffff;
	[tilespmem:s31+$0x7000] =	vst v45  }
0x374: {  	v54 =	vld.idx.msk [tilespmem:v48+s30+$0x0], $0xffff  }
0x375: {  	[tilespmem:s24+$0x7080] =	vst v51  }
0x376: {  	v55 =	vld.idx.msk [tilespmem:v18+s5+$0x0], $0xffff;
	[tilespmem:s0+$0x7080] =	vst v24  }
0x377: {  	v56 =	vadd.s32 $0x80, v18;
	v57 =	vld.idx.msk [tilespmem:v23+s5+$0x0], $0xffff;
	[tilespmem:s1+$0x7080] =	vst v52  }
0x378: {  	v58 =	vadd.s32 $0x80, v23;
	v59 =	vld.idx.msk [tilespmem:v27+s5+$0x0], $0xffff;
	[tilespmem:s10+$0x7080] =	vst v53  }
0x379: {  	v60 =	vadd.s32 $0x80, v27;
	v61 =	vld.idx.msk [tilespmem:v32+s5+$0x0], $0xffff;
	[tilespmem:s31+$0x7080] =	vst v54  }
0x37a: {  	v62 =	vadd.s32 $0x80, v32;
	v63 =	vld.idx.msk [tilespmem:v39+s5+$0x0], $0xffff  }
0x37b: {  	[tilespmem:s24+$0x7100] =	vst v55;
	v45 =	vadd.s32 $0x80, v39  }
0x37c: {  	v24 =	vld.idx.msk [tilespmem:v56+s5+$0x0], $0xffff;
	[tilespmem:s0+$0x7100] =	vst v57  }
0x37d: {  	v29 =	vld.idx.msk [tilespmem:v58+s5+$0x0], $0xffff;
	v48 =	vadd.s32 $0x100, v18;
	[tilespmem:s1+$0x7100] =	vst v59  }
0x37e: {  	v51 =	vadd.s32 $0x100, v23;
	v30 =	vld.idx.msk [tilespmem:v60+s5+$0x0], $0xffff;
	[tilespmem:s10+$0x7100] =	vst v61  }
0x37f: {  	v52 =	vadd.s32 $0x100, v27;
	v33 =	vld.idx.msk [tilespmem:v62+s5+$0x0], $0xffff;
	[tilespmem:s31+$0x7100] =	vst v63  }
0x380: {  	v53 =	vadd.s32 $0x100, v32;
	v35 =	vld.idx.msk [tilespmem:v45+s5+$0x0], $0xffff  }
0x381: {  	[tilespmem:s24+$0x7180] =	vst v24;
	v54 =	vadd.s32 $0x100, v39  }
0x382: {  	[tilespmem:s0+$0x7180] =	vst v29;
	v36 =	vld.idx.msk [tilespmem:v48+s5+$0x0], $0xffff  }
0x383: {  	v55 =	vadd.s32 $0x180, v18;
	v37 =	vld.idx.msk [tilespmem:v51+s5+$0x0], $0xffff;
	[tilespmem:s1+$0x7180] =	vst v30  }
0x384: {  	v56 =	vadd.s32 $0x180, v23;
	v38 =	vld.idx.msk [tilespmem:v52+s5+$0x0], $0xffff;
	[tilespmem:s10+$0x7180] =	vst v33  }
0x385: {  	v57 =	vadd.s32 $0x180, v27;
	v40 =	vld.idx.msk [tilespmem:v53+s5+$0x0], $0xffff;
	[tilespmem:s31+$0x7180] =	vst v35  }
0x386: {  	v58 =	vadd.s32 $0x180, v32;
	v24 =	vld.idx.msk [tilespmem:v54+s5+$0x0], $0xffff  }
0x387: {  	v59 =	vadd.s32 $0x180, v39;
	[tilespmem:s24+$0x7200] =	vst v36  }
0x388: {  	[tilespmem:s0+$0x7200] =	vst v37;
	v29 =	vld.idx.msk [tilespmem:v55+s5+$0x0], $0xffff  }
0x389: {  	v60 =	vadd.s32 $0x200, v18;
	v30 =	vld.idx.msk [tilespmem:v56+s5+$0x0], $0xffff;
	[tilespmem:s1+$0x7200] =	vst v38  }
0x38a: {  	v61 =	vadd.s32 $0x200, v23;
	v33 =	vld.idx.msk [tilespmem:v57+s5+$0x0], $0xffff;
	[tilespmem:s10+$0x7200] =	vst v40  }
0x38b: {  	v62 =	vadd.s32 $0x200, v27;
	v35 =	vld.idx.msk [tilespmem:v58+s5+$0x0], $0xffff;
	[tilespmem:s31+$0x7200] =	vst v24  }
0x38c: {  	v63 =	vadd.s32 $0x200, v32;
	v36 =	vld.idx.msk [tilespmem:v59+s5+$0x0], $0xffff  }
0x38d: {  	v41 =	vadd.s32 $0x200, v39;
	[tilespmem:s24+$0x7280] =	vst v29  }
0x38e: {  	[tilespmem:s0+$0x7280] =	vst v30;
	v37 =	vld.idx.msk [tilespmem:v60+s5+$0x0], $0xffff  }
0x38f: {  	v45 =	vadd.s32 $0x280, v18;
	v30 =	vld.idx.msk [tilespmem:v61+s5+$0x0], $0xffff;
	[tilespmem:s1+$0x7280] =	vst v33  }
0x390: {  	v48 =	vadd.s32 $0x280, v23;
	v33 =	vld.idx.msk [tilespmem:v62+s5+$0x0], $0xffff;
	[tilespmem:s10+$0x7280] =	vst v35  }
0x391: {  	v51 =	vadd.s32 $0x280, v27;
	v24 =	vld.idx.msk [tilespmem:v63+s5+$0x0], $0xffff;
	[tilespmem:s31+$0x7280] =	vst v36  }
0x392: {  	v52 =	vadd.s32 $0x280, v32;
	v29 =	vld.idx.msk [tilespmem:v41+s5+$0x0], $0xffff  }
0x393: {  	v53 =	vadd.s32 $0x280, v39;
	[tilespmem:s24+$0x7300] =	vst v37  }
0x394: {  	[tilespmem:s0+$0x7300] =	vst v30;
	v18 =	vld.idx.msk [tilespmem:v45+s5+$0x0], $0xffff  }
0x395: {  	v23 =	vld.idx.msk [tilespmem:v48+s5+$0x0], $0xffff;
	[tilespmem:s1+$0x7300] =	vst v33  }
0x396: {  	v27 =	vld.idx.msk [tilespmem:v51+s5+$0x0], $0xffff;
	[tilespmem:s10+$0x7300] =	vst v24  }
0x397: {  	v24 =	vld.idx.msk [tilespmem:v52+s5+$0x0], $0xffff;
	[tilespmem:s31+$0x7300] =	vst v29  }
0x398: {  	v29 =	vld.idx.msk [tilespmem:v53+s5+$0x0], $0xffff  }
0x399: {  	[tilespmem:s24+$0x7380] =	vst v18  }
0x39a: {  	[tilespmem:s0+$0x7380] =	vst v23;
	v18 =	vld.idx.msk [tilespmem:v17+s6+$0x0], $0xffff  }
0x39b: {  	v54 =	vadd.s32 $0x80, v17;
	v30 =	vld.idx.msk [tilespmem:v19+s6+$0x0], $0xffff;
	[tilespmem:s1+$0x7380] =	vst v27  }
0x39c: {  	v55 =	vadd.s32 $0x80, v19;
	v56 =	vld.idx.msk [tilespmem:v25+s6+$0x0], $0xffff;
	[tilespmem:s10+$0x7380] =	vst v24  }
0x39d: {  	v57 =	vadd.s32 $0x80, v25;
	v58 =	vld.idx.msk [tilespmem:v34+s6+$0x0], $0xffff;
	[tilespmem:s31+$0x7380] =	vst v29  }
0x39e: {  	v59 =	vadd.s32 $0x80, v34;
	v60 =	vld.idx.msk [tilespmem:v49+s6+$0x0], $0xffff  }
0x39f: {  	v61 =	vadd.s32 $0x80, v49;
	[tilespmem:s24+$0x8000] =	vst v18  }
0x3a0: {  	v13 =	vadd.s32 $0x80, v13;
	[tilespmem:s0+$0x8000] =	vst v30;
	v23 =	vld.idx.msk [tilespmem:v54+s6+$0x0], $0xffff  }
0x3a1: {  	v62 =	vadd.s32 $0x100, v17;
	v27 =	vld.idx.msk [tilespmem:v55+s6+$0x0], $0xffff;
	[tilespmem:s1+$0x8000] =	vst v56  }
0x3a2: {  	v63 =	vadd.s32 $0x100, v19;
	v24 =	vld.idx.msk [tilespmem:v57+s6+$0x0], $0xffff;
	[tilespmem:s10+$0x8000] =	vst v58  }
0x3a3: {  	v36 =	vadd.s32 $0x100, v25;
	v29 =	vld.idx.msk [tilespmem:v59+s6+$0x0], $0xffff;
	[tilespmem:s31+$0x8000] =	vst v60  }
0x3a4: {  	[tilespmem:s3+$0x9300] =	vst v50;
	v37 =	vadd.s32 $0x100, v34;
	v18 =	vld.idx.msk [tilespmem:v61+s6+$0x0], $0xffff  }
0x3a5: {  	v13 =	vld.idx.msk [tilespmem:v13+s9+$0x0], $0xffff;
	v38 =	vadd.s32 $0x100, v49;
	[tilespmem:s24+$0x8080] =	vst v23  }
0x3a6: {  	[tilespmem:s0+$0x8080] =	vst v27;
	v30 =	vld.idx.msk [tilespmem:v62+s6+$0x0], $0xffff  }
0x3a7: {  	v39 =	vadd.s32 $0x180, v17;
	v32 =	vld.idx.msk [tilespmem:v63+s6+$0x0], $0xffff;
	[tilespmem:s1+$0x8080] =	vst v24  }
0x3a8: {  	v40 =	vadd.s32 $0x180, v19;
	v33 =	vld.idx.msk [tilespmem:v36+s6+$0x0], $0xffff;
	[tilespmem:s10+$0x8080] =	vst v29  }
0x3a9: {  	v41 =	vadd.s32 $0x180, v25;
	v35 =	vld.idx.msk [tilespmem:v37+s6+$0x0], $0xffff;
	[tilespmem:s31+$0x8080] =	vst v18  }
0x3aa: {  	[tilespmem:s3+$0x9380] =	vst v13;
	v45 =	vadd.s32 $0x180, v34;
	v18 =	vld.idx.msk [tilespmem:v38+s6+$0x0], $0xffff  }
0x3ab: {  	v48 =	vadd.s32 $0x180, v49;
	[tilespmem:s24+$0x8100] =	vst v30  }
0x3ac: {  	[tilespmem:s0+$0x8100] =	vst v32;
	v27 =	vld.idx.msk [tilespmem:v39+s6+$0x0], $0xffff  }
0x3ad: {  	v50 =	vadd.s32 $0x200, v17;
	v24 =	vld.idx.msk [tilespmem:v40+s6+$0x0], $0xffff;
	[tilespmem:s1+$0x8100] =	vst v33  }
0x3ae: {  	v51 =	vadd.s32 $0x200, v19;
	v29 =	vld.idx.msk [tilespmem:v41+s6+$0x0], $0xffff;
	[tilespmem:s10+$0x8100] =	vst v35  }
0x3af: {  	v52 =	vadd.s32 $0x200, v25;
	v13 =	vld.idx.msk [tilespmem:v45+s6+$0x0], $0xffff;
	[tilespmem:s31+$0x8100] =	vst v18  }
0x3b0: {  	[tilespmem:s23+$0x8180] =	vst v46;
	v53 =	vadd.s32 $0x200, v34;
	v23 =	vld.idx.msk [tilespmem:v48+s6+$0x0], $0xffff  }
0x3b1: {  	v54 =	vld.idx.msk [tilespmem:v47+s6+$0x0], $0xffff;
	v55 =	vadd.s32 $0x200, v49;
	[tilespmem:s24+$0x8180] =	vst v27  }
0x3b2: {  	v12 =	vadd.s32 $0x280, v12;
	[tilespmem:s0+$0x8180] =	vst v24;
	v30 =	vld.idx.msk [tilespmem:v50+s6+$0x0], $0xffff  }
0x3b3: {  	v56 =	vadd.s32 $0x280, v17;
	v24 =	vld.idx.msk [tilespmem:v51+s6+$0x0], $0xffff;
	[tilespmem:s1+$0x8180] =	vst v29  }
0x3b4: {  	v57 =	vadd.s32 $0x280, v19;
	v29 =	vld.idx.msk [tilespmem:v52+s6+$0x0], $0xffff;
	[tilespmem:s10+$0x8180] =	vst v13  }
0x3b5: {  	v58 =	vadd.s32 $0x280, v25;
	v18 =	vld.idx.msk [tilespmem:v53+s6+$0x0], $0xffff;
	[tilespmem:s31+$0x8180] =	vst v23  }
0x3b6: {  	[tilespmem:s23+$0x8200] =	vst v54;
	v59 =	vadd.s32 $0x280, v34;
	v60 =	vld.idx.msk [tilespmem:v55+s6+$0x0], $0xffff  }
0x3b7: {  	v12 =	vld.idx.msk [tilespmem:v12+s6+$0x0], $0xffff;
	v61 =	vadd.s32 $0x280, v49;
	[tilespmem:s24+$0x8200] =	vst v30  }
0x3b8: {  	[tilespmem:s0+$0x8200] =	vst v24;
	v17 =	vld.idx.msk [tilespmem:v56+s6+$0x0], $0xffff  }
0x3b9: {  	v19 =	vld.idx.msk [tilespmem:v57+s6+$0x0], $0xffff;
	[tilespmem:s1+$0x8200] =	vst v29  }
0x3ba: {  	v13 =	vld.idx.msk [tilespmem:v58+s6+$0x0], $0xffff;
	[tilespmem:s10+$0x8200] =	vst v18  }
0x3bb: {  	v18 =	vld.idx.msk [tilespmem:v59+s6+$0x0], $0xffff;
	[tilespmem:s31+$0x8200] =	vst v60  }
0x3bc: {  	[tilespmem:s23+$0x8280] =	vst v12;
	v62 =	vld.idx.msk [tilespmem:v61+s6+$0x0], $0xffff  }
0x3bd: {  	v63 =	vld.idx.msk [tilespmem:v8+s14+$0x0], $0xffff;
	[tilespmem:s24+$0x8280] =	vst v17  }
0x3be: {  	v32 =	vadd.s32 $0x80, v8;
	[tilespmem:s0+$0x8280] =	vst v19;
	v33 =	vld.idx.msk [tilespmem:v11+s14+$0x0], $0xffff  }
0x3bf: {  	v34 =	vadd.s32 $0x80, v11;
	v35 =	vld.idx.msk [tilespmem:v15+s14+$0x0], $0xffff;
	[tilespmem:s1+$0x8280] =	vst v13  }
0x3c0: {  	v36 =	vadd.s32 $0x80, v15;
	v37 =	vld.idx.msk [tilespmem:v20+s14+$0x0], $0xffff;
	[tilespmem:s10+$0x8280] =	vst v18  }
0x3c1: {  	v38 =	vadd.s32 $0x80, v20;
	v39 =	vld.idx.msk [tilespmem:v26+s14+$0x0], $0xffff;
	[tilespmem:s31+$0x8280] =	vst v62  }
0x3c2: {  	v40 =	vadd.s32 $0x80, v26;
	[tilespmem:s23+$0x8300] =	vst v63;
	v41 =	vld.idx.msk [tilespmem:v44+s14+$0x0], $0xffff  }
0x3c3: {  	v45 =	vadd.s32 $0x80, v44;
	v17 =	vld.idx.msk [tilespmem:v32+s14+$0x0], $0xffff;
	[tilespmem:s24+$0x8300] =	vst v33  }
0x3c4: {  	v46 =	vadd.s32 $0x100, v8;
	[tilespmem:s0+$0x8300] =	vst v35;
	v19 =	vld.idx.msk [tilespmem:v34+s14+$0x0], $0xffff  }
0x3c5: {  	v47 =	vadd.s32 $0x100, v11;
	v13 =	vld.idx.msk [tilespmem:v36+s14+$0x0], $0xffff;
	[tilespmem:s1+$0x8300] =	vst v37  }
0x3c6: {  	v48 =	vadd.s32 $0x100, v15;
	v18 =	vld.idx.msk [tilespmem:v38+s14+$0x0], $0xffff;
	[tilespmem:s10+$0x8300] =	vst v39  }
0x3c7: {  	v49 =	vadd.s32 $0x100, v20;
	v12 =	vld.idx.msk [tilespmem:v40+s14+$0x0], $0xffff;
	[tilespmem:s31+$0x8300] =	vst v41  }
0x3c8: {  	v50 =	vadd.s32 $0x100, v26;
	[tilespmem:s23+$0x8380] =	vst v17;
	v23 =	vld.idx.msk [tilespmem:v45+s14+$0x0], $0xffff  }
0x3c9: {  	v52 =	vadd.s32 $0x100, v44;
	v51 =	vld.idx.msk [tilespmem:v46+s14+$0x0], $0xffff;
	[tilespmem:s24+$0x8380] =	vst v19  }
0x3ca: {  	v53 =	vadd.s32 $0x180, v8;
	[tilespmem:s0+$0x8380] =	vst v13;
	v25 =	vld.idx.msk [tilespmem:v47+s14+$0x0], $0xffff  }
0x3cb: {  	v54 =	vadd.s32 $0x180, v11;
	v27 =	vld.idx.msk [tilespmem:v48+s14+$0x0], $0xffff;
	[tilespmem:s1+$0x8380] =	vst v18  }
0x3cc: {  	v55 =	vadd.s32 $0x180, v15;
	v29 =	vld.idx.msk [tilespmem:v49+s14+$0x0], $0xffff;
	[tilespmem:s10+$0x8380] =	vst v12  }
0x3cd: {  	v56 =	vadd.s32 $0x180, v20;
	v17 =	vld.idx.msk [tilespmem:v50+s14+$0x0], $0xffff;
	[tilespmem:s31+$0x8380] =	vst v23  }
0x3ce: {  	v57 =	vadd.s32 $0x180, v26;
	[tilespmem:s23+$0x9000] =	vst v51;
	v19 =	vld.idx.msk [tilespmem:v52+s14+$0x0], $0xffff  }
0x3cf: {  	v58 =	vadd.s32 $0x180, v44;
	v24 =	vld.idx.msk [tilespmem:v53+s14+$0x0], $0xffff;
	[tilespmem:s24+$0x9000] =	vst v25  }
0x3d0: {  	v59 =	vadd.s32 $0x200, v8;
	[tilespmem:s0+$0x9000] =	vst v27;
	v13 =	vld.idx.msk [tilespmem:v54+s14+$0x0], $0xffff  }
0x3d1: {  	v60 =	vadd.s32 $0x200, v11;
	v18 =	vld.idx.msk [tilespmem:v55+s14+$0x0], $0xffff;
	[tilespmem:s1+$0x9000] =	vst v29  }
0x3d2: {  	v61 =	vadd.s32 $0x200, v15;
	v12 =	vld.idx.msk [tilespmem:v56+s14+$0x0], $0xffff;
	[tilespmem:s10+$0x9000] =	vst v17  }
0x3d3: {  	v62 =	vadd.s32 $0x200, v20;
	v23 =	vld.idx.msk [tilespmem:v57+s14+$0x0], $0xffff;
	[tilespmem:s31+$0x9000] =	vst v19  }
0x3d4: {  	v63 =	vadd.s32 $0x200, v26;
	[tilespmem:s23+$0x9080] =	vst v24;
	v32 =	vld.idx.msk [tilespmem:v58+s14+$0x0], $0xffff  }
0x3d5: {  	v34 =	vadd.s32 $0x200, v44;
	v33 =	vld.idx.msk [tilespmem:v59+s14+$0x0], $0xffff;
	[tilespmem:s24+$0x9080] =	vst v13  }
0x3d6: {  	v35 =	vadd.s32 $0x280, v8;
	[tilespmem:s0+$0x9080] =	vst v18;
	v27 =	vld.idx.msk [tilespmem:v60+s14+$0x0], $0xffff  }
0x3d7: {  	v36 =	vadd.s32 $0x280, v11;
	v18 =	vld.idx.msk [tilespmem:v61+s14+$0x0], $0xffff;
	[tilespmem:s1+$0x9080] =	vst v12  }
0x3d8: {  	v37 =	vadd.s32 $0x280, v15;
	v38 =	vld.idx.msk [tilespmem:v62+s14+$0x0], $0xffff;
	[tilespmem:s10+$0x9080] =	vst v23  }
0x3d9: {  	v39 =	vadd.s32 $0x280, v20;
	v19 =	vld.idx.msk [tilespmem:v63+s14+$0x0], $0xffff;
	[tilespmem:s31+$0x9080] =	vst v32  }
0x3da: {  	v40 =	vadd.s32 $0x280, v26;
	[tilespmem:s23+$0x9100] =	vst v33;
	v13 =	vld.idx.msk [tilespmem:v34+s14+$0x0], $0xffff  }
0x3db: {  	v41 =	vadd.s32 $0x280, v44;
	v8 =	vld.idx.msk [tilespmem:v35+s14+$0x0], $0xffff;
	[tilespmem:s24+$0x9100] =	vst v27  }
0x3dc: {  	[tilespmem:s0+$0x9100] =	vst v18;
	v11 =	vld.idx.msk [tilespmem:v36+s14+$0x0], $0xffff  }
0x3dd: {  	v12 =	vld.idx.msk [tilespmem:v37+s14+$0x0], $0xffff;
	[tilespmem:s1+$0x9100] =	vst v38  }
0x3de: {  	v15 =	vld.idx.msk [tilespmem:v39+s14+$0x0], $0xffff;
	[tilespmem:s10+$0x9100] =	vst v19  }
0x3df: {  	v44 =	vld.idx.msk [tilespmem:v40+s14+$0x0], $0xffff;
	[tilespmem:s31+$0x9100] =	vst v13  }
0x3e0: {  	[tilespmem:s23+$0x9180] =	vst v8;
	v45 =	vld.idx.msk [tilespmem:v41+s14+$0x0], $0xffff  }
0x3e1: {  	v46 =	vld.idx.msk [tilespmem:v7+s8+$0x0], $0xffff;
	[tilespmem:s24+$0x9180] =	vst v11  }
0x3e2: {  	v7 =	vadd.s32 $0x80, v7;
	[tilespmem:s0+$0x9180] =	vst v12;
	v11 =	vld.idx.msk [tilespmem:v10+s8+$0x0], $0xffff  }
0x3e3: {  	v47 =	vadd.s32 $0x80, v10;
	v12 =	vld.idx.msk [tilespmem:v16+s8+$0x0], $0xffff;
	[tilespmem:s1+$0x9180] =	vst v15  }
0x3e4: {  	v48 =	vadd.s32 $0x80, v16;
	v49 =	vld.idx.msk [tilespmem:v22+s8+$0x0], $0xffff;
	[tilespmem:s10+$0x9180] =	vst v44  }
0x3e5: {  	v50 =	vadd.s32 $0x80, v22;
	v51 =	vld.idx.msk [tilespmem:v28+s8+$0x0], $0xffff;
	[tilespmem:s31+$0x9180] =	vst v45  }
0x3e6: {  	v52 =	vadd.s32 $0x80, v28;
	[tilespmem:s23+$0x9200] =	vst v46;
	v53 =	vld.idx.msk [tilespmem:v43+s8+$0x0], $0xffff  }
0x3e7: {  	v54 =	vadd.s32 $0x80, v43;
	v7 =	vld.idx.msk [tilespmem:v7+s8+$0x0], $0xffff;
	[tilespmem:s24+$0x9200] =	vst v11  }
0x3e8: {  	[tilespmem:s0+$0x9200] =	vst v12;
	v10 =	vld.idx.msk [tilespmem:v47+s8+$0x0], $0xffff  }
0x3e9: {  	v12 =	vld.idx.msk [tilespmem:v48+s8+$0x0], $0xffff;
	[tilespmem:s1+$0x9200] =	vst v49  }
0x3ea: {  	v55 =	vld.idx.msk [tilespmem:v50+s8+$0x0], $0xffff;
	[tilespmem:s10+$0x9200] =	vst v51  }
0x3eb: {  	v8 =	vld.idx.msk [tilespmem:v52+s8+$0x0], $0xffff;
	[tilespmem:s31+$0x9200] =	vst v53  }
0x3ec: {  	[tilespmem:s23+$0x9280] =	vst v7;
	v7 =	vld.idx.msk [tilespmem:v54+s8+$0x0], $0xffff  }
0x3ed: {  	v56 =	vld.idx.msk [tilespmem:v6+s9+$0x0], $0xffff;
	[tilespmem:s24+$0x9280] =	vst v10  }
0x3ee: {  	v6 =	vadd.s32 $0x80, v6;
	[tilespmem:s0+$0x9280] =	vst v12;
	v10 =	vld.idx.msk [tilespmem:v9+s9+$0x0], $0xffff  }
0x3ef: {  	v57 =	vadd.s32 $0x80, v9;
	v12 =	vld.idx.msk [tilespmem:v14+s9+$0x0], $0xffff;
	[tilespmem:s1+$0x9280] =	vst v55  }
0x3f0: {  	v58 =	vadd.s32 $0x80, v14;
	v59 =	vld.idx.msk [tilespmem:v21+s9+$0x0], $0xffff;
	[tilespmem:s10+$0x9280] =	vst v8  }
0x3f1: {  	v60 =	vadd.s32 $0x80, v21;
	v61 =	vld.idx.msk [tilespmem:v31+s9+$0x0], $0xffff;
	[tilespmem:s31+$0x9280] =	vst v7  }
0x3f2: {  	[tilespmem:s23+$0x9300] =	vst v56;
	v7 =	vadd.s32 $0x80, v31;
	v62 =	vld.idx.msk [tilespmem:v42+s9+$0x0], $0xffff  }
0x3f3: {  	v63 =	vadd.s32 $0x80, v42;
	v6 =	vld.idx.msk [tilespmem:v6+s9+$0x0], $0xffff;
	[tilespmem:s24+$0x9300] =	vst v10  }
0x3f4: {  	[tilespmem:s0+$0x9300] =	vst v12;
	v9 =	vld.idx.msk [tilespmem:v57+s9+$0x0], $0xffff  }
0x3f5: {  	v12 =	vld.idx.msk [tilespmem:v58+s9+$0x0], $0xffff;
	[tilespmem:s1+$0x9300] =	vst v59  }
0x3f6: {  	v8 =	vld.idx.msk [tilespmem:v60+s9+$0x0], $0xffff;
	[tilespmem:s10+$0x9300] =	vst v61  }
0x3f7: {  	v7 =	vld.idx.msk [tilespmem:v7+s9+$0x0], $0xffff;
	[tilespmem:s31+$0x9300] =	vst v62  }
0x3f8: {  	[tilespmem:s23+$0x9380] =	vst v6;
	v6 =	vld.idx.msk [tilespmem:v63+s9+$0x0], $0xffff  }
0x3f9: {  	[tilespmem:s24+$0x9380] =	vst v9  }
0x3fa: {  	[tilespmem:s0+$0x9380] =	vst v12  }
0x3fb: {  	[tilespmem:s1+$0x9380] =	vst v8  }
0x3fc: {  	[tilespmem:s10+$0x9380] =	vst v7  }
0x3fd: {  	[tilespmem:s31+$0x9380] =	vst v6  }
0x3fe: {  	_ =	strace $0x9000004A  }
0x3ff: {  	s15 =	simm.s32 $0x1000;
	s16 =	simm.s32 $0x20000;
	_ =	strace $0x8000004B  }
0x400: {  	s23 =	simm.s32 $0x2000;
	s24 =	simm.s32 $0x2;
	s13 =	rddreg [dreg:$0x19]  }
0x401: {  	[hbm4b:s13+s15] =	stream.strided.scatter [tilespmem:s23], [sflag:$0x2], $0x8000, s16, s15, $0x200038;
	[tilespmem:$0xD200] =	vst v63  }
0x402: {  	_ =	swait.ge [sflag:s24], $0x8000  }
0x403: {  	s11 =	sadd.s32 $0x1, s11;
	s31 =	rddreg [dreg:$0x1a]  }
0x404: {  	p0 =	sne.s32 s11, s31  }
.Ltmp1:
0x405: {  	_ = 	snop;
	(pc) =	sbr.rel @p0 .LBB3_1-.Ltmp1, $4  }
0x406: {  	_ = 	snop  }
0x407: {  	[sflag:s24] =	ssyncset.done $0x0  }
0x408: {  	[sflag:s24] =	ssyncadd.s32 $0xFFFF8000  }
0x409: {  	_ =	strace $0x9000004B  }
0x40a: {  	_ =	sfence.sel $0x180000  }
0x40b: {  	[bflag:$0x0] =	sbarrier.arrive $0xFFFF  }
0x40c: {  	_ =	strace $0x90000047  }
0x40d: {  	s0 =	stileid.u32;
	[bflag:$0x2] =	sbarrier.arrive $0xFFFF  }
0x40e: {  	p0 =	sne.s32 s0, $0x0;
	s0 =	rddreg [dreg:$0x16]  }
0x40f: {  	s0 =	sadd.s32 @!p0 $0x100000, s0  }
0x410: {  	[sflag:s0] =	ssyncadd.tile.s32 @!p0 $0x1;
	_ =	shalt  }
.Lfunc_end3:
_tile_overlayer_lowered:
.L_overlay_start_3:
0x411: {  	(tag) =	ssettag $0x3  }
0x412: {  	s0 =	rddreg [dreg:$0x0];
	s2 =	stileid.u32  }
0x413: {  	s1 =	rddreg [dreg:$0x1];
	p0 =	sne.s32 s2, $0x0  }
0x414: {  	s3 =	rddreg [dreg:$0x2];
	[bflag:$0x3] =	sbarrier.arrive $0xFFFF;
	s2 =	simm.s32 @!p0 $0x1C02  }
0x415: {  	[timem:s3], [sflag:s2] =	dma.local @!p0 [hbm:s0], s1  }
0x416: {  	s0 =	simm.s32 @!p0 $0x2  }
0x417: {  	_ =	swait.ge @!p0 [sflag:s0], s1  }
0x418: {  	s1 =	ssub.s32 @!p0 $0x0, s1;
	[sflag:s0] =	ssyncset.done @!p0 $0x0  }
0x419: {  	[sflag:s0] =	ssyncadd.s32 @!p0 s1  }
0x41a: {  	[bflag:$0x3] =	sbarrier.arrive $0xFFFF  }
0x41b: {  	_ =	shalt  }

</sc_bundles>
